<compile_context>
chip_gen: v7x
topology: tpu7x:2x2x1
jax: 0.10.2.dev20260603
libtpu: 0.0.44.dev20260713+nightly
codegen_flags: <defaults>
</compile_context>

<pallas_src>
import functools

import jax
import jax.numpy as jnp
from jax import lax
from jax.experimental import pallas as pl
from jax.experimental.pallas import tpu as pltpu
from jax.experimental.pallas import tpu_sc as plsc

N_NODES = 10000
N_EDGES = 320000
D = 128
DE = 16

NBLK = 1000
EBLK = 2000

NC = 2
NS = 16
NW = NC * NS
EPW = N_EDGES // NW
CG = 80
NP = 10112
NSL = NP // NS


def _silu(x):
    return x * jax.nn.sigmoid(x)


def _dot_t(x, w):
    return lax.dot_general(x.astype(jnp.bfloat16), w.astype(jnp.bfloat16),
                           (((1,), (1,)), ((), ())),
                           preferred_element_type=jnp.float32)


def _bf(x):
    return x.astype(jnp.bfloat16).astype(jnp.float32)


def _pre_body(h_ref, a1_ref, b1_ref, ha_ref, hb_ref):
    h = h_ref[...]
    ha_ref[...] = _dot_t(h, a1_ref[...])
    hb_ref[...] = _dot_t(h, b1_ref[...])


def _tc_pre(h, A1, B1):
    grid = (N_NODES // NBLK,)
    blk = pl.BlockSpec((NBLK, D), lambda i: (i, 0))
    wblk = pl.BlockSpec((D, D), lambda i: (0, 0))
    return pl.pallas_call(
        _pre_body,
        grid=grid,
        in_specs=[blk, wblk, wblk],
        out_specs=[blk, blk],
        out_shape=[jax.ShapeDtypeStruct((N_NODES, D), jnp.float32)] * 2,
    )(h, A1, B1)


def _edge_body(har_ref, hbc_ref, ea_ref, cdr_ref,
               c1t_ref, wr_ref, c1_ref, w2_ref, b2_ref, ae1_ref, cae_ref,
               ae2_ref, ef_ref, tr_ref):
    cdr = cdr_ref[...]
    rad = cdr[:, 3:4]
    ea = ea_ref[...]
    c1t = c1t_ref[...]
    t_ea = _bf(ea[:, 0:1]) * _bf(c1t[0:1, :])
    for k in range(1, DE):
        t_ea = t_ea + _bf(ea[:, k:k + 1]) * _bf(c1t[k:k + 1, :])
    t1 = (har_ref[...] + hbc_ref[...] + t_ea
          + _bf(rad) * wr_ref[...] + c1_ref[...])
    t1 = _silu(t1)
    ef = _silu(_dot_t(t1, w2_ref[...]) + b2_ref[...])
    g = _silu(_dot_t(ef, ae1_ref[...]) + cae_ref[...])
    ae = jnp.sum(_bf(g) * _bf(ae2_ref[...]), axis=1, keepdims=True)
    inv = 1.0 / jnp.maximum(jnp.sqrt(rad), 1e-12)
    ef_ref[...] = ef
    tr4 = cdr * (ae * inv)
    tr_ref[...] = jnp.concatenate(
        [tr4, jnp.zeros((tr4.shape[0], D - 4), jnp.float32)], axis=1)


def _tc_edge(har, hbc, ea, cdr, C1, wr, c1, W2, b2, Ae, cae, Ae2):
    grid = (N_EDGES // EBLK,)
    eblk = pl.BlockSpec((EBLK, D), lambda i: (i, 0))
    eablk = pl.BlockSpec((EBLK, DE), lambda i: (i, 0))
    cdblk = pl.BlockSpec((EBLK, 4), lambda i: (i, 0))
    full = lambda shape: pl.BlockSpec(shape, lambda i: (0,) * len(shape))
    return pl.pallas_call(
        _edge_body,
        grid=grid,
        in_specs=[eblk, eblk, eablk, cdblk,
                  full((DE, D)), full((1, D)), full((1, D)),
                  full((D, D)), full((1, D)), full((D, D)), full((1, D)),
                  full((1, D))],
        out_specs=[eblk, eblk],
        out_shape=[jax.ShapeDtypeStruct((N_EDGES, D), jnp.float32),
                   jax.ShapeDtypeStruct((N_EDGES, D), jnp.float32)],
    )(har, hbc, ea, cdr, C1, wr, c1, W2, b2, Ae, cae, Ae2)


def _node_body(h_ref, ag0_ref, ag1_ref, ac0_ref, ac1_ref,
               nh_ref, na_ref, cn1_ref, n2_ref, bn2_ref,
               ph_ref, cap_ref, ap2_ref, hnew_ref, acc_ref):
    h = h_ref[...]
    agg = ag0_ref[...] + ag1_ref[...]
    hn = _silu(_dot_t(h, nh_ref[...]) + _dot_t(agg, na_ref[...]) + cn1_ref[...])
    hn = _silu(_dot_t(hn, n2_ref[...]) + bn2_ref[...])
    h_new = h + hn
    p = _silu(_dot_t(h_new, ph_ref[...]) + cap_ref[...])
    ap = jnp.sum(_bf(p) * _bf(ap2_ref[...]), axis=1, keepdims=True)
    aggc = ac0_ref[...] + ac1_ref[...]
    hnew_ref[...] = h_new
    acc_ref[...] = aggc * ap


def _tc_node(h, ag0, ag1, ac0, ac1, Nh, Na, cn1, W_n2, b_n2, Ph, cap, Ap2):
    grid = (N_NODES // NBLK,)
    blk = pl.BlockSpec((NBLK, D), lambda i: (i, 0))
    cblk = pl.BlockSpec((NBLK, 4), lambda i: (i, 0))
    full = lambda shape: pl.BlockSpec(shape, lambda i: (0,) * len(shape))
    return pl.pallas_call(
        _node_body,
        grid=grid,
        in_specs=[blk, blk, blk, cblk, cblk,
                  full((D, D)), full((D, D)), full((1, D)),
                  full((D, D)), full((1, D)), full((D, D)), full((1, D)),
                  full((1, D))],
        out_specs=[blk, cblk],
        out_shape=[jax.ShapeDtypeStruct((N_NODES, D), jnp.float32),
                   jax.ShapeDtypeStruct((N_NODES, 4), jnp.float32)],
    )(h, ag0, ag1, ac0, ac1, Nh, Na, cn1, W_n2, b_n2, Ph, cap, Ap2)


CB = 128
NBIG = EPW // CB
CT = EPW - NBIG * CB


def _sc_gather_body(hA, hB, rowh, colh, cfl, outA, outB, outC,
                    ct_v, ri_v, ci_v, rA_v, rB_v, cdr_v,
                    ti_v, tj_v, tA_v, tB_v, tc_v,
                    semA, semB, semWA, semWB):
    cid = lax.axis_index("c")
    sid = lax.axis_index("s")
    wid = sid * NC + cid
    pltpu.sync_copy(cfl, ct_v)

    def coord_groups(riv, civ, cdrv, ngroups):
        for i in range(ngroups):
            ri3 = riv[pl.ds(i * 16, 16)] * 3
            ci3 = civ[pl.ds(i * 16, 16)] * 3
            lanes = lax.iota(jnp.int32, 16) + (i * 16)
            rad = None
            for k in range(3):
                a = plsc.load_gather(ct_v, [ri3 + k])
                b = plsc.load_gather(ct_v, [ci3 + k])
                dk = a - b
                plsc.store_scatter(cdrv, [lanes, jnp.full((16,), k, jnp.int32)], dk)
                rad = dk * dk if rad is None else rad + dk * dk
            plsc.store_scatter(cdrv, [lanes, jnp.full((16,), 3, jnp.int32)], rad)

    def do_chunk(base, n, riv, civ, rA, rB, cdrv):
        pltpu.sync_copy(rowh.at[pl.ds(base, n)], riv)
        pltpu.sync_copy(colh.at[pl.ds(base, n)], civ)
        gA = pltpu.async_copy(hA.at[riv], rA, semA)
        gB = pltpu.async_copy(hB.at[civ], rB, semB)
        gA.wait()
        wA = pltpu.async_copy(rA, outA.at[pl.ds(base, n)], semWA)
        gB.wait()
        wB = pltpu.async_copy(rB, outB.at[pl.ds(base, n)], semWB)
        coord_groups(riv, civ, cdrv, n // 16)
        pltpu.sync_copy(cdrv, outC.at[pl.ds(base, n)])
        wA.wait()
        wB.wait()

    def chunk(j, carry):
        do_chunk(wid * EPW + j * CB, CB, ri_v, ci_v, rA_v, rB_v, cdr_v)
        return carry

    lax.fori_loop(0, NBIG, chunk, 0)
    do_chunk(wid * EPW + NBIG * CB, CT, ti_v, tj_v, tA_v, tB_v, tc_v)


def _sc_gather(hA, hB, row, col, coord_flat):
    mesh = plsc.VectorSubcoreMesh(core_axis_name="c", subcore_axis_name="s")
    fn = pl.kernel(
        _sc_gather_body,
        out_type=[jax.ShapeDtypeStruct((N_EDGES, D), jnp.float32),
                  jax.ShapeDtypeStruct((N_EDGES, D), jnp.float32),
                  jax.ShapeDtypeStruct((N_EDGES, 4), jnp.float32)],
        mesh=mesh,
        scratch_types=[pltpu.VMEM((3 * N_NODES,), jnp.float32),
                       pltpu.VMEM((CB,), jnp.int32),
                       pltpu.VMEM((CB,), jnp.int32),
                       pltpu.VMEM((CB, D), jnp.float32),
                       pltpu.VMEM((CB, D), jnp.float32),
                       pltpu.VMEM((CB, 4), jnp.float32),
                       pltpu.VMEM((CT,), jnp.int32),
                       pltpu.VMEM((CT,), jnp.int32),
                       pltpu.VMEM((CT, D), jnp.float32),
                       pltpu.VMEM((CT, D), jnp.float32),
                       pltpu.VMEM((CT, 4), jnp.float32),
                       pltpu.SemaphoreType.DMA,
                       pltpu.SemaphoreType.DMA,
                       pltpu.SemaphoreType.DMA,
                       pltpu.SemaphoreType.DMA],
        compiler_params=pltpu.CompilerParams(needs_layout_passes=False),
    )
    return fn(hA, hB, row, col, coord_flat)


def _sc_scatter_body(vals, rowh, z128, out2, acc_sh, val_v, idx_v,
                     tval_v, tidx_v, semV, semI):
    cid = lax.axis_index("c")
    sid = lax.axis_index("s")
    pltpu.sync_copy(z128.at[pl.ds(sid * NSL, NSL)],
                    acc_sh.at[pl.ds(sid * NSL, NSL)])
    plsc.subcore_barrier()

    def do_chunk(base, n, vv, iv):
        cI = pltpu.async_copy(rowh.at[pl.ds(base, n)], iv, semI)
        cV = pltpu.async_copy(vals.at[pl.ds(base, n)], vv, semV)
        cI.wait()
        cV.wait()
        pltpu.sync_copy(vv, acc_sh.at[iv], add=True)

    def chunk(j, carry):
        do_chunk(cid * (N_EDGES // NC) + sid * EPW + j * CB, CB, val_v, idx_v)
        return carry

    lax.fori_loop(0, NBIG, chunk, 0)
    do_chunk(cid * (N_EDGES // NC) + sid * EPW + NBIG * CB, CT, tval_v, tidx_v)
    plsc.subcore_barrier()
    pltpu.sync_copy(acc_sh.at[pl.ds(sid * NSL, NSL)],
                    out2.at[pl.ds(cid * NP + sid * NSL, NSL)])


def _sc_scatter(vals, row, z128):
    mesh = plsc.VectorSubcoreMesh(core_axis_name="c", subcore_axis_name="s")
    fn = pl.kernel(
        _sc_scatter_body,
        out_type=[jax.ShapeDtypeStruct((2 * NP, D), jnp.float32)],
        mesh=mesh,
        scratch_types=[pltpu.VMEM_SHARED((NP, D), jnp.float32),
                       pltpu.VMEM((CB, D), jnp.float32),
                       pltpu.VMEM((CB,), jnp.int32),
                       pltpu.VMEM((CT, D), jnp.float32),
                       pltpu.VMEM((CT,), jnp.int32),
                       pltpu.SemaphoreType.DMA,
                       pltpu.SemaphoreType.DMA],
    )
    (out2,) = fn(vals, row, z128)
    return out2


def kernel(h, edge_index, coord, edge_attr, prompt, W_e1, b_e1, W_e2, b_e2,
           W_n1, b_n1, W_n2, b_n2, W_ae1, b_ae1, W_ae2, W_ap1, b_ap1, W_ap2):
    row = edge_index[0].astype(jnp.int32)
    col = edge_index[1].astype(jnp.int32)
    p0 = prompt[0]

    def _fold(w, b):
        return (jnp.matmul(w.astype(jnp.bfloat16), p0.astype(jnp.bfloat16),
                           preferred_element_type=jnp.float32) + b)[None, :]

    A1 = W_e1[:, 0:D]
    B1 = W_e1[:, D:2 * D]
    wr = W_e1[:, 2 * D].astype(jnp.bfloat16).astype(jnp.float32)[None, :]
    C1 = W_e1[:, 2 * D + 1:2 * D + 1 + DE]
    c1 = _fold(W_e1[:, 2 * D + 1 + DE:], b_e1)
    cae = _fold(W_ae1[:, D:], b_ae1)
    Ae = W_ae1[:, :D]
    cn1 = _fold(W_n1[:, 2 * D:], b_n1)
    Nh = W_n1[:, 0:D]
    Na = W_n1[:, D:2 * D]
    cap = _fold(W_ap1[:, D:], b_ap1)
    Ph = W_ap1[:, :D]

    hA, hB = _tc_pre(h, A1, B1)

    har, hbc, cdr = _sc_gather(hA, hB, row, col, coord.reshape(-1))

    ef, tr = _tc_edge(har, hbc, edge_attr, cdr, C1.T, wr, c1,
                      W_e2, b_e2[None, :], Ae, cae, W_ae2)

    z128 = jnp.zeros((NP, D), jnp.float32)
    agg2 = _sc_scatter(ef, row, z128)
    acc2 = _sc_scatter(tr, row, z128)
    ag0, ag1 = agg2[:N_NODES], agg2[NP:NP + N_NODES]
    ac0, ac1 = acc2[:N_NODES, :4], acc2[NP:NP + N_NODES, :4]

    h_new, acc4 = _tc_node(h, ag0, ag1, ac0, ac1, Nh, Na, cn1,
                           W_n2, b_n2[None, :], Ph, cap, W_ap2)
    return (h_new, coord, acc4[:, :3])

# --- scband reference (transcript-rebuilt; emitter-appended) ---
"""Pipeline reference for scband-e-gcl-base-79482664780354 (READ-ONLY COPY).

The authoritative reference and input builder live on the scoring server;
editing this copy changes nothing except your own understanding.
"""

import jax, jax.numpy as jnp
import numpy as np

N = 10000
E = 320000
D = 128
DE = 16


def silu(x):
    return x * jax.nn.sigmoid(x)


def _lin(key, out_dim, in_dim, scale=0.02, bias=True):
    k1, k2 = jax.random.split(key)
    W = jax.random.normal(k1, (out_dim, in_dim), dtype=jnp.float32) * scale
    if bias:
        b = jax.random.normal(k2, (out_dim,), dtype=jnp.float32) * scale
        return W, b
    return (W,)


def setup_inputs(seed: int = 0):
    key = jax.random.key(seed)
    ks = jax.random.split(key, 16)
    h = jax.random.normal(ks[0], (N, D), dtype=jnp.float32)
    edge_index = jax.random.randint(ks[1], (2, E), 0, N)
    coord = jax.random.normal(ks[2], (N, 3), dtype=jnp.float32)
    edge_attr = jax.random.normal(ks[3], (E, DE), dtype=jnp.float32)
    prompt = jax.random.normal(ks[4], (1, D), dtype=jnp.float32)
    # edge_mlp: Linear(2D+1+DE+D -> D), SiLU, Linear(D -> D), SiLU
    W_e1, b_e1 = _lin(ks[5], D, 2 * D + 1 + DE + D)
    W_e2, b_e2 = _lin(ks[6], D, D)
    # node_mlp: Linear(2D + D -> D), SiLU, Linear(D -> D), SiLU
    W_n1, b_n1 = _lin(ks[7], D, 3 * D)
    W_n2, b_n2 = _lin(ks[8], D, D)
    # acc_mlp_edge: Linear(2D -> D), SiLU, Linear(D -> 1, no bias, tiny init)
    W_ae1, b_ae1 = _lin(ks[9], D, 2 * D)
    (W_ae2,) = _lin(ks[10], 1, D, scale=0.001, bias=False)
    # acc_mlp_point: Linear(2D -> D), SiLU, Linear(D -> 1, no bias, tiny init)
    W_ap1, b_ap1 = _lin(ks[11], D, 2 * D)
    (W_ap2,) = _lin(ks[12], 1, D, scale=0.001, bias=False)
    return {
        "h": h, "edge_index": edge_index, "coord": coord,
        "edge_attr": edge_attr, "prompt": prompt,
        "W_e1": W_e1, "b_e1": b_e1, "W_e2": W_e2, "b_e2": b_e2,
        "W_n1": W_n1, "b_n1": b_n1, "W_n2": W_n2, "b_n2": b_n2,
        "W_ae1": W_ae1, "b_ae1": b_ae1, "W_ae2": W_ae2,
        "W_ap1": W_ap1, "b_ap1": b_ap1, "W_ap2": W_ap2,
    }


def reference(h, edge_index, coord, edge_attr, prompt,
              W_e1, b_e1, W_e2, b_e2,
              W_n1, b_n1, W_n2, b_n2,
              W_ae1, b_ae1, W_ae2,
              W_ap1, b_ap1, W_ap2):
    row = edge_index[0]
    col = edge_index[1]
    n_nodes = h.shape[0]
    n_edges = row.shape[0]
    # coord2radial (normalize=False)
    coord_diff = coord[row] - coord[col]
    radial = jnp.sum(coord_diff ** 2, axis=1, keepdims=True)
    # edge_model
    pe = jnp.broadcast_to(prompt, (n_edges, prompt.shape[1]))
    ein = jnp.concatenate([h[row], h[col], radial, edge_attr, pe], axis=1)
    edge_feat = silu(ein @ W_e1.T + b_e1)
    edge_feat = silu(edge_feat @ W_e2.T + b_e2)
    # node_model (node_attr=None, ave=1, residual=True)
    agg = jnp.zeros((n_nodes, edge_feat.shape[1]), dtype=edge_feat.dtype).at[row].add(edge_feat)
    pn = jnp.broadcast_to(prompt, (n_nodes, prompt.shape[1]))
    nin = jnp.concatenate([h, agg, pn], axis=1)
    hn = silu(nin @ W_n1.T + b_n1)
    hn = silu(hn @ W_n2.T + b_n2)
    h_new = h + hn
    # get_acc (change_coord=True, tanh=False)
    efp = jnp.concatenate([edge_feat, pe], axis=1)
    cd = coord_diff / jnp.maximum(
        jnp.linalg.norm(coord_diff, axis=1, keepdims=True), 1e-12)
    ae = silu(efp @ W_ae1.T + b_ae1) @ W_ae2.T
    trans = cd * ae
    agg_c = jnp.zeros((n_nodes, 3), dtype=trans.dtype).at[row].add(trans)
    hp = jnp.concatenate([h_new, pn], axis=1)
    ap = silu(hp @ W_ap1.T + b_ap1) @ W_ap2.T
    acc = agg_c * ap
    return (h_new, coord, acc)

if __name__ == "__main__":
    import jax
    _d = setup_inputs()
    print(jax.jit(kernel)(*tuple(_d.values())))

</pallas_src>

<mosaic_0001>
#map = affine_map<(d0, d1) -> (0, 0)>
#map1 = affine_map<(d0, d1) -> (0)>
module attributes {stable_mosaic.version = 14 : i64} {
  func.func @_sc_scatter_body(%arg0: i32, %arg1: i32, %arg2: memref<320000x128xf32, #tpu.memory_space<hbm>>, %arg3: memref<320000xi32, #tpu.memory_space<hbm>>, %arg4: memref<10112x128xf32, #tpu.memory_space<hbm>>, %arg5: memref<20224x128xf32, #tpu.memory_space<hbm>>, %arg6: memref<10112x128xf32, #tpu.memory_space<vmem_shared>>, %arg7: memref<128x128xf32, #tpu.memory_space<vmem>>, %arg8: memref<128xi32, #tpu.memory_space<vmem>>, %arg9: memref<16x128xf32, #tpu.memory_space<vmem>>, %arg10: memref<16xi32, #tpu.memory_space<vmem>>, %arg11: memref<!tpu.dma_semaphore, #tpu.memory_space<semaphore_mem>>, %arg12: memref<!tpu.dma_semaphore, #tpu.memory_space<semaphore_mem>>) attributes {dimension_semantics = [#tpu.dimension_semantics<core_parallel>, #tpu.dimension_semantics<subcore_parallel>], iteration_bounds = array<i64: 2, 16>, scalar_prefetch = 0 : i64, scratch_operands = 7 : i64, tpu.core_type = #tpu.core_type<sc_vector_subcore>, window_params = [{transform_indices = #map}, {transform_indices = #map1}, {transform_indices = #map}, {transform_indices = #map}]} {
    %mul3A = arith.constant 632 : i32
    %mul3A_0 = arith.muli %arg1, %mul3A : i32
    %mul3A_1 = arith.constant 632 : i32
    %mul3A_2 = arith.muli %arg1, %mul3A_1 : i32
    "tpu.region"() ({
      %run_scoped3A = tpu.sem_alloc : memref<!tpu.dma_semaphore, #tpu.memory_space<semaphore_mem>>
      %dma_start3A_32 = arith.constant 0 : i32
      %dma_start3A_33 = tpu.memref_slice %arg6[%mul3A_2, %dma_start3A_32] : memref<10112x128xf32, #tpu.memory_space<vmem_shared>> -> memref<632x128xf32, #tpu.memory_space<vmem_shared>>
      %dma_start3A_34 = arith.constant 0 : i32
      %dma_start3A_35 = tpu.memref_slice %arg4[%mul3A_0, %dma_start3A_34] : memref<10112x128xf32, #tpu.memory_space<hbm>> -> memref<632x128xf32, #tpu.memory_space<hbm>>
      tpu.enqueue_dma source(%dma_start3A_35 : memref<632x128xf32, #tpu.memory_space<hbm>>) target(%dma_start3A_33 : memref<632x128xf32, #tpu.memory_space<vmem_shared>>) target_semaphore(%run_scoped3A : memref<!tpu.dma_semaphore, #tpu.memory_space<semaphore_mem>>)
      %dma_wait3A_36 = arith.constant 0 : i32
      %dma_wait3A_37 = tpu.memref_slice %arg6[%mul3A_2, %dma_wait3A_36] : memref<10112x128xf32, #tpu.memory_space<vmem_shared>> -> memref<632x128xf32, #tpu.memory_space<vmem_shared>>
      %dma_wait3A_38 = arith.constant 0 : i32
      %dma_wait3A_39 = tpu.memref_slice %arg4[%mul3A_0, %dma_wait3A_38] : memref<10112x128xf32, #tpu.memory_space<hbm>> -> memref<632x128xf32, #tpu.memory_space<hbm>>
      tpu.wait_dma2 semaphore(%run_scoped3A : memref<!tpu.dma_semaphore, #tpu.memory_space<semaphore_mem>>) src(%dma_wait3A_39 : memref<632x128xf32, #tpu.memory_space<hbm>>) dst(%dma_wait3A_37 : memref<632x128xf32, #tpu.memory_space<vmem_shared>>)
      tpu.yield
    }) : () -> ()
    %barrier3A = arith.constant 0 : index
    tpu.barrier barrier_id(%barrier3A)
    %scan3A = arith.constant 0 : i32
    %scan3A_3 = arith.constant 0 : i32
    %scan3A_4 = arith.constant 78 : i32
    %scan3A_5 = arith.addi %scan3A_3, %scan3A_4 : i32
    %scan3A_6 = arith.constant 1 : i32
    scf.for %scan3A_32 = %scan3A_3 to %scan3A_5 step %scan3A_6  : i32 {
      %mul3A_33 = arith.constant 160000 : i32
      %mul3A_34 = arith.muli %arg0, %mul3A_33 : i32
      %mul3A_35 = arith.constant 10000 : i32
      %mul3A_36 = arith.muli %arg1, %mul3A_35 : i32
      %add3A_37 = arith.addi %mul3A_34, %mul3A_36 : i32
      %mul3A_38 = arith.constant 128 : i32
      %mul3A_39 = arith.muli %scan3A_32, %mul3A_38 : i32
      %add3A_40 = arith.addi %add3A_37, %mul3A_39 : i32
      %dma_start3A_41 = tpu.memref_slice %arg3[%add3A_40] : memref<320000xi32, #tpu.memory_space<hbm>> -> memref<128xi32, #tpu.memory_space<hbm>>
      %dma_start3A_42 = tpu.memref_slice %arg3[%add3A_40] : memref<320000xi32, #tpu.memory_space<hbm>> -> memref<128xi32, #tpu.memory_space<hbm>>
      tpu.enqueue_dma source(%dma_start3A_42 : memref<128xi32, #tpu.memory_space<hbm>>) target(%arg8 : memref<128xi32, #tpu.memory_space<vmem>>) target_semaphore(%arg12 : memref<!tpu.dma_semaphore, #tpu.memory_space<semaphore_mem>>)
      %dma_start3A_43 = arith.constant 0 : i32
      %dma_start3A_44 = tpu.memref_slice %arg2[%add3A_40, %dma_start3A_43] : memref<320000x128xf32, #tpu.memory_space<hbm>> -> memref<128x128xf32, #tpu.memory_space<hbm>>
      %dma_start3A_45 = arith.constant 0 : i32
      %dma_start3A_46 = tpu.memref_slice %arg2[%add3A_40, %dma_start3A_45] : memref<320000x128xf32, #tpu.memory_space<hbm>> -> memref<128x128xf32, #tpu.memory_space<hbm>>
      tpu.enqueue_dma source(%dma_start3A_46 : memref<128x128xf32, #tpu.memory_space<hbm>>) target(%arg7 : memref<128x128xf32, #tpu.memory_space<vmem>>) target_semaphore(%arg11 : memref<!tpu.dma_semaphore, #tpu.memory_space<semaphore_mem>>)
      %dma_wait3A_47 = tpu.memref_slice %arg3[%add3A_40] : memref<320000xi32, #tpu.memory_space<hbm>> -> memref<128xi32, #tpu.memory_space<hbm>>
      %dma_wait3A_48 = tpu.memref_slice %arg3[%add3A_40] : memref<320000xi32, #tpu.memory_space<hbm>> -> memref<128xi32, #tpu.memory_space<hbm>>
      tpu.wait_dma2 semaphore(%arg12 : memref<!tpu.dma_semaphore, #tpu.memory_space<semaphore_mem>>) src(%dma_wait3A_48 : memref<128xi32, #tpu.memory_space<hbm>>) dst(%arg8 : memref<128xi32, #tpu.memory_space<vmem>>)
      %dma_wait3A_49 = arith.constant 0 : i32
      %dma_wait3A_50 = tpu.memref_slice %arg2[%add3A_40, %dma_wait3A_49] : memref<320000x128xf32, #tpu.memory_space<hbm>> -> memref<128x128xf32, #tpu.memory_space<hbm>>
      %dma_wait3A_51 = arith.constant 0 : i32
      %dma_wait3A_52 = tpu.memref_slice %arg2[%add3A_40, %dma_wait3A_51] : memref<320000x128xf32, #tpu.memory_space<hbm>> -> memref<128x128xf32, #tpu.memory_space<hbm>>
      tpu.wait_dma2 semaphore(%arg11 : memref<!tpu.dma_semaphore, #tpu.memory_space<semaphore_mem>>) src(%dma_wait3A_52 : memref<128x128xf32, #tpu.memory_space<hbm>>) dst(%arg7 : memref<128x128xf32, #tpu.memory_space<vmem>>)
      "tpu.region"() ({
        %run_scoped3A = tpu.sem_alloc : memref<!tpu.dma_semaphore, #tpu.memory_space<semaphore_mem>>
        %dma_start3A_53 = arith.constant 0 : i32
        %dma_start3A_54 = arith.constant 0 : i32
        %dma_start3A_55 = tpu.memref_slice %arg6[%dma_start3A_53, %dma_start3A_54] : memref<10112x128xf32, #tpu.memory_space<vmem_shared>> -> memref<10112x128xf32, #tpu.memory_space<vmem_shared>>
        tpu.enqueue_indirect_dma source(%arg7 : memref<128x128xf32, #tpu.memory_space<vmem>>) target(%dma_start3A_55 : memref<10112x128xf32, #tpu.memory_space<vmem_shared>>) offsets(%arg8 : memref<128xi32, #tpu.memory_space<vmem>>) semaphore(%run_scoped3A : memref<!tpu.dma_semaphore, #tpu.memory_space<semaphore_mem>>) {add = true}
        %dma_wait3A_56 = arith.constant 0 : i32
        %dma_wait3A_57 = arith.constant 0 : i32
        %dma_wait3A_58 = tpu.memref_slice %arg6[%dma_wait3A_56, %dma_wait3A_57] : memref<10112x128xf32, #tpu.memory_space<vmem_shared>> -> memref<10112x128xf32, #tpu.memory_space<vmem_shared>>
        tpu.wait_indirect_dma semaphore(%run_scoped3A : memref<!tpu.dma_semaphore, #tpu.memory_space<semaphore_mem>>) src(%arg7 : memref<128x128xf32, #tpu.memory_space<vmem>>) dst(%dma_wait3A_58 : memref<10112x128xf32, #tpu.memory_space<vmem_shared>>)
        tpu.yield
      }) : () -> ()
    }
    %scan3A_7 = arith.constant 78 : i32
    %mul3A_8 = arith.constant 160000 : i32
    %mul3A_9 = arith.muli %arg0, %mul3A_8 : i32
    %mul3A_10 = arith.constant 10000 : i32
    %mul3A_11 = arith.muli %arg1, %mul3A_10 : i32
    %add3A = arith.addi %mul3A_9, %mul3A_11 : i32
    %add3A_12 = arith.constant 9984 : i32
    %add3A_13 = arith.addi %add3A, %add3A_12 : i32
    %dma_start3A = tpu.memref_slice %arg3[%add3A_13] : memref<320000xi32, #tpu.memory_space<hbm>> -> memref<16xi32, #tpu.memory_space<hbm>>
    %dma_start3A_14 = tpu.memref_slice %arg3[%add3A_13] : memref<320000xi32, #tpu.memory_space<hbm>> -> memref<16xi32, #tpu.memory_space<hbm>>
    tpu.enqueue_dma source(%dma_start3A_14 : memref<16xi32, #tpu.memory_space<hbm>>) target(%arg10 : memref<16xi32, #tpu.memory_space<vmem>>) target_semaphore(%arg12 : memref<!tpu.dma_semaphore, #tpu.memory_space<semaphore_mem>>)
    %dma_start3A_15 = arith.constant 0 : i32
    %dma_start3A_16 = tpu.memref_slice %arg2[%add3A_13, %dma_start3A_15] : memref<320000x128xf32, #tpu.memory_space<hbm>> -> memref<16x128xf32, #tpu.memory_space<hbm>>
    %dma_start3A_17 = arith.constant 0 : i32
    %dma_start3A_18 = tpu.memref_slice %arg2[%add3A_13, %dma_start3A_17] : memref<320000x128xf32, #tpu.memory_space<hbm>> -> memref<16x128xf32, #tpu.memory_space<hbm>>
    tpu.enqueue_dma source(%dma_start3A_18 : memref<16x128xf32, #tpu.memory_space<hbm>>) target(%arg9 : memref<16x128xf32, #tpu.memory_space<vmem>>) target_semaphore(%arg11 : memref<!tpu.dma_semaphore, #tpu.memory_space<semaphore_mem>>)
    %dma_wait3A = tpu.memref_slice %arg3[%add3A_13] : memref<320000xi32, #tpu.memory_space<hbm>> -> memref<16xi32, #tpu.memory_space<hbm>>
    %dma_wait3A_19 = tpu.memref_slice %arg3[%add3A_13] : memref<320000xi32, #tpu.memory_space<hbm>> -> memref<16xi32, #tpu.memory_space<hbm>>
    tpu.wait_dma2 semaphore(%arg12 : memref<!tpu.dma_semaphore, #tpu.memory_space<semaphore_mem>>) src(%dma_wait3A_19 : memref<16xi32, #tpu.memory_space<hbm>>) dst(%arg10 : memref<16xi32, #tpu.memory_space<vmem>>)
    %dma_wait3A_20 = arith.constant 0 : i32
    %dma_wait3A_21 = tpu.memref_slice %arg2[%add3A_13, %dma_wait3A_20] : memref<320000x128xf32, #tpu.memory_space<hbm>> -> memref<16x128xf32, #tpu.memory_space<hbm>>
    %dma_wait3A_22 = arith.constant 0 : i32
    %dma_wait3A_23 = tpu.memref_slice %arg2[%add3A_13, %dma_wait3A_22] : memref<320000x128xf32, #tpu.memory_space<hbm>> -> memref<16x128xf32, #tpu.memory_space<hbm>>
    tpu.wait_dma2 semaphore(%arg11 : memref<!tpu.dma_semaphore, #tpu.memory_space<semaphore_mem>>) src(%dma_wait3A_23 : memref<16x128xf32, #tpu.memory_space<hbm>>) dst(%arg9 : memref<16x128xf32, #tpu.memory_space<vmem>>)
    "tpu.region"() ({
      %run_scoped3A = tpu.sem_alloc : memref<!tpu.dma_semaphore, #tpu.memory_space<semaphore_mem>>
      %dma_start3A_32 = arith.constant 0 : i32
      %dma_start3A_33 = arith.constant 0 : i32
      %dma_start3A_34 = tpu.memref_slice %arg6[%dma_start3A_32, %dma_start3A_33] : memref<10112x128xf32, #tpu.memory_space<vmem_shared>> -> memref<10112x128xf32, #tpu.memory_space<vmem_shared>>
      tpu.enqueue_indirect_dma source(%arg9 : memref<16x128xf32, #tpu.memory_space<vmem>>) target(%dma_start3A_34 : memref<10112x128xf32, #tpu.memory_space<vmem_shared>>) offsets(%arg10 : memref<16xi32, #tpu.memory_space<vmem>>) semaphore(%run_scoped3A : memref<!tpu.dma_semaphore, #tpu.memory_space<semaphore_mem>>) {add = true}
      %dma_wait3A_35 = arith.constant 0 : i32
      %dma_wait3A_36 = arith.constant 0 : i32
      %dma_wait3A_37 = tpu.memref_slice %arg6[%dma_wait3A_35, %dma_wait3A_36] : memref<10112x128xf32, #tpu.memory_space<vmem_shared>> -> memref<10112x128xf32, #tpu.memory_space<vmem_shared>>
      tpu.wait_indirect_dma semaphore(%run_scoped3A : memref<!tpu.dma_semaphore, #tpu.memory_space<semaphore_mem>>) src(%arg9 : memref<16x128xf32, #tpu.memory_space<vmem>>) dst(%dma_wait3A_37 : memref<10112x128xf32, #tpu.memory_space<vmem_shared>>)
      tpu.yield
    }) : () -> ()
    %barrier3A_24 = arith.constant 0 : index
    tpu.barrier barrier_id(%barrier3A_24)
    %mul3A_25 = arith.constant 632 : i32
    %mul3A_26 = arith.muli %arg1, %mul3A_25 : i32
    %mul3A_27 = arith.constant 10112 : i32
    %mul3A_28 = arith.muli %arg0, %mul3A_27 : i32
    %mul3A_29 = arith.constant 632 : i32
    %mul3A_30 = arith.muli %arg1, %mul3A_29 : i32
    %add3A_31 = arith.addi %mul3A_28, %mul3A_30 : i32
    "tpu.region"() ({
      %run_scoped3A = tpu.sem_alloc : memref<!tpu.dma_semaphore, #tpu.memory_space<semaphore_mem>>
      %dma_start3A_32 = arith.constant 0 : i32
      %dma_start3A_33 = tpu.memref_slice %arg5[%add3A_31, %dma_start3A_32] : memref<20224x128xf32, #tpu.memory_space<hbm>> -> memref<632x128xf32, #tpu.memory_space<hbm>>
      %dma_start3A_34 = arith.constant 0 : i32
      %dma_start3A_35 = tpu.memref_slice %arg6[%mul3A_26, %dma_start3A_34] : memref<10112x128xf32, #tpu.memory_space<vmem_shared>> -> memref<632x128xf32, #tpu.memory_space<vmem_shared>>
      tpu.enqueue_dma source(%dma_start3A_35 : memref<632x128xf32, #tpu.memory_space<vmem_shared>>) target(%dma_start3A_33 : memref<632x128xf32, #tpu.memory_space<hbm>>) target_semaphore(%run_scoped3A : memref<!tpu.dma_semaphore, #tpu.memory_space<semaphore_mem>>)
      %dma_wait3A_36 = arith.constant 0 : i32
      %dma_wait3A_37 = tpu.memref_slice %arg5[%add3A_31, %dma_wait3A_36] : memref<20224x128xf32, #tpu.memory_space<hbm>> -> memref<632x128xf32, #tpu.memory_space<hbm>>
      %dma_wait3A_38 = arith.constant 0 : i32
      %dma_wait3A_39 = tpu.memref_slice %arg6[%mul3A_26, %dma_wait3A_38] : memref<10112x128xf32, #tpu.memory_space<vmem_shared>> -> memref<632x128xf32, #tpu.memory_space<vmem_shared>>
      tpu.wait_dma2 semaphore(%run_scoped3A : memref<!tpu.dma_semaphore, #tpu.memory_space<semaphore_mem>>) src(%dma_wait3A_39 : memref<632x128xf32, #tpu.memory_space<vmem_shared>>) dst(%dma_wait3A_37 : memref<632x128xf32, #tpu.memory_space<hbm>>)
      tpu.yield
    }) : () -> ()
    return
  }
}

#map = affine_map<(d0, d1) -> (0, 0)>
#map1 = affine_map<(d0, d1) -> (0)>
module attributes {stable_mosaic.version = 14 : i64} {
  func.func @_sc_gather_body(%arg0: i32, %arg1: i32, %arg2: memref<10000x128xf32, #tpu.memory_space<hbm>>, %arg3: memref<10000x128xf32, #tpu.memory_space<hbm>>, %arg4: memref<320000xi32, #tpu.memory_space<hbm>>, %arg5: memref<320000xi32, #tpu.memory_space<hbm>>, %arg6: memref<30000xf32, #tpu.memory_space<hbm>>, %arg7: memref<320000x128xf32, #tpu.memory_space<hbm>>, %arg8: memref<320000x128xf32, #tpu.memory_space<hbm>>, %arg9: memref<320000x4xf32, #tpu.memory_space<hbm>>, %arg10: memref<30000xf32, #tpu.memory_space<vmem>>, %arg11: memref<128xi32, #tpu.memory_space<vmem>>, %arg12: memref<128xi32, #tpu.memory_space<vmem>>, %arg13: memref<128x128xf32, #tpu.memory_space<vmem>>, %arg14: memref<128x128xf32, #tpu.memory_space<vmem>>, %arg15: memref<128x4xf32, #tpu.memory_space<vmem>>, %arg16: memref<16xi32, #tpu.memory_space<vmem>>, %arg17: memref<16xi32, #tpu.memory_space<vmem>>, %arg18: memref<16x128xf32, #tpu.memory_space<vmem>>, %arg19: memref<16x128xf32, #tpu.memory_space<vmem>>, %arg20: memref<16x4xf32, #tpu.memory_space<vmem>>, %arg21: memref<!tpu.dma_semaphore, #tpu.memory_space<semaphore_mem>>, %arg22: memref<!tpu.dma_semaphore, #tpu.memory_space<semaphore_mem>>, %arg23: memref<!tpu.dma_semaphore, #tpu.memory_space<semaphore_mem>>, %arg24: memref<!tpu.dma_semaphore, #tpu.memory_space<semaphore_mem>>) attributes {dimension_semantics = [#tpu.dimension_semantics<core_parallel>, #tpu.dimension_semantics<subcore_parallel>], iteration_bounds = array<i64: 2, 16>, scalar_prefetch = 0 : i64, scratch_operands = 15 : i64, tpu.core_type = #tpu.core_type<sc_vector_subcore>, window_params = [{transform_indices = #map}, {transform_indices = #map}, {transform_indices = #map1}, {transform_indices = #map1}, {transform_indices = #map1}, {transform_indices = #map}, {transform_indices = #map}, {transform_indices = #map}]} {
    %mul3A = arith.constant 2 : i32
    %mul3A_0 = arith.muli %arg1, %mul3A : i32
    %add3A = arith.addi %mul3A_0, %arg0 : i32
    "tpu.region"() ({
      %run_scoped3A = tpu.sem_alloc : memref<!tpu.dma_semaphore, #tpu.memory_space<semaphore_mem>>
      tpu.enqueue_dma source(%arg6 : memref<30000xf32, #tpu.memory_space<hbm>>) target(%arg10 : memref<30000xf32, #tpu.memory_space<vmem>>) target_semaphore(%run_scoped3A : memref<!tpu.dma_semaphore, #tpu.memory_space<semaphore_mem>>)
      tpu.wait_dma2 semaphore(%run_scoped3A : memref<!tpu.dma_semaphore, #tpu.memory_space<semaphore_mem>>) src(%arg6 : memref<30000xf32, #tpu.memory_space<hbm>>) dst(%arg10 : memref<30000xf32, #tpu.memory_space<vmem>>)
      tpu.yield
    }) : () -> ()
    %scan3A = arith.constant 0 : i32
    %scan3A_1 = arith.constant 0 : i32
    %scan3A_2 = arith.constant 78 : i32
    %scan3A_3 = arith.addi %scan3A_1, %scan3A_2 : i32
    %scan3A_4 = arith.constant 1 : i32
    scf.for %scan3A_85 = %scan3A_1 to %scan3A_3 step %scan3A_4  : i32 {
      %mul3A_86 = arith.constant 10000 : i32
      %mul3A_87 = arith.muli %add3A, %mul3A_86 : i32
      %mul3A_88 = arith.constant 128 : i32
      %mul3A_89 = arith.muli %scan3A_85, %mul3A_88 : i32
      %add3A_90 = arith.addi %mul3A_87, %mul3A_89 : i32
      "tpu.region"() ({
        %run_scoped3A = tpu.sem_alloc : memref<!tpu.dma_semaphore, #tpu.memory_space<semaphore_mem>>
        %dma_start3A_551 = tpu.memref_slice %arg4[%add3A_90] : memref<320000xi32, #tpu.memory_space<hbm>> -> memref<128xi32, #tpu.memory_space<hbm>>
        %dma_start3A_552 = tpu.memref_slice %arg4[%add3A_90] : memref<320000xi32, #tpu.memory_space<hbm>> -> memref<128xi32, #tpu.memory_space<hbm>>
        tpu.enqueue_dma source(%dma_start3A_552 : memref<128xi32, #tpu.memory_space<hbm>>) target(%arg11 : memref<128xi32, #tpu.memory_space<vmem>>) target_semaphore(%run_scoped3A : memref<!tpu.dma_semaphore, #tpu.memory_space<semaphore_mem>>)
        %dma_wait3A_553 = tpu.memref_slice %arg4[%add3A_90] : memref<320000xi32, #tpu.memory_space<hbm>> -> memref<128xi32, #tpu.memory_space<hbm>>
        %dma_wait3A_554 = tpu.memref_slice %arg4[%add3A_90] : memref<320000xi32, #tpu.memory_space<hbm>> -> memref<128xi32, #tpu.memory_space<hbm>>
        tpu.wait_dma2 semaphore(%run_scoped3A : memref<!tpu.dma_semaphore, #tpu.memory_space<semaphore_mem>>) src(%dma_wait3A_554 : memref<128xi32, #tpu.memory_space<hbm>>) dst(%arg11 : memref<128xi32, #tpu.memory_space<vmem>>)
        tpu.yield
      }) : () -> ()
      "tpu.region"() ({
        %run_scoped3A = tpu.sem_alloc : memref<!tpu.dma_semaphore, #tpu.memory_space<semaphore_mem>>
        %dma_start3A_551 = tpu.memref_slice %arg5[%add3A_90] : memref<320000xi32, #tpu.memory_space<hbm>> -> memref<128xi32, #tpu.memory_space<hbm>>
        %dma_start3A_552 = tpu.memref_slice %arg5[%add3A_90] : memref<320000xi32, #tpu.memory_space<hbm>> -> memref<128xi32, #tpu.memory_space<hbm>>
        tpu.enqueue_dma source(%dma_start3A_552 : memref<128xi32, #tpu.memory_space<hbm>>) target(%arg12 : memref<128xi32, #tpu.memory_space<vmem>>) target_semaphore(%run_scoped3A : memref<!tpu.dma_semaphore, #tpu.memory_space<semaphore_mem>>)
        %dma_wait3A_553 = tpu.memref_slice %arg5[%add3A_90] : memref<320000xi32, #tpu.memory_space<hbm>> -> memref<128xi32, #tpu.memory_space<hbm>>
        %dma_wait3A_554 = tpu.memref_slice %arg5[%add3A_90] : memref<320000xi32, #tpu.memory_space<hbm>> -> memref<128xi32, #tpu.memory_space<hbm>>
        tpu.wait_dma2 semaphore(%run_scoped3A : memref<!tpu.dma_semaphore, #tpu.memory_space<semaphore_mem>>) src(%dma_wait3A_554 : memref<128xi32, #tpu.memory_space<hbm>>) dst(%arg12 : memref<128xi32, #tpu.memory_space<vmem>>)
        tpu.yield
      }) : () -> ()
      %dma_start3A_91 = arith.constant 0 : i32
      %dma_start3A_92 = arith.constant 0 : i32
      %dma_start3A_93 = tpu.memref_slice %arg2[%dma_start3A_91, %dma_start3A_92] : memref<10000x128xf32, #tpu.memory_space<hbm>> -> memref<10000x128xf32, #tpu.memory_space<hbm>>
      tpu.enqueue_indirect_dma source(%dma_start3A_93 : memref<10000x128xf32, #tpu.memory_space<hbm>>) target(%arg13 : memref<128x128xf32, #tpu.memory_space<vmem>>) offsets(%arg11 : memref<128xi32, #tpu.memory_space<vmem>>) semaphore(%arg21 : memref<!tpu.dma_semaphore, #tpu.memory_space<semaphore_mem>>)
      %dma_start3A_94 = arith.constant 0 : i32
      %dma_start3A_95 = arith.constant 0 : i32
      %dma_start3A_96 = tpu.memref_slice %arg3[%dma_start3A_94, %dma_start3A_95] : memref<10000x128xf32, #tpu.memory_space<hbm>> -> memref<10000x128xf32, #tpu.memory_space<hbm>>
      tpu.enqueue_indirect_dma source(%dma_start3A_96 : memref<10000x128xf32, #tpu.memory_space<hbm>>) target(%arg14 : memref<128x128xf32, #tpu.memory_space<vmem>>) offsets(%arg12 : memref<128xi32, #tpu.memory_space<vmem>>) semaphore(%arg22 : memref<!tpu.dma_semaphore, #tpu.memory_space<semaphore_mem>>)
      %dma_wait3A_97 = arith.constant 0 : i32
      %dma_wait3A_98 = arith.constant 0 : i32
      %dma_wait3A_99 = tpu.memref_slice %arg2[%dma_wait3A_97, %dma_wait3A_98] : memref<10000x128xf32, #tpu.memory_space<hbm>> -> memref<10000x128xf32, #tpu.memory_space<hbm>>
      tpu.wait_indirect_dma semaphore(%arg21 : memref<!tpu.dma_semaphore, #tpu.memory_space<semaphore_mem>>) src(%dma_wait3A_99 : memref<10000x128xf32, #tpu.memory_space<hbm>>) dst(%arg13 : memref<128x128xf32, #tpu.memory_space<vmem>>)
      %dma_start3A_100 = arith.constant 0 : i32
      %dma_start3A_101 = tpu.memref_slice %arg7[%add3A_90, %dma_start3A_100] : memref<320000x128xf32, #tpu.memory_space<hbm>> -> memref<128x128xf32, #tpu.memory_space<hbm>>
      %dma_start3A_102 = arith.constant 0 : i32
      %dma_start3A_103 = tpu.memref_slice %arg7[%add3A_90, %dma_start3A_102] : memref<320000x128xf32, #tpu.memory_space<hbm>> -> memref<128x128xf32, #tpu.memory_space<hbm>>
      tpu.enqueue_dma source(%arg13 : memref<128x128xf32, #tpu.memory_space<vmem>>) target(%dma_start3A_103 : memref<128x128xf32, #tpu.memory_space<hbm>>) target_semaphore(%arg23 : memref<!tpu.dma_semaphore, #tpu.memory_space<semaphore_mem>>)
      %dma_wait3A_104 = arith.constant 0 : i32
      %dma_wait3A_105 = arith.constant 0 : i32
      %dma_wait3A_106 = tpu.memref_slice %arg3[%dma_wait3A_104, %dma_wait3A_105] : memref<10000x128xf32, #tpu.memory_space<hbm>> -> memref<10000x128xf32, #tpu.memory_space<hbm>>
      tpu.wait_indirect_dma semaphore(%arg22 : memref<!tpu.dma_semaphore, #tpu.memory_space<semaphore_mem>>) src(%dma_wait3A_106 : memref<10000x128xf32, #tpu.memory_space<hbm>>) dst(%arg14 : memref<128x128xf32, #tpu.memory_space<vmem>>)
      %dma_start3A_107 = arith.constant 0 : i32
      %dma_start3A_108 = tpu.memref_slice %arg8[%add3A_90, %dma_start3A_107] : memref<320000x128xf32, #tpu.memory_space<hbm>> -> memref<128x128xf32, #tpu.memory_space<hbm>>
      %dma_start3A_109 = arith.constant 0 : i32
      %dma_start3A_110 = tpu.memref_slice %arg8[%add3A_90, %dma_start3A_109] : memref<320000x128xf32, #tpu.memory_space<hbm>> -> memref<128x128xf32, #tpu.memory_space<hbm>>
      tpu.enqueue_dma source(%arg14 : memref<128x128xf32, #tpu.memory_space<vmem>>) target(%dma_start3A_110 : memref<128x128xf32, #tpu.memory_space<hbm>>) target_semaphore(%arg24 : memref<!tpu.dma_semaphore, #tpu.memory_space<semaphore_mem>>)
      %get3A_111 = arith.constant 0 : index
      %get3A_112 = tpu.vector_load %arg11[%get3A_111] {strides = array<i32>} : memref<128xi32, #tpu.memory_space<vmem>>, vector<16xi32>,
      %mul3A_113 = arith.constant 3 : i32
      %mul3A_114 = vector.broadcast %mul3A_113 : i32 to vector<16xi32>
      %mul3A_115 = arith.muli %get3A_112, %mul3A_114 : vector<16xi32>
      %get3A_116 = arith.constant 0 : index
      %get3A_117 = tpu.vector_load %arg12[%get3A_116] {strides = array<i32>} : memref<128xi32, #tpu.memory_space<vmem>>, vector<16xi32>,
      %mul3A_118 = arith.constant 3 : i32
      %mul3A_119 = vector.broadcast %mul3A_118 : i32 to vector<16xi32>
      %mul3A_120 = arith.muli %get3A_117, %mul3A_119 : vector<16xi32>
      %iota3A_121 = tpu.iota {dimensions = array<i32: 0>} : vector<16xi32>
      %add3A_122 = arith.constant 0 : i32
      %add3A_123 = vector.broadcast %add3A_122 : i32 to vector<16xi32>
      %add3A_124 = arith.addi %iota3A_121, %add3A_123 : vector<16xi32>
      %add3A_125 = arith.constant 0 : i32
      %add3A_126 = vector.broadcast %add3A_125 : i32 to vector<16xi32>
      %add3A_127 = arith.addi %mul3A_115, %add3A_126 : vector<16xi32>
      %gather3A_128 = tpu.vector_load_idx %arg10[%add3A_127] : memref<30000xf32, #tpu.memory_space<vmem>>[vector<16xi32>], vector<16xf32>,
      %add3A_129 = arith.constant 0 : i32
      %add3A_130 = vector.broadcast %add3A_129 : i32 to vector<16xi32>
      %add3A_131 = arith.addi %mul3A_120, %add3A_130 : vector<16xi32>
      %gather3A_132 = tpu.vector_load_idx %arg10[%add3A_131] : memref<30000xf32, #tpu.memory_space<vmem>>[vector<16xi32>], vector<16xf32>,
      %sub3A_133 = arith.subf %gather3A_128, %gather3A_132 : vector<16xf32>
      %broadcast_in_dim3A_134 = arith.constant 0 : i32
      %broadcast_in_dim3A_135 = vector.broadcast %broadcast_in_dim3A_134 : i32 to vector<16xi32>
      tpu.vector_store_idx %arg15[%add3A_124, %broadcast_in_dim3A_135], %sub3A_133 : memref<128x4xf32, #tpu.memory_space<vmem>>[vector<16xi32>, vector<16xi32>], vector<16xf32>,
      %mul3A_136 = arith.mulf %sub3A_133, %sub3A_133 : vector<16xf32>
      %add3A_137 = arith.constant 1 : i32
      %add3A_138 = vector.broadcast %add3A_137 : i32 to vector<16xi32>
      %add3A_139 = arith.addi %mul3A_115, %add3A_138 : vector<16xi32>
      %gather3A_140 = tpu.vector_load_idx %arg10[%add3A_139] : memref<30000xf32, #tpu.memory_space<vmem>>[vector<16xi32>], vector<16xf32>,
      %add3A_141 = arith.constant 1 : i32
      %add3A_142 = vector.broadcast %add3A_141 : i32 to vector<16xi32>
      %add3A_143 = arith.addi %mul3A_120, %add3A_142 : vector<16xi32>
      %gather3A_144 = tpu.vector_load_idx %arg10[%add3A_143] : memref<30000xf32, #tpu.memory_space<vmem>>[vector<16xi32>], vector<16xf32>,
      %sub3A_145 = arith.subf %gather3A_140, %gather3A_144 : vector<16xf32>
      %broadcast_in_dim3A_146 = arith.constant 1 : i32
      %broadcast_in_dim3A_147 = vector.broadcast %broadcast_in_dim3A_146 : i32 to vector<16xi32>
      tpu.vector_store_idx %arg15[%add3A_124, %broadcast_in_dim3A_147], %sub3A_145 : memref<128x4xf32, #tpu.memory_space<vmem>>[vector<16xi32>, vector<16xi32>], vector<16xf32>,
      %mul3A_148 = arith.mulf %sub3A_145, %sub3A_145 : vector<16xf32>
      %add3A_149 = arith.addf %mul3A_136, %mul3A_148 : vector<16xf32>
      %add3A_150 = arith.constant 2 : i32
      %add3A_151 = vector.broadcast %add3A_150 : i32 to vector<16xi32>
      %add3A_152 = arith.addi %mul3A_115, %add3A_151 : vector<16xi32>
      %gather3A_153 = tpu.vector_load_idx %arg10[%add3A_152] : memref<30000xf32, #tpu.memory_space<vmem>>[vector<16xi32>], vector<16xf32>,
      %add3A_154 = arith.constant 2 : i32
      %add3A_155 = vector.broadcast %add3A_154 : i32 to vector<16xi32>
      %add3A_156 = arith.addi %mul3A_120, %add3A_155 : vector<16xi32>
      %gather3A_157 = tpu.vector_load_idx %arg10[%add3A_156] : memref<30000xf32, #tpu.memory_space<vmem>>[vector<16xi32>], vector<16xf32>,
      %sub3A_158 = arith.subf %gather3A_153, %gather3A_157 : vector<16xf32>
      %broadcast_in_dim3A_159 = arith.constant 2 : i32
      %broadcast_in_dim3A_160 = vector.broadcast %broadcast_in_dim3A_159 : i32 to vector<16xi32>
      tpu.vector_store_idx %arg15[%add3A_124, %broadcast_in_dim3A_160], %sub3A_158 : memref<128x4xf32, #tpu.memory_space<vmem>>[vector<16xi32>, vector<16xi32>], vector<16xf32>,
      %mul3A_161 = arith.mulf %sub3A_158, %sub3A_158 : vector<16xf32>
      %add3A_162 = arith.addf %add3A_149, %mul3A_161 : vector<16xf32>
      %broadcast_in_dim3A_163 = arith.constant 3 : i32
      %broadcast_in_dim3A_164 = vector.broadcast %broadcast_in_dim3A_163 : i32 to vector<16xi32>
      tpu.vector_store_idx %arg15[%add3A_124, %broadcast_in_dim3A_164], %add3A_162 : memref<128x4xf32, #tpu.memory_space<vmem>>[vector<16xi32>, vector<16xi32>], vector<16xf32>,
      %get3A_165 = arith.constant 16 : index
      %get3A_166 = tpu.vector_load %arg11[%get3A_165] {strides = array<i32>} : memref<128xi32, #tpu.memory_space<vmem>>, vector<16xi32>,
      %mul3A_167 = arith.constant 3 : i32
      %mul3A_168 = vector.broadcast %mul3A_167 : i32 to vector<16xi32>
      %mul3A_169 = arith.muli %get3A_166, %mul3A_168 : vector<16xi32>
      %get3A_170 = arith.constant 16 : index
      %get3A_171 = tpu.vector_load %arg12[%get3A_170] {strides = array<i32>} : memref<128xi32, #tpu.memory_space<vmem>>, vector<16xi32>,
      %mul3A_172 = arith.constant 3 : i32
      %mul3A_173 = vector.broadcast %mul3A_172 : i32 to vector<16xi32>
      %mul3A_174 = arith.muli %get3A_171, %mul3A_173 : vector<16xi32>
      %iota3A_175 = tpu.iota {dimensions = array<i32: 0>} : vector<16xi32>
      %add3A_176 = arith.constant 16 : i32
      %add3A_177 = vector.broadcast %add3A_176 : i32 to vector<16xi32>
      %add3A_178 = arith.addi %iota3A_175, %add3A_177 : vector<16xi32>
      %add3A_179 = arith.constant 0 : i32
      %add3A_180 = vector.broadcast %add3A_179 : i32 to vector<16xi32>
      %add3A_181 = arith.addi %mul3A_169, %add3A_180 : vector<16xi32>
      %gather3A_182 = tpu.vector_load_idx %arg10[%add3A_181] : memref<30000xf32, #tpu.memory_space<vmem>>[vector<16xi32>], vector<16xf32>,
      %add3A_183 = arith.constant 0 : i32
      %add3A_184 = vector.broadcast %add3A_183 : i32 to vector<16xi32>
      %add3A_185 = arith.addi %mul3A_174, %add3A_184 : vector<16xi32>
      %gather3A_186 = tpu.vector_load_idx %arg10[%add3A_185] : memref<30000xf32, #tpu.memory_space<vmem>>[vector<16xi32>], vector<16xf32>,
      %sub3A_187 = arith.subf %gather3A_182, %gather3A_186 : vector<16xf32>
      %broadcast_in_dim3A_188 = arith.constant 0 : i32
      %broadcast_in_dim3A_189 = vector.broadcast %broadcast_in_dim3A_188 : i32 to vector<16xi32>
      tpu.vector_store_idx %arg15[%add3A_178, %broadcast_in_dim3A_189], %sub3A_187 : memref<128x4xf32, #tpu.memory_space<vmem>>[vector<16xi32>, vector<16xi32>], vector<16xf32>,
      %mul3A_190 = arith.mulf %sub3A_187, %sub3A_187 : vector<16xf32>
      %add3A_191 = arith.constant 1 : i32
      %add3A_192 = vector.broadcast %add3A_191 : i32 to vector<16xi32>
      %add3A_193 = arith.addi %mul3A_169, %add3A_192 : vector<16xi32>
      %gather3A_194 = tpu.vector_load_idx %arg10[%add3A_193] : memref<30000xf32, #tpu.memory_space<vmem>>[vector<16xi32>], vector<16xf32>,
      %add3A_195 = arith.constant 1 : i32
      %add3A_196 = vector.broadcast %add3A_195 : i32 to vector<16xi32>
      %add3A_197 = arith.addi %mul3A_174, %add3A_196 : vector<16xi32>
      %gather3A_198 = tpu.vector_load_idx %arg10[%add3A_197] : memref<30000xf32, #tpu.memory_space<vmem>>[vector<16xi32>], vector<16xf32>,
      %sub3A_199 = arith.subf %gather3A_194, %gather3A_198 : vector<16xf32>
      %broadcast_in_dim3A_200 = arith.constant 1 : i32
      %broadcast_in_dim3A_201 = vector.broadcast %broadcast_in_dim3A_200 : i32 to vector<16xi32>
      tpu.vector_store_idx %arg15[%add3A_178, %broadcast_in_dim3A_201], %sub3A_199 : memref<128x4xf32, #tpu.memory_space<vmem>>[vector<16xi32>, vector<16xi32>], vector<16xf32>,
      %mul3A_202 = arith.mulf %sub3A_199, %sub3A_199 : vector<16xf32>
      %add3A_203 = arith.addf %mul3A_190, %mul3A_202 : vector<16xf32>
      %add3A_204 = arith.constant 2 : i32
      %add3A_205 = vector.broadcast %add3A_204 : i32 to vector<16xi32>
      %add3A_206 = arith.addi %mul3A_169, %add3A_205 : vector<16xi32>
      %gather3A_207 = tpu.vector_load_idx %arg10[%add3A_206] : memref<30000xf32, #tpu.memory_space<vmem>>[vector<16xi32>], vector<16xf32>,
      %add3A_208 = arith.constant 2 : i32
      %add3A_209 = vector.broadcast %add3A_208 : i32 to vector<16xi32>
      %add3A_210 = arith.addi %mul3A_174, %add3A_209 : vector<16xi32>
      %gather3A_211 = tpu.vector_load_idx %arg10[%add3A_210] : memref<30000xf32, #tpu.memory_space<vmem>>[vector<16xi32>], vector<16xf32>,
      %sub3A_212 = arith.subf %gather3A_207, %gather3A_211 : vector<16xf32>
      %broadcast_in_dim3A_213 = arith.constant 2 : i32
      %broadcast_in_dim3A_214 = vector.broadcast %broadcast_in_dim3A_213 : i32 to vector<16xi32>
      tpu.vector_store_idx %arg15[%add3A_178, %broadcast_in_dim3A_214], %sub3A_212 : memref<128x4xf32, #tpu.memory_space<vmem>>[vector<16xi32>, vector<16xi32>], vector<16xf32>,
      %mul3A_215 = arith.mulf %sub3A_212, %sub3A_212 : vector<16xf32>
      %add3A_216 = arith.addf %add3A_203, %mul3A_215 : vector<16xf32>
      %broadcast_in_dim3A_217 = arith.constant 3 : i32
      %broadcast_in_dim3A_218 = vector.broadcast %broadcast_in_dim3A_217 : i32 to vector<16xi32>
      tpu.vector_store_idx %arg15[%add3A_178, %broadcast_in_dim3A_218], %add3A_216 : memref<128x4xf32, #tpu.memory_space<vmem>>[vector<16xi32>, vector<16xi32>], vector<16xf32>,
      %get3A_219 = arith.constant 32 : index
      %get3A_220 = tpu.vector_load %arg11[%get3A_219] {strides = array<i32>} : memref<128xi32, #tpu.memory_space<vmem>>, vector<16xi32>,
      %mul3A_221 = arith.constant 3 : i32
      %mul3A_222 = vector.broadcast %mul3A_221 : i32 to vector<16xi32>
      %mul3A_223 = arith.muli %get3A_220, %mul3A_222 : vector<16xi32>
      %get3A_224 = arith.constant 32 : index
      %get3A_225 = tpu.vector_load %arg12[%get3A_224] {strides = array<i32>} : memref<128xi32, #tpu.memory_space<vmem>>, vector<16xi32>,
      %mul3A_226 = arith.constant 3 : i32
      %mul3A_227 = vector.broadcast %mul3A_226 : i32 to vector<16xi32>
      %mul3A_228 = arith.muli %get3A_225, %mul3A_227 : vector<16xi32>
      %iota3A_229 = tpu.iota {dimensions = array<i32: 0>} : vector<16xi32>
      %add3A_230 = arith.constant 32 : i32
      %add3A_231 = vector.broadcast %add3A_230 : i32 to vector<16xi32>
      %add3A_232 = arith.addi %iota3A_229, %add3A_231 : vector<16xi32>
      %add3A_233 = arith.constant 0 : i32
      %add3A_234 = vector.broadcast %add3A_233 : i32 to vector<16xi32>
      %add3A_235 = arith.addi %mul3A_223, %add3A_234 : vector<16xi32>
      %gather3A_236 = tpu.vector_load_idx %arg10[%add3A_235] : memref<30000xf32, #tpu.memory_space<vmem>>[vector<16xi32>], vector<16xf32>,
      %add3A_237 = arith.constant 0 : i32
      %add3A_238 = vector.broadcast %add3A_237 : i32 to vector<16xi32>
      %add3A_239 = arith.addi %mul3A_228, %add3A_238 : vector<16xi32>
      %gather3A_240 = tpu.vector_load_idx %arg10[%add3A_239] : memref<30000xf32, #tpu.memory_space<vmem>>[vector<16xi32>], vector<16xf32>,
      %sub3A_241 = arith.subf %gather3A_236, %gather3A_240 : vector<16xf32>
      %broadcast_in_dim3A_242 = arith.constant 0 : i32
      %broadcast_in_dim3A_243 = vector.broadcast %broadcast_in_dim3A_242 : i32 to vector<16xi32>
      tpu.vector_store_idx %arg15[%add3A_232, %broadcast_in_dim3A_243], %sub3A_241 : memref<128x4xf32, #tpu.memory_space<vmem>>[vector<16xi32>, vector<16xi32>], vector<16xf32>,
      %mul3A_244 = arith.mulf %sub3A_241, %sub3A_241 : vector<16xf32>
      %add3A_245 = arith.constant 1 : i32
      %add3A_246 = vector.broadcast %add3A_245 : i32 to vector<16xi32>
      %add3A_247 = arith.addi %mul3A_223, %add3A_246 : vector<16xi32>
      %gather3A_248 = tpu.vector_load_idx %arg10[%add3A_247] : memref<30000xf32, #tpu.memory_space<vmem>>[vector<16xi32>], vector<16xf32>,
      %add3A_249 = arith.constant 1 : i32
      %add3A_250 = vector.broadcast %add3A_249 : i32 to vector<16xi32>
      %add3A_251 = arith.addi %mul3A_228, %add3A_250 : vector<16xi32>
      %gather3A_252 = tpu.vector_load_idx %arg10[%add3A_251] : memref<30000xf32, #tpu.memory_space<vmem>>[vector<16xi32>], vector<16xf32>,
      %sub3A_253 = arith.subf %gather3A_248, %gather3A_252 : vector<16xf32>
      %broadcast_in_dim3A_254 = arith.constant 1 : i32
      %broadcast_in_dim3A_255 = vector.broadcast %broadcast_in_dim3A_254 : i32 to vector<16xi32>
      tpu.vector_store_idx %arg15[%add3A_232, %broadcast_in_dim3A_255], %sub3A_253 : memref<128x4xf32, #tpu.memory_space<vmem>>[vector<16xi32>, vector<16xi32>], vector<16xf32>,
      %mul3A_256 = arith.mulf %sub3A_253, %sub3A_253 : vector<16xf32>
      %add3A_257 = arith.addf %mul3A_244, %mul3A_256 : vector<16xf32>
      %add3A_258 = arith.constant 2 : i32
      %add3A_259 = vector.broadcast %add3A_258 : i32 to vector<16xi32>
      %add3A_260 = arith.addi %mul3A_223, %add3A_259 : vector<16xi32>
      %gather3A_261 = tpu.vector_load_idx %arg10[%add3A_260] : memref<30000xf32, #tpu.memory_space<vmem>>[vector<16xi32>], vector<16xf32>,
      %add3A_262 = arith.constant 2 : i32
      %add3A_263 = vector.broadcast %add3A_262 : i32 to vector<16xi32>
      %add3A_264 = arith.addi %mul3A_228, %add3A_263 : vector<16xi32>
      %gather3A_265 = tpu.vector_load_idx %arg10[%add3A_264] : memref<30000xf32, #tpu.memory_space<vmem>>[vector<16xi32>], vector<16xf32>,
      %sub3A_266 = arith.subf %gather3A_261, %gather3A_265 : vector<16xf32>
      %broadcast_in_dim3A_267 = arith.constant 2 : i32
      %broadcast_in_dim3A_268 = vector.broadcast %broadcast_in_dim3A_267 : i32 to vector<16xi32>
      tpu.vector_store_idx %arg15[%add3A_232, %broadcast_in_dim3A_268], %sub3A_266 : memref<128x4xf32, #tpu.memory_space<vmem>>[vector<16xi32>, vector<16xi32>], vector<16xf32>,
      %mul3A_269 = arith.mulf %sub3A_266, %sub3A_266 : vector<16xf32>
      %add3A_270 = arith.addf %add3A_257, %mul3A_269 : vector<16xf32>
      %broadcast_in_dim3A_271 = arith.constant 3 : i32
      %broadcast_in_dim3A_272 = vector.broadcast %broadcast_in_dim3A_271 : i32 to vector<16xi32>
      tpu.vector_store_idx %arg15[%add3A_232, %broadcast_in_dim3A_272], %add3A_270 : memref<128x4xf32, #tpu.memory_space<vmem>>[vector<16xi32>, vector<16xi32>], vector<16xf32>,
      %get3A_273 = arith.constant 48 : index
      %get3A_274 = tpu.vector_load %arg11[%get3A_273] {strides = array<i32>} : memref<128xi32, #tpu.memory_space<vmem>>, vector<16xi32>,
      %mul3A_275 = arith.constant 3 : i32
      %mul3A_276 = vector.broadcast %mul3A_275 : i32 to vector<16xi32>
      %mul3A_277 = arith.muli %get3A_274, %mul3A_276 : vector<16xi32>
      %get3A_278 = arith.constant 48 : index
      %get3A_279 = tpu.vector_load %arg12[%get3A_278] {strides = array<i32>} : memref<128xi32, #tpu.memory_space<vmem>>, vector<16xi32>,
      %mul3A_280 = arith.constant 3 : i32
      %mul3A_281 = vector.broadcast %mul3A_280 : i32 to vector<16xi32>
      %mul3A_282 = arith.muli %get3A_279, %mul3A_281 : vector<16xi32>
      %iota3A_283 = tpu.iota {dimensions = array<i32: 0>} : vector<16xi32>
      %add3A_284 = arith.constant 48 : i32
      %add3A_285 = vector.broadcast %add3A_284 : i32 to vector<16xi32>
      %add3A_286 = arith.addi %iota3A_283, %add3A_285 : vector<16xi32>
      %add3A_287 = arith.constant 0 : i32
      %add3A_288 = vector.broadcast %add3A_287 : i32 to vector<16xi32>
      %add3A_289 = arith.addi %mul3A_277, %add3A_288 : vector<16xi32>
      %gather3A_290 = tpu.vector_load_idx %arg10[%add3A_289] : memref<30000xf32, #tpu.memory_space<vmem>>[vector<16xi32>], vector<16xf32>,
      %add3A_291 = arith.constant 0 : i32
      %add3A_292 = vector.broadcast %add3A_291 : i32 to vector<16xi32>
      %add3A_293 = arith.addi %mul3A_282, %add3A_292 : vector<16xi32>
      %gather3A_294 = tpu.vector_load_idx %arg10[%add3A_293] : memref<30000xf32, #tpu.memory_space<vmem>>[vector<16xi32>], vector<16xf32>,
      %sub3A_295 = arith.subf %gather3A_290, %gather3A_294 : vector<16xf32>
      %broadcast_in_dim3A_296 = arith.constant 0 : i32
      %broadcast_in_dim3A_297 = vector.broadcast %broadcast_in_dim3A_296 : i32 to vector<16xi32>
      tpu.vector_store_idx %arg15[%add3A_286, %broadcast_in_dim3A_297], %sub3A_295 : memref<128x4xf32, #tpu.memory_space<vmem>>[vector<16xi32>, vector<16xi32>], vector<16xf32>,
      %mul3A_298 = arith.mulf %sub3A_295, %sub3A_295 : vector<16xf32>
      %add3A_299 = arith.constant 1 : i32
      %add3A_300 = vector.broadcast %add3A_299 : i32 to vector<16xi32>
      %add3A_301 = arith.addi %mul3A_277, %add3A_300 : vector<16xi32>
      %gather3A_302 = tpu.vector_load_idx %arg10[%add3A_301] : memref<30000xf32, #tpu.memory_space<vmem>>[vector<16xi32>], vector<16xf32>,
      %add3A_303 = arith.constant 1 : i32
      %add3A_304 = vector.broadcast %add3A_303 : i32 to vector<16xi32>
      %add3A_305 = arith.addi %mul3A_282, %add3A_304 : vector<16xi32>
      %gather3A_306 = tpu.vector_load_idx %arg10[%add3A_305] : memref<30000xf32, #tpu.memory_space<vmem>>[vector<16xi32>], vector<16xf32>,
      %sub3A_307 = arith.subf %gather3A_302, %gather3A_306 : vector<16xf32>
      %broadcast_in_dim3A_308 = arith.constant 1 : i32
      %broadcast_in_dim3A_309 = vector.broadcast %broadcast_in_dim3A_308 : i32 to vector<16xi32>
      tpu.vector_store_idx %arg15[%add3A_286, %broadcast_in_dim3A_309], %sub3A_307 : memref<128x4xf32, #tpu.memory_space<vmem>>[vector<16xi32>, vector<16xi32>], vector<16xf32>,
      %mul3A_310 = arith.mulf %sub3A_307, %sub3A_307 : vector<16xf32>
      %add3A_311 = arith.addf %mul3A_298, %mul3A_310 : vector<16xf32>
      %add3A_312 = arith.constant 2 : i32
      %add3A_313 = vector.broadcast %add3A_312 : i32 to vector<16xi32>
      %add3A_314 = arith.addi %mul3A_277, %add3A_313 : vector<16xi32>
      %gather3A_315 = tpu.vector_load_idx %arg10[%add3A_314] : memref<30000xf32, #tpu.memory_space<vmem>>[vector<16xi32>], vector<16xf32>,
      %add3A_316 = arith.constant 2 : i32
      %add3A_317 = vector.broadcast %add3A_316 : i32 to vector<16xi32>
      %add3A_318 = arith.addi %mul3A_282, %add3A_317 : vector<16xi32>
      %gather3A_319 = tpu.vector_load_idx %arg10[%add3A_318] : memref<30000xf32, #tpu.memory_space<vmem>>[vector<16xi32>], vector<16xf32>,
      %sub3A_320 = arith.subf %gather3A_315, %gather3A_319 : vector<16xf32>
      %broadcast_in_dim3A_321 = arith.constant 2 : i32
      %broadcast_in_dim3A_322 = vector.broadcast %broadcast_in_dim3A_321 : i32 to vector<16xi32>
      tpu.vector_store_idx %arg15[%add3A_286, %broadcast_in_dim3A_322], %sub3A_320 : memref<128x4xf32, #tpu.memory_space<vmem>>[vector<16xi32>, vector<16xi32>], vector<16xf32>,
      %mul3A_323 = arith.mulf %sub3A_320, %sub3A_320 : vector<16xf32>
      %add3A_324 = arith.addf %add3A_311, %mul3A_323 : vector<16xf32>
      %broadcast_in_dim3A_325 = arith.constant 3 : i32
      %broadcast_in_dim3A_326 = vector.broadcast %broadcast_in_dim3A_325 : i32 to vector<16xi32>
      tpu.vector_store_idx %arg15[%add3A_286, %broadcast_in_dim3A_326], %add3A_324 : memref<128x4xf32, #tpu.memory_space<vmem>>[vector<16xi32>, vector<16xi32>], vector<16xf32>,
      %get3A_327 = arith.constant 64 : index
      %get3A_328 = tpu.vector_load %arg11[%get3A_327] {strides = array<i32>} : memref<128xi32, #tpu.memory_space<vmem>>, vector<16xi32>,
      %mul3A_329 = arith.constant 3 : i32
      %mul3A_330 = vector.broadcast %mul3A_329 : i32 to vector<16xi32>
      %mul3A_331 = arith.muli %get3A_328, %mul3A_330 : vector<16xi32>
      %get3A_332 = arith.constant 64 : index
      %get3A_333 = tpu.vector_load %arg12[%get3A_332] {strides = array<i32>} : memref<128xi32, #tpu.memory_space<vmem>>, vector<16xi32>,
      %mul3A_334 = arith.constant 3 : i32
      %mul3A_335 = vector.broadcast %mul3A_334 : i32 to vector<16xi32>
      %mul3A_336 = arith.muli %get3A_333, %mul3A_335 : vector<16xi32>
      %iota3A_337 = tpu.iota {dimensions = array<i32: 0>} : vector<16xi32>
      %add3A_338 = arith.constant 64 : i32
      %add3A_339 = vector.broadcast %add3A_338 : i32 to vector<16xi32>
      %add3A_340 = arith.addi %iota3A_337, %add3A_339 : vector<16xi32>
      %add3A_341 = arith.constant 0 : i32
      %add3A_342 = vector.broadcast %add3A_341 : i32 to vector<16xi32>
      %add3A_343 = arith.addi %mul3A_331, %add3A_342 : vector<16xi32>
      %gather3A_344 = tpu.vector_load_idx %arg10[%add3A_343] : memref<30000xf32, #tpu.memory_space<vmem>>[vector<16xi32>], vector<16xf32>,
      %add3A_345 = arith.constant 0 : i32
      %add3A_346 = vector.broadcast %add3A_345 : i32 to vector<16xi32>
      %add3A_347 = arith.addi %mul3A_336, %add3A_346 : vector<16xi32>
      %gather3A_348 = tpu.vector_load_idx %arg10[%add3A_347] : memref<30000xf32, #tpu.memory_space<vmem>>[vector<16xi32>], vector<16xf32>,
      %sub3A_349 = arith.subf %gather3A_344, %gather3A_348 : vector<16xf32>
      %broadcast_in_dim3A_350 = arith.constant 0 : i32
      %broadcast_in_dim3A_351 = vector.broadcast %broadcast_in_dim3A_350 : i32 to vector<16xi32>
      tpu.vector_store_idx %arg15[%add3A_340, %broadcast_in_dim3A_351], %sub3A_349 : memref<128x4xf32, #tpu.memory_space<vmem>>[vector<16xi32>, vector<16xi32>], vector<16xf32>,
      %mul3A_352 = arith.mulf %sub3A_349, %sub3A_349 : vector<16xf32>
      %add3A_353 = arith.constant 1 : i32
      %add3A_354 = vector.broadcast %add3A_353 : i32 to vector<16xi32>
      %add3A_355 = arith.addi %mul3A_331, %add3A_354 : vector<16xi32>
      %gather3A_356 = tpu.vector_load_idx %arg10[%add3A_355] : memref<30000xf32, #tpu.memory_space<vmem>>[vector<16xi32>], vector<16xf32>,
      %add3A_357 = arith.constant 1 : i32
      %add3A_358 = vector.broadcast %add3A_357 : i32 to vector<16xi32>
      %add3A_359 = arith.addi %mul3A_336, %add3A_358 : vector<16xi32>
      %gather3A_360 = tpu.vector_load_idx %arg10[%add3A_359] : memref<30000xf32, #tpu.memory_space<vmem>>[vector<16xi32>], vector<16xf32>,
      %sub3A_361 = arith.subf %gather3A_356, %gather3A_360 : vector<16xf32>
      %broadcast_in_dim3A_362 = arith.constant 1 : i32
      %broadcast_in_dim3A_363 = vector.broadcast %broadcast_in_dim3A_362 : i32 to vector<16xi32>
      tpu.vector_store_idx %arg15[%add3A_340, %broadcast_in_dim3A_363], %sub3A_361 : memref<128x4xf32, #tpu.memory_space<vmem>>[vector<16xi32>, vector<16xi32>], vector<16xf32>,
      %mul3A_364 = arith.mulf %sub3A_361, %sub3A_361 : vector<16xf32>
      %add3A_365 = arith.addf %mul3A_352, %mul3A_364 : vector<16xf32>
      %add3A_366 = arith.constant 2 : i32
      %add3A_367 = vector.broadcast %add3A_366 : i32 to vector<16xi32>
      %add3A_368 = arith.addi %mul3A_331, %add3A_367 : vector<16xi32>
      %gather3A_369 = tpu.vector_load_idx %arg10[%add3A_368] : memref<30000xf32, #tpu.memory_space<vmem>>[vector<16xi32>], vector<16xf32>,
      %add3A_370 = arith.constant 2 : i32
      %add3A_371 = vector.broadcast %add3A_370 : i32 to vector<16xi32>
      %add3A_372 = arith.addi %mul3A_336, %add3A_371 : vector<16xi32>
      %gather3A_373 = tpu.vector_load_idx %arg10[%add3A_372] : memref<30000xf32, #tpu.memory_space<vmem>>[vector<16xi32>], vector<16xf32>,
      %sub3A_374 = arith.subf %gather3A_369, %gather3A_373 : vector<16xf32>
      %broadcast_in_dim3A_375 = arith.constant 2 : i32
      %broadcast_in_dim3A_376 = vector.broadcast %broadcast_in_dim3A_375 : i32 to vector<16xi32>
      tpu.vector_store_idx %arg15[%add3A_340, %broadcast_in_dim3A_376], %sub3A_374 : memref<128x4xf32, #tpu.memory_space<vmem>>[vector<16xi32>, vector<16xi32>], vector<16xf32>,
      %mul3A_377 = arith.mulf %sub3A_374, %sub3A_374 : vector<16xf32>
      %add3A_378 = arith.addf %add3A_365, %mul3A_377 : vector<16xf32>
      %broadcast_in_dim3A_379 = arith.constant 3 : i32
      %broadcast_in_dim3A_380 = vector.broadcast %broadcast_in_dim3A_379 : i32 to vector<16xi32>
      tpu.vector_store_idx %arg15[%add3A_340, %broadcast_in_dim3A_380], %add3A_378 : memref<128x4xf32, #tpu.memory_space<vmem>>[vector<16xi32>, vector<16xi32>], vector<16xf32>,
      %get3A_381 = arith.constant 80 : index
      %get3A_382 = tpu.vector_load %arg11[%get3A_381] {strides = array<i32>} : memref<128xi32, #tpu.memory_space<vmem>>, vector<16xi32>,
      %mul3A_383 = arith.constant 3 : i32
      %mul3A_384 = vector.broadcast %mul3A_383 : i32 to vector<16xi32>
      %mul3A_385 = arith.muli %get3A_382, %mul3A_384 : vector<16xi32>
      %get3A_386 = arith.constant 80 : index
      %get3A_387 = tpu.vector_load %arg12[%get3A_386] {strides = array<i32>} : memref<128xi32, #tpu.memory_space<vmem>>, vector<16xi32>,
      %mul3A_388 = arith.constant 3 : i32
      %mul3A_389 = vector.broadcast %mul3A_388 : i32 to vector<16xi32>
      %mul3A_390 = arith.muli %get3A_387, %mul3A_389 : vector<16xi32>
      %iota3A_391 = tpu.iota {dimensions = array<i32: 0>} : vector<16xi32>
      %add3A_392 = arith.constant 80 : i32
      %add3A_393 = vector.broadcast %add3A_392 : i32 to vector<16xi32>
      %add3A_394 = arith.addi %iota3A_391, %add3A_393 : vector<16xi32>
      %add3A_395 = arith.constant 0 : i32
      %add3A_396 = vector.broadcast %add3A_395 : i32 to vector<16xi32>
      %add3A_397 = arith.addi %mul3A_385, %add3A_396 : vector<16xi32>
      %gather3A_398 = tpu.vector_load_idx %arg10[%add3A_397] : memref<30000xf32, #tpu.memory_space<vmem>>[vector<16xi32>], vector<16xf32>,
      %add3A_399 = arith.constant 0 : i32
      %add3A_400 = vector.broadcast %add3A_399 : i32 to vector<16xi32>
      %add3A_401 = arith.addi %mul3A_390, %add3A_400 : vector<16xi32>
      %gather3A_402 = tpu.vector_load_idx %arg10[%add3A_401] : memref<30000xf32, #tpu.memory_space<vmem>>[vector<16xi32>], vector<16xf32>,
      %sub3A_403 = arith.subf %gather3A_398, %gather3A_402 : vector<16xf32>
      %broadcast_in_dim3A_404 = arith.constant 0 : i32
      %broadcast_in_dim3A_405 = vector.broadcast %broadcast_in_dim3A_404 : i32 to vector<16xi32>
      tpu.vector_store_idx %arg15[%add3A_394, %broadcast_in_dim3A_405], %sub3A_403 : memref<128x4xf32, #tpu.memory_space<vmem>>[vector<16xi32>, vector<16xi32>], vector<16xf32>,
      %mul3A_406 = arith.mulf %sub3A_403, %sub3A_403 : vector<16xf32>
      %add3A_407 = arith.constant 1 : i32
      %add3A_408 = vector.broadcast %add3A_407 : i32 to vector<16xi32>
      %add3A_409 = arith.addi %mul3A_385, %add3A_408 : vector<16xi32>
      %gather3A_410 = tpu.vector_load_idx %arg10[%add3A_409] : memref<30000xf32, #tpu.memory_space<vmem>>[vector<16xi32>], vector<16xf32>,
      %add3A_411 = arith.constant 1 : i32
      %add3A_412 = vector.broadcast %add3A_411 : i32 to vector<16xi32>
      %add3A_413 = arith.addi %mul3A_390, %add3A_412 : vector<16xi32>
      %gather3A_414 = tpu.vector_load_idx %arg10[%add3A_413] : memref<30000xf32, #tpu.memory_space<vmem>>[vector<16xi32>], vector<16xf32>,
      %sub3A_415 = arith.subf %gather3A_410, %gather3A_414 : vector<16xf32>
      %broadcast_in_dim3A_416 = arith.constant 1 : i32
      %broadcast_in_dim3A_417 = vector.broadcast %broadcast_in_dim3A_416 : i32 to vector<16xi32>
      tpu.vector_store_idx %arg15[%add3A_394, %broadcast_in_dim3A_417], %sub3A_415 : memref<128x4xf32, #tpu.memory_space<vmem>>[vector<16xi32>, vector<16xi32>], vector<16xf32>,
      %mul3A_418 = arith.mulf %sub3A_415, %sub3A_415 : vector<16xf32>
      %add3A_419 = arith.addf %mul3A_406, %mul3A_418 : vector<16xf32>
      %add3A_420 = arith.constant 2 : i32
      %add3A_421 = vector.broadcast %add3A_420 : i32 to vector<16xi32>
      %add3A_422 = arith.addi %mul3A_385, %add3A_421 : vector<16xi32>
      %gather3A_423 = tpu.vector_load_idx %arg10[%add3A_422] : memref<30000xf32, #tpu.memory_space<vmem>>[vector<16xi32>], vector<16xf32>,
      %add3A_424 = arith.constant 2 : i32
      %add3A_425 = vector.broadcast %add3A_424 : i32 to vector<16xi32>
      %add3A_426 = arith.addi %mul3A_390, %add3A_425 : vector<16xi32>
      %gather3A_427 = tpu.vector_load_idx %arg10[%add3A_426] : memref<30000xf32, #tpu.memory_space<vmem>>[vector<16xi32>], vector<16xf32>,
      %sub3A_428 = arith.subf %gather3A_423, %gather3A_427 : vector<16xf32>
      %broadcast_in_dim3A_429 = arith.constant 2 : i32
      %broadcast_in_dim3A_430 = vector.broadcast %broadcast_in_dim3A_429 : i32 to vector<16xi32>
      tpu.vector_store_idx %arg15[%add3A_394, %broadcast_in_dim3A_430], %sub3A_428 : memref<128x4xf32, #tpu.memory_space<vmem>>[vector<16xi32>, vector<16xi32>], vector<16xf32>,
      %mul3A_431 = arith.mulf %sub3A_428, %sub3A_428 : vector<16xf32>
      %add3A_432 = arith.addf %add3A_419, %mul3A_431 : vector<16xf32>
      %broadcast_in_dim3A_433 = arith.constant 3 : i32
      %broadcast_in_dim3A_434 = vector.broadcast %broadcast_in_dim3A_433 : i32 to vector<16xi32>
      tpu.vector_store_idx %arg15[%add3A_394, %broadcast_in_dim3A_434], %add3A_432 : memref<128x4xf32, #tpu.memory_space<vmem>>[vector<16xi32>, vector<16xi32>], vector<16xf32>,
      %get3A_435 = arith.constant 96 : index
      %get3A_436 = tpu.vector_load %arg11[%get3A_435] {strides = array<i32>} : memref<128xi32, #tpu.memory_space<vmem>>, vector<16xi32>,
      %mul3A_437 = arith.constant 3 : i32
      %mul3A_438 = vector.broadcast %mul3A_437 : i32 to vector<16xi32>
      %mul3A_439 = arith.muli %get3A_436, %mul3A_438 : vector<16xi32>
      %get3A_440 = arith.constant 96 : index
      %get3A_441 = tpu.vector_load %arg12[%get3A_440] {strides = array<i32>} : memref<128xi32, #tpu.memory_space<vmem>>, vector<16xi32>,
      %mul3A_442 = arith.constant 3 : i32
      %mul3A_443 = vector.broadcast %mul3A_442 : i32 to vector<16xi32>
      %mul3A_444 = arith.muli %get3A_441, %mul3A_443 : vector<16xi32>
      %iota3A_445 = tpu.iota {dimensions = array<i32: 0>} : vector<16xi32>
      %add3A_446 = arith.constant 96 : i32
      %add3A_447 = vector.broadcast %add3A_446 : i32 to vector<16xi32>
      %add3A_448 = arith.addi %iota3A_445, %add3A_447 : vector<16xi32>
      %add3A_449 = arith.constant 0 : i32
      %add3A_450 = vector.broadcast %add3A_449 : i32 to vector<16xi32>
      %add3A_451 = arith.addi %mul3A_439, %add3A_450 : vector<16xi32>
      %gather3A_452 = tpu.vector_load_idx %arg10[%add3A_451] : memref<30000xf32, #tpu.memory_space<vmem>>[vector<16xi32>], vector<16xf32>,
      %add3A_453 = arith.constant 0 : i32
      %add3A_454 = vector.broadcast %add3A_453 : i32 to vector<16xi32>
      %add3A_455 = arith.addi %mul3A_444, %add3A_454 : vector<16xi32>
      %gather3A_456 = tpu.vector_load_idx %arg10[%add3A_455] : memref<30000xf32, #tpu.memory_space<vmem>>[vector<16xi32>], vector<16xf32>,
      %sub3A_457 = arith.subf %gather3A_452, %gather3A_456 : vector<16xf32>
      %broadcast_in_dim3A_458 = arith.constant 0 : i32
      %broadcast_in_dim3A_459 = vector.broadcast %broadcast_in_dim3A_458 : i32 to vector<16xi32>
      tpu.vector_store_idx %arg15[%add3A_448, %broadcast_in_dim3A_459], %sub3A_457 : memref<128x4xf32, #tpu.memory_space<vmem>>[vector<16xi32>, vector<16xi32>], vector<16xf32>,
      %mul3A_460 = arith.mulf %sub3A_457, %sub3A_457 : vector<16xf32>
      %add3A_461 = arith.constant 1 : i32
      %add3A_462 = vector.broadcast %add3A_461 : i32 to vector<16xi32>
      %add3A_463 = arith.addi %mul3A_439, %add3A_462 : vector<16xi32>
      %gather3A_464 = tpu.vector_load_idx %arg10[%add3A_463] : memref<30000xf32, #tpu.memory_space<vmem>>[vector<16xi32>], vector<16xf32>,
      %add3A_465 = arith.constant 1 : i32
      %add3A_466 = vector.broadcast %add3A_465 : i32 to vector<16xi32>
      %add3A_467 = arith.addi %mul3A_444, %add3A_466 : vector<16xi32>
      %gather3A_468 = tpu.vector_load_idx %arg10[%add3A_467] : memref<30000xf32, #tpu.memory_space<vmem>>[vector<16xi32>], vector<16xf32>,
      %sub3A_469 = arith.subf %gather3A_464, %gather3A_468 : vector<16xf32>
      %broadcast_in_dim3A_470 = arith.constant 1 : i32
      %broadcast_in_dim3A_471 = vector.broadcast %broadcast_in_dim3A_470 : i32 to vector<16xi32>
      tpu.vector_store_idx %arg15[%add3A_448, %broadcast_in_dim3A_471], %sub3A_469 : memref<128x4xf32, #tpu.memory_space<vmem>>[vector<16xi32>, vector<16xi32>], vector<16xf32>,
      %mul3A_472 = arith.mulf %sub3A_469, %sub3A_469 : vector<16xf32>
      %add3A_473 = arith.addf %mul3A_460, %mul3A_472 : vector<16xf32>
      %add3A_474 = arith.constant 2 : i32
      %add3A_475 = vector.broadcast %add3A_474 : i32 to vector<16xi32>
      %add3A_476 = arith.addi %mul3A_439, %add3A_475 : vector<16xi32>
      %gather3A_477 = tpu.vector_load_idx %arg10[%add3A_476] : memref<30000xf32, #tpu.memory_space<vmem>>[vector<16xi32>], vector<16xf32>,
      %add3A_478 = arith.constant 2 : i32
      %add3A_479 = vector.broadcast %add3A_478 : i32 to vector<16xi32>
      %add3A_480 = arith.addi %mul3A_444, %add3A_479 : vector<16xi32>
      %gather3A_481 = tpu.vector_load_idx %arg10[%add3A_480] : memref<30000xf32, #tpu.memory_space<vmem>>[vector<16xi32>], vector<16xf32>,
      %sub3A_482 = arith.subf %gather3A_477, %gather3A_481 : vector<16xf32>
      %broadcast_in_dim3A_483 = arith.constant 2 : i32
      %broadcast_in_dim3A_484 = vector.broadcast %broadcast_in_dim3A_483 : i32 to vector<16xi32>
      tpu.vector_store_idx %arg15[%add3A_448, %broadcast_in_dim3A_484], %sub3A_482 : memref<128x4xf32, #tpu.memory_space<vmem>>[vector<16xi32>, vector<16xi32>], vector<16xf32>,
      %mul3A_485 = arith.mulf %sub3A_482, %sub3A_482 : vector<16xf32>
      %add3A_486 = arith.addf %add3A_473, %mul3A_485 : vector<16xf32>
      %broadcast_in_dim3A_487 = arith.constant 3 : i32
      %broadcast_in_dim3A_488 = vector.broadcast %broadcast_in_dim3A_487 : i32 to vector<16xi32>
      tpu.vector_store_idx %arg15[%add3A_448, %broadcast_in_dim3A_488], %add3A_486 : memref<128x4xf32, #tpu.memory_space<vmem>>[vector<16xi32>, vector<16xi32>], vector<16xf32>,
      %get3A_489 = arith.constant 112 : index
      %get3A_490 = tpu.vector_load %arg11[%get3A_489] {strides = array<i32>} : memref<128xi32, #tpu.memory_space<vmem>>, vector<16xi32>,
      %mul3A_491 = arith.constant 3 : i32
      %mul3A_492 = vector.broadcast %mul3A_491 : i32 to vector<16xi32>
      %mul3A_493 = arith.muli %get3A_490, %mul3A_492 : vector<16xi32>
      %get3A_494 = arith.constant 112 : index
      %get3A_495 = tpu.vector_load %arg12[%get3A_494] {strides = array<i32>} : memref<128xi32, #tpu.memory_space<vmem>>, vector<16xi32>,
      %mul3A_496 = arith.constant 3 : i32
      %mul3A_497 = vector.broadcast %mul3A_496 : i32 to vector<16xi32>
      %mul3A_498 = arith.muli %get3A_495, %mul3A_497 : vector<16xi32>
      %iota3A_499 = tpu.iota {dimensions = array<i32: 0>} : vector<16xi32>
      %add3A_500 = arith.constant 112 : i32
      %add3A_501 = vector.broadcast %add3A_500 : i32 to vector<16xi32>
      %add3A_502 = arith.addi %iota3A_499, %add3A_501 : vector<16xi32>
      %add3A_503 = arith.constant 0 : i32
      %add3A_504 = vector.broadcast %add3A_503 : i32 to vector<16xi32>
      %add3A_505 = arith.addi %mul3A_493, %add3A_504 : vector<16xi32>
      %gather3A_506 = tpu.vector_load_idx %arg10[%add3A_505] : memref<30000xf32, #tpu.memory_space<vmem>>[vector<16xi32>], vector<16xf32>,
      %add3A_507 = arith.constant 0 : i32
      %add3A_508 = vector.broadcast %add3A_507 : i32 to vector<16xi32>
      %add3A_509 = arith.addi %mul3A_498, %add3A_508 : vector<16xi32>
      %gather3A_510 = tpu.vector_load_idx %arg10[%add3A_509] : memref<30000xf32, #tpu.memory_space<vmem>>[vector<16xi32>], vector<16xf32>,
      %sub3A_511 = arith.subf %gather3A_506, %gather3A_510 : vector<16xf32>
      %broadcast_in_dim3A_512 = arith.constant 0 : i32
      %broadcast_in_dim3A_513 = vector.broadcast %broadcast_in_dim3A_512 : i32 to vector<16xi32>
      tpu.vector_store_idx %arg15[%add3A_502, %broadcast_in_dim3A_513], %sub3A_511 : memref<128x4xf32, #tpu.memory_space<vmem>>[vector<16xi32>, vector<16xi32>], vector<16xf32>,
      %mul3A_514 = arith.mulf %sub3A_511, %sub3A_511 : vector<16xf32>
      %add3A_515 = arith.constant 1 : i32
      %add3A_516 = vector.broadcast %add3A_515 : i32 to vector<16xi32>
      %add3A_517 = arith.addi %mul3A_493, %add3A_516 : vector<16xi32>
      %gather3A_518 = tpu.vector_load_idx %arg10[%add3A_517] : memref<30000xf32, #tpu.memory_space<vmem>>[vector<16xi32>], vector<16xf32>,
      %add3A_519 = arith.constant 1 : i32
      %add3A_520 = vector.broadcast %add3A_519 : i32 to vector<16xi32>
      %add3A_521 = arith.addi %mul3A_498, %add3A_520 : vector<16xi32>
      %gather3A_522 = tpu.vector_load_idx %arg10[%add3A_521] : memref<30000xf32, #tpu.memory_space<vmem>>[vector<16xi32>], vector<16xf32>,
      %sub3A_523 = arith.subf %gather3A_518, %gather3A_522 : vector<16xf32>
      %broadcast_in_dim3A_524 = arith.constant 1 : i32
      %broadcast_in_dim3A_525 = vector.broadcast %broadcast_in_dim3A_524 : i32 to vector<16xi32>
      tpu.vector_store_idx %arg15[%add3A_502, %broadcast_in_dim3A_525], %sub3A_523 : memref<128x4xf32, #tpu.memory_space<vmem>>[vector<16xi32>, vector<16xi32>], vector<16xf32>,
      %mul3A_526 = arith.mulf %sub3A_523, %sub3A_523 : vector<16xf32>
      %add3A_527 = arith.addf %mul3A_514, %mul3A_526 : vector<16xf32>
      %add3A_528 = arith.constant 2 : i32
      %add3A_529 = vector.broadcast %add3A_528 : i32 to vector<16xi32>
      %add3A_530 = arith.addi %mul3A_493, %add3A_529 : vector<16xi32>
      %gather3A_531 = tpu.vector_load_idx %arg10[%add3A_530] : memref<30000xf32, #tpu.memory_space<vmem>>[vector<16xi32>], vector<16xf32>,
      %add3A_532 = arith.constant 2 : i32
      %add3A_533 = vector.broadcast %add3A_532 : i32 to vector<16xi32>
      %add3A_534 = arith.addi %mul3A_498, %add3A_533 : vector<16xi32>
      %gather3A_535 = tpu.vector_load_idx %arg10[%add3A_534] : memref<30000xf32, #tpu.memory_space<vmem>>[vector<16xi32>], vector<16xf32>,
      %sub3A_536 = arith.subf %gather3A_531, %gather3A_535 : vector<16xf32>
      %broadcast_in_dim3A_537 = arith.constant 2 : i32
      %broadcast_in_dim3A_538 = vector.broadcast %broadcast_in_dim3A_537 : i32 to vector<16xi32>
      tpu.vector_store_idx %arg15[%add3A_502, %broadcast_in_dim3A_538], %sub3A_536 : memref<128x4xf32, #tpu.memory_space<vmem>>[vector<16xi32>, vector<16xi32>], vector<16xf32>,
      %mul3A_539 = arith.mulf %sub3A_536, %sub3A_536 : vector<16xf32>
      %add3A_540 = arith.addf %add3A_527, %mul3A_539 : vector<16xf32>
      %broadcast_in_dim3A_541 = arith.constant 3 : i32
      %broadcast_in_dim3A_542 = vector.broadcast %broadcast_in_dim3A_541 : i32 to vector<16xi32>
      tpu.vector_store_idx %arg15[%add3A_502, %broadcast_in_dim3A_542], %add3A_540 : memref<128x4xf32, #tpu.memory_space<vmem>>[vector<16xi32>, vector<16xi32>], vector<16xf32>,
      "tpu.region"() ({
        %run_scoped3A = tpu.sem_alloc : memref<!tpu.dma_semaphore, #tpu.memory_space<semaphore_mem>>
        %dma_start3A_551 = arith.constant 0 : i32
        %dma_start3A_552 = tpu.memref_slice %arg9[%add3A_90, %dma_start3A_551] : memref<320000x4xf32, #tpu.memory_space<hbm>> -> memref<128x4xf32, #tpu.memory_space<hbm>>
        %dma_start3A_553 = arith.constant 0 : i32
        %dma_start3A_554 = tpu.memref_slice %arg9[%add3A_90, %dma_start3A_553] : memref<320000x4xf32, #tpu.memory_space<hbm>> -> memref<128x4xf32, #tpu.memory_space<hbm>>
        tpu.enqueue_dma source(%arg15 : memref<128x4xf32, #tpu.memory_space<vmem>>) target(%dma_start3A_554 : memref<128x4xf32, #tpu.memory_space<hbm>>) target_semaphore(%run_scoped3A : memref<!tpu.dma_semaphore, #tpu.memory_space<semaphore_mem>>)
        %dma_wait3A_555 = arith.constant 0 : i32
        %dma_wait3A_556 = tpu.memref_slice %arg9[%add3A_90, %dma_wait3A_555] : memref<320000x4xf32, #tpu.memory_space<hbm>> -> memref<128x4xf32, #tpu.memory_space<hbm>>
        %dma_wait3A_557 = arith.constant 0 : i32
        %dma_wait3A_558 = tpu.memref_slice %arg9[%add3A_90, %dma_wait3A_557] : memref<320000x4xf32, #tpu.memory_space<hbm>> -> memref<128x4xf32, #tpu.memory_space<hbm>>
        tpu.wait_dma2 semaphore(%run_scoped3A : memref<!tpu.dma_semaphore, #tpu.memory_space<semaphore_mem>>) src(%arg15 : memref<128x4xf32, #tpu.memory_space<vmem>>) dst(%dma_wait3A_558 : memref<128x4xf32, #tpu.memory_space<hbm>>)
        tpu.yield
      }) : () -> ()
      %dma_wait3A_543 = arith.constant 0 : i32
      %dma_wait3A_544 = tpu.memref_slice %arg7[%add3A_90, %dma_wait3A_543] : memref<320000x128xf32, #tpu.memory_space<hbm>> -> memref<128x128xf32, #tpu.memory_space<hbm>>
      %dma_wait3A_545 = arith.constant 0 : i32
      %dma_wait3A_546 = tpu.memref_slice %arg7[%add3A_90, %dma_wait3A_545] : memref<320000x128xf32, #tpu.memory_space<hbm>> -> memref<128x128xf32, #tpu.memory_space<hbm>>
      tpu.wait_dma2 semaphore(%arg23 : memref<!tpu.dma_semaphore, #tpu.memory_space<semaphore_mem>>) src(%arg13 : memref<128x128xf32, #tpu.memory_space<vmem>>) dst(%dma_wait3A_546 : memref<128x128xf32, #tpu.memory_space<hbm>>)
      %dma_wait3A_547 = arith.constant 0 : i32
      %dma_wait3A_548 = tpu.memref_slice %arg8[%add3A_90, %dma_wait3A_547] : memref<320000x128xf32, #tpu.memory_space<hbm>> -> memref<128x128xf32, #tpu.memory_space<hbm>>
      %dma_wait3A_549 = arith.constant 0 : i32
      %dma_wait3A_550 = tpu.memref_slice %arg8[%add3A_90, %dma_wait3A_549] : memref<320000x128xf32, #tpu.memory_space<hbm>> -> memref<128x128xf32, #tpu.memory_space<hbm>>
      tpu.wait_dma2 semaphore(%arg24 : memref<!tpu.dma_semaphore, #tpu.memory_space<semaphore_mem>>) src(%arg14 : memref<128x128xf32, #tpu.memory_space<vmem>>) dst(%dma_wait3A_550 : memref<128x128xf32, #tpu.memory_space<hbm>>)
    }
    %scan3A_5 = arith.constant 78 : i32
    %mul3A_6 = arith.constant 10000 : i32
    %mul3A_7 = arith.muli %add3A, %mul3A_6 : i32
    %add3A_8 = arith.constant 9984 : i32
    %add3A_9 = arith.addi %mul3A_7, %add3A_8 : i32
    "tpu.region"() ({
      %run_scoped3A = tpu.sem_alloc : memref<!tpu.dma_semaphore, #tpu.memory_space<semaphore_mem>>
      %dma_start3A_85 = tpu.memref_slice %arg4[%add3A_9] : memref<320000xi32, #tpu.memory_space<hbm>> -> memref<16xi32, #tpu.memory_space<hbm>>
      %dma_start3A_86 = tpu.memref_slice %arg4[%add3A_9] : memref<320000xi32, #tpu.memory_space<hbm>> -> memref<16xi32, #tpu.memory_space<hbm>>
      tpu.enqueue_dma source(%dma_start3A_86 : memref<16xi32, #tpu.memory_space<hbm>>) target(%arg16 : memref<16xi32, #tpu.memory_space<vmem>>) target_semaphore(%run_scoped3A : memref<!tpu.dma_semaphore, #tpu.memory_space<semaphore_mem>>)
      %dma_wait3A_87 = tpu.memref_slice %arg4[%add3A_9] : memref<320000xi32, #tpu.memory_space<hbm>> -> memref<16xi32, #tpu.memory_space<hbm>>
      %dma_wait3A_88 = tpu.memref_slice %arg4[%add3A_9] : memref<320000xi32, #tpu.memory_space<hbm>> -> memref<16xi32, #tpu.memory_space<hbm>>
      tpu.wait_dma2 semaphore(%run_scoped3A : memref<!tpu.dma_semaphore, #tpu.memory_space<semaphore_mem>>) src(%dma_wait3A_88 : memref<16xi32, #tpu.memory_space<hbm>>) dst(%arg16 : memref<16xi32, #tpu.memory_space<vmem>>)
      tpu.yield
    }) : () -> ()
    "tpu.region"() ({
      %run_scoped3A = tpu.sem_alloc : memref<!tpu.dma_semaphore, #tpu.memory_space<semaphore_mem>>
      %dma_start3A_85 = tpu.memref_slice %arg5[%add3A_9] : memref<320000xi32, #tpu.memory_space<hbm>> -> memref<16xi32, #tpu.memory_space<hbm>>
      %dma_start3A_86 = tpu.memref_slice %arg5[%add3A_9] : memref<320000xi32, #tpu.memory_space<hbm>> -> memref<16xi32, #tpu.memory_space<hbm>>
      tpu.enqueue_dma source(%dma_start3A_86 : memref<16xi32, #tpu.memory_space<hbm>>) target(%arg17 : memref<16xi32, #tpu.memory_space<vmem>>) target_semaphore(%run_scoped3A : memref<!tpu.dma_semaphore, #tpu.memory_space<semaphore_mem>>)
      %dma_wait3A_87 = tpu.memref_slice %arg5[%add3A_9] : memref<320000xi32, #tpu.memory_space<hbm>> -> memref<16xi32, #tpu.memory_space<hbm>>
      %dma_wait3A_88 = tpu.memref_slice %arg5[%add3A_9] : memref<320000xi32, #tpu.memory_space<hbm>> -> memref<16xi32, #tpu.memory_space<hbm>>
      tpu.wait_dma2 semaphore(%run_scoped3A : memref<!tpu.dma_semaphore, #tpu.memory_space<semaphore_mem>>) src(%dma_wait3A_88 : memref<16xi32, #tpu.memory_space<hbm>>) dst(%arg17 : memref<16xi32, #tpu.memory_space<vmem>>)
      tpu.yield
    }) : () -> ()
    %dma_start3A = arith.constant 0 : i32
    %dma_start3A_10 = arith.constant 0 : i32
    %dma_start3A_11 = tpu.memref_slice %arg2[%dma_start3A, %dma_start3A_10] : memref<10000x128xf32, #tpu.memory_space<hbm>> -> memref<10000x128xf32, #tpu.memory_space<hbm>>
    tpu.enqueue_indirect_dma source(%dma_start3A_11 : memref<10000x128xf32, #tpu.memory_space<hbm>>) target(%arg18 : memref<16x128xf32, #tpu.memory_space<vmem>>) offsets(%arg16 : memref<16xi32, #tpu.memory_space<vmem>>) semaphore(%arg21 : memref<!tpu.dma_semaphore, #tpu.memory_space<semaphore_mem>>)
    %dma_start3A_12 = arith.constant 0 : i32
    %dma_start3A_13 = arith.constant 0 : i32
    %dma_start3A_14 = tpu.memref_slice %arg3[%dma_start3A_12, %dma_start3A_13] : memref<10000x128xf32, #tpu.memory_space<hbm>> -> memref<10000x128xf32, #tpu.memory_space<hbm>>
    tpu.enqueue_indirect_dma source(%dma_start3A_14 : memref<10000x128xf32, #tpu.memory_space<hbm>>) target(%arg19 : memref<16x128xf32, #tpu.memory_space<vmem>>) offsets(%arg17 : memref<16xi32, #tpu.memory_space<vmem>>) semaphore(%arg22 : memref<!tpu.dma_semaphore, #tpu.memory_space<semaphore_mem>>)
    %dma_wait3A = arith.constant 0 : i32
    %dma_wait3A_15 = arith.constant 0 : i32
    %dma_wait3A_16 = tpu.memref_slice %arg2[%dma_wait3A, %dma_wait3A_15] : memref<10000x128xf32, #tpu.memory_space<hbm>> -> memref<10000x128xf32, #tpu.memory_space<hbm>>
    tpu.wait_indirect_dma semaphore(%arg21 : memref<!tpu.dma_semaphore, #tpu.memory_space<semaphore_mem>>) src(%dma_wait3A_16 : memref<10000x128xf32, #tpu.memory_space<hbm>>) dst(%arg18 : memref<16x128xf32, #tpu.memory_space<vmem>>)
    %dma_start3A_17 = arith.constant 0 : i32
    %dma_start3A_18 = tpu.memref_slice %arg7[%add3A_9, %dma_start3A_17] : memref<320000x128xf32, #tpu.memory_space<hbm>> -> memref<16x128xf32, #tpu.memory_space<hbm>>
    %dma_start3A_19 = arith.constant 0 : i32
    %dma_start3A_20 = tpu.memref_slice %arg7[%add3A_9, %dma_start3A_19] : memref<320000x128xf32, #tpu.memory_space<hbm>> -> memref<16x128xf32, #tpu.memory_space<hbm>>
    tpu.enqueue_dma source(%arg18 : memref<16x128xf32, #tpu.memory_space<vmem>>) target(%dma_start3A_20 : memref<16x128xf32, #tpu.memory_space<hbm>>) target_semaphore(%arg23 : memref<!tpu.dma_semaphore, #tpu.memory_space<semaphore_mem>>)
    %dma_wait3A_21 = arith.constant 0 : i32
    %dma_wait3A_22 = arith.constant 0 : i32
    %dma_wait3A_23 = tpu.memref_slice %arg3[%dma_wait3A_21, %dma_wait3A_22] : memref<10000x128xf32, #tpu.memory_space<hbm>> -> memref<10000x128xf32, #tpu.memory_space<hbm>>
    tpu.wait_indirect_dma semaphore(%arg22 : memref<!tpu.dma_semaphore, #tpu.memory_space<semaphore_mem>>) src(%dma_wait3A_23 : memref<10000x128xf32, #tpu.memory_space<hbm>>) dst(%arg19 : memref<16x128xf32, #tpu.memory_space<vmem>>)
    %dma_start3A_24 = arith.constant 0 : i32
    %dma_start3A_25 = tpu.memref_slice %arg8[%add3A_9, %dma_start3A_24] : memref<320000x128xf32, #tpu.memory_space<hbm>> -> memref<16x128xf32, #tpu.memory_space<hbm>>
    %dma_start3A_26 = arith.constant 0 : i32
    %dma_start3A_27 = tpu.memref_slice %arg8[%add3A_9, %dma_start3A_26] : memref<320000x128xf32, #tpu.memory_space<hbm>> -> memref<16x128xf32, #tpu.memory_space<hbm>>
    tpu.enqueue_dma source(%arg19 : memref<16x128xf32, #tpu.memory_space<vmem>>) target(%dma_start3A_27 : memref<16x128xf32, #tpu.memory_space<hbm>>) target_semaphore(%arg24 : memref<!tpu.dma_semaphore, #tpu.memory_space<semaphore_mem>>)
    %get3A = arith.constant 0 : index
    %get3A_28 = tpu.vector_load %arg16[%get3A] {strides = array<i32>} : memref<16xi32, #tpu.memory_space<vmem>>, vector<16xi32>,
    %mul3A_29 = arith.constant 3 : i32
    %mul3A_30 = vector.broadcast %mul3A_29 : i32 to vector<16xi32>
    %mul3A_31 = arith.muli %get3A_28, %mul3A_30 : vector<16xi32>
    %get3A_32 = arith.constant 0 : index
    %get3A_33 = tpu.vector_load %arg17[%get3A_32] {strides = array<i32>} : memref<16xi32, #tpu.memory_space<vmem>>, vector<16xi32>,
    %mul3A_34 = arith.constant 3 : i32
    %mul3A_35 = vector.broadcast %mul3A_34 : i32 to vector<16xi32>
    %mul3A_36 = arith.muli %get3A_33, %mul3A_35 : vector<16xi32>
    %iota3A = tpu.iota {dimensions = array<i32: 0>} : vector<16xi32>
    %add3A_37 = arith.constant 0 : i32
    %add3A_38 = vector.broadcast %add3A_37 : i32 to vector<16xi32>
    %add3A_39 = arith.addi %iota3A, %add3A_38 : vector<16xi32>
    %add3A_40 = arith.constant 0 : i32
    %add3A_41 = vector.broadcast %add3A_40 : i32 to vector<16xi32>
    %add3A_42 = arith.addi %mul3A_31, %add3A_41 : vector<16xi32>
    %gather3A = tpu.vector_load_idx %arg10[%add3A_42] : memref<30000xf32, #tpu.memory_space<vmem>>[vector<16xi32>], vector<16xf32>,
    %add3A_43 = arith.constant 0 : i32
    %add3A_44 = vector.broadcast %add3A_43 : i32 to vector<16xi32>
    %add3A_45 = arith.addi %mul3A_36, %add3A_44 : vector<16xi32>
    %gather3A_46 = tpu.vector_load_idx %arg10[%add3A_45] : memref<30000xf32, #tpu.memory_space<vmem>>[vector<16xi32>], vector<16xf32>,
    %sub3A = arith.subf %gather3A, %gather3A_46 : vector<16xf32>
    %broadcast_in_dim3A = arith.constant 0 : i32
    %broadcast_in_dim3A_47 = vector.broadcast %broadcast_in_dim3A : i32 to vector<16xi32>
    tpu.vector_store_idx %arg20[%add3A_39, %broadcast_in_dim3A_47], %sub3A : memref<16x4xf32, #tpu.memory_space<vmem>>[vector<16xi32>, vector<16xi32>], vector<16xf32>,
    %mul3A_48 = arith.mulf %sub3A, %sub3A : vector<16xf32>
    %add3A_49 = arith.constant 1 : i32
    %add3A_50 = vector.broadcast %add3A_49 : i32 to vector<16xi32>
    %add3A_51 = arith.addi %mul3A_31, %add3A_50 : vector<16xi32>
    %gather3A_52 = tpu.vector_load_idx %arg10[%add3A_51] : memref<30000xf32, #tpu.memory_space<vmem>>[vector<16xi32>], vector<16xf32>,
    %add3A_53 = arith.constant 1 : i32
    %add3A_54 = vector.broadcast %add3A_53 : i32 to vector<16xi32>
    %add3A_55 = arith.addi %mul3A_36, %add3A_54 : vector<16xi32>
    %gather3A_56 = tpu.vector_load_idx %arg10[%add3A_55] : memref<30000xf32, #tpu.memory_space<vmem>>[vector<16xi32>], vector<16xf32>,
    %sub3A_57 = arith.subf %gather3A_52, %gather3A_56 : vector<16xf32>
    %broadcast_in_dim3A_58 = arith.constant 1 : i32
    %broadcast_in_dim3A_59 = vector.broadcast %broadcast_in_dim3A_58 : i32 to vector<16xi32>
    tpu.vector_store_idx %arg20[%add3A_39, %broadcast_in_dim3A_59], %sub3A_57 : memref<16x4xf32, #tpu.memory_space<vmem>>[vector<16xi32>, vector<16xi32>], vector<16xf32>,
    %mul3A_60 = arith.mulf %sub3A_57, %sub3A_57 : vector<16xf32>
    %add3A_61 = arith.addf %mul3A_48, %mul3A_60 : vector<16xf32>
    %add3A_62 = arith.constant 2 : i32
    %add3A_63 = vector.broadcast %add3A_62 : i32 to vector<16xi32>
    %add3A_64 = arith.addi %mul3A_31, %add3A_63 : vector<16xi32>
    %gather3A_65 = tpu.vector_load_idx %arg10[%add3A_64] : memref<30000xf32, #tpu.memory_space<vmem>>[vector<16xi32>], vector<16xf32>,
    %add3A_66 = arith.constant 2 : i32
    %add3A_67 = vector.broadcast %add3A_66 : i32 to vector<16xi32>
    %add3A_68 = arith.addi %mul3A_36, %add3A_67 : vector<16xi32>
    %gather3A_69 = tpu.vector_load_idx %arg10[%add3A_68] : memref<30000xf32, #tpu.memory_space<vmem>>[vector<16xi32>], vector<16xf32>,
    %sub3A_70 = arith.subf %gather3A_65, %gather3A_69 : vector<16xf32>
    %broadcast_in_dim3A_71 = arith.constant 2 : i32
    %broadcast_in_dim3A_72 = vector.broadcast %broadcast_in_dim3A_71 : i32 to vector<16xi32>
    tpu.vector_store_idx %arg20[%add3A_39, %broadcast_in_dim3A_72], %sub3A_70 : memref<16x4xf32, #tpu.memory_space<vmem>>[vector<16xi32>, vector<16xi32>], vector<16xf32>,
    %mul3A_73 = arith.mulf %sub3A_70, %sub3A_70 : vector<16xf32>
    %add3A_74 = arith.addf %add3A_61, %mul3A_73 : vector<16xf32>
    %broadcast_in_dim3A_75 = arith.constant 3 : i32
    %broadcast_in_dim3A_76 = vector.broadcast %broadcast_in_dim3A_75 : i32 to vector<16xi32>
    tpu.vector_store_idx %arg20[%add3A_39, %broadcast_in_dim3A_76], %add3A_74 : memref<16x4xf32, #tpu.memory_space<vmem>>[vector<16xi32>, vector<16xi32>], vector<16xf32>,
    "tpu.region"() ({
      %run_scoped3A = tpu.sem_alloc : memref<!tpu.dma_semaphore, #tpu.memory_space<semaphore_mem>>
      %dma_start3A_85 = arith.constant 0 : i32
      %dma_start3A_86 = tpu.memref_slice %arg9[%add3A_9, %dma_start3A_85] : memref<320000x4xf32, #tpu.memory_space<hbm>> -> memref<16x4xf32, #tpu.memory_space<hbm>>
      %dma_start3A_87 = arith.constant 0 : i32
      %dma_start3A_88 = tpu.memref_slice %arg9[%add3A_9, %dma_start3A_87] : memref<320000x4xf32, #tpu.memory_space<hbm>> -> memref<16x4xf32, #tpu.memory_space<hbm>>
      tpu.enqueue_dma source(%arg20 : memref<16x4xf32, #tpu.memory_space<vmem>>) target(%dma_start3A_88 : memref<16x4xf32, #tpu.memory_space<hbm>>) target_semaphore(%run_scoped3A : memref<!tpu.dma_semaphore, #tpu.memory_space<semaphore_mem>>)
      %dma_wait3A_89 = arith.constant 0 : i32
      %dma_wait3A_90 = tpu.memref_slice %arg9[%add3A_9, %dma_wait3A_89] : memref<320000x4xf32, #tpu.memory_space<hbm>> -> memref<16x4xf32, #tpu.memory_space<hbm>>
      %dma_wait3A_91 = arith.constant 0 : i32
      %dma_wait3A_92 = tpu.memref_slice %arg9[%add3A_9, %dma_wait3A_91] : memref<320000x4xf32, #tpu.memory_space<hbm>> -> memref<16x4xf32, #tpu.memory_space<hbm>>
      tpu.wait_dma2 semaphore(%run_scoped3A : memref<!tpu.dma_semaphore, #tpu.memory_space<semaphore_mem>>) src(%arg20 : memref<16x4xf32, #tpu.memory_space<vmem>>) dst(%dma_wait3A_92 : memref<16x4xf32, #tpu.memory_space<hbm>>)
      tpu.yield
    }) : () -> ()
    %dma_wait3A_77 = arith.constant 0 : i32
    %dma_wait3A_78 = tpu.memref_slice %arg7[%add3A_9, %dma_wait3A_77] : memref<320000x128xf32, #tpu.memory_space<hbm>> -> memref<16x128xf32, #tpu.memory_space<hbm>>
    %dma_wait3A_79 = arith.constant 0 : i32
    %dma_wait3A_80 = tpu.memref_slice %arg7[%add3A_9, %dma_wait3A_79] : memref<320000x128xf32, #tpu.memory_space<hbm>> -> memref<16x128xf32, #tpu.memory_space<hbm>>
    tpu.wait_dma2 semaphore(%arg23 : memref<!tpu.dma_semaphore, #tpu.memory_space<semaphore_mem>>) src(%arg18 : memref<16x128xf32, #tpu.memory_space<vmem>>) dst(%dma_wait3A_80 : memref<16x128xf32, #tpu.memory_space<hbm>>)
    %dma_wait3A_81 = arith.constant 0 : i32
    %dma_wait3A_82 = tpu.memref_slice %arg8[%add3A_9, %dma_wait3A_81] : memref<320000x128xf32, #tpu.memory_space<hbm>> -> memref<16x128xf32, #tpu.memory_space<hbm>>
    %dma_wait3A_83 = arith.constant 0 : i32
    %dma_wait3A_84 = tpu.memref_slice %arg8[%add3A_9, %dma_wait3A_83] : memref<320000x128xf32, #tpu.memory_space<hbm>> -> memref<16x128xf32, #tpu.memory_space<hbm>>
    tpu.wait_dma2 semaphore(%arg24 : memref<!tpu.dma_semaphore, #tpu.memory_space<semaphore_mem>>) src(%arg19 : memref<16x128xf32, #tpu.memory_space<vmem>>) dst(%dma_wait3A_84 : memref<16x128xf32, #tpu.memory_space<hbm>>)
    return
  }
}

#map = affine_map<(d0, d1) -> (0, 0)>
#map1 = affine_map<(d0, d1) -> (0)>
module attributes {stable_mosaic.version = 14 : i64} {
  func.func @_sc_scatter_body(%arg0: i32, %arg1: i32, %arg2: memref<320000x128xf32, #tpu.memory_space<hbm>>, %arg3: memref<320000xi32, #tpu.memory_space<hbm>>, %arg4: memref<10112x128xf32, #tpu.memory_space<hbm>>, %arg5: memref<20224x128xf32, #tpu.memory_space<hbm>>, %arg6: memref<10112x128xf32, #tpu.memory_space<vmem_shared>>, %arg7: memref<128x128xf32, #tpu.memory_space<vmem>>, %arg8: memref<128xi32, #tpu.memory_space<vmem>>, %arg9: memref<16x128xf32, #tpu.memory_space<vmem>>, %arg10: memref<16xi32, #tpu.memory_space<vmem>>, %arg11: memref<!tpu.dma_semaphore, #tpu.memory_space<semaphore_mem>>, %arg12: memref<!tpu.dma_semaphore, #tpu.memory_space<semaphore_mem>>) attributes {dimension_semantics = [#tpu.dimension_semantics<core_parallel>, #tpu.dimension_semantics<subcore_parallel>], iteration_bounds = array<i64: 2, 16>, scalar_prefetch = 0 : i64, scratch_operands = 7 : i64, tpu.core_type = #tpu.core_type<sc_vector_subcore>, window_params = [{transform_indices = #map}, {transform_indices = #map1}, {transform_indices = #map}, {transform_indices = #map}]} {
    %mul3A = arith.constant 632 : i32
    %mul3A_0 = arith.muli %arg1, %mul3A : i32
    %mul3A_1 = arith.constant 632 : i32
    %mul3A_2 = arith.muli %arg1, %mul3A_1 : i32
    "tpu.region"() ({
      %run_scoped3A = tpu.sem_alloc : memref<!tpu.dma_semaphore, #tpu.memory_space<semaphore_mem>>
      %dma_start3A_32 = arith.constant 0 : i32
      %dma_start3A_33 = tpu.memref_slice %arg6[%mul3A_2, %dma_start3A_32] : memref<10112x128xf32, #tpu.memory_space<vmem_shared>> -> memref<632x128xf32, #tpu.memory_space<vmem_shared>>
      %dma_start3A_34 = arith.constant 0 : i32
      %dma_start3A_35 = tpu.memref_slice %arg4[%mul3A_0, %dma_start3A_34] : memref<10112x128xf32, #tpu.memory_space<hbm>> -> memref<632x128xf32, #tpu.memory_space<hbm>>
      tpu.enqueue_dma source(%dma_start3A_35 : memref<632x128xf32, #tpu.memory_space<hbm>>) target(%dma_start3A_33 : memref<632x128xf32, #tpu.memory_space<vmem_shared>>) target_semaphore(%run_scoped3A : memref<!tpu.dma_semaphore, #tpu.memory_space<semaphore_mem>>)
      %dma_wait3A_36 = arith.constant 0 : i32
      %dma_wait3A_37 = tpu.memref_slice %arg6[%mul3A_2, %dma_wait3A_36] : memref<10112x128xf32, #tpu.memory_space<vmem_shared>> -> memref<632x128xf32, #tpu.memory_space<vmem_shared>>
      %dma_wait3A_38 = arith.constant 0 : i32
      %dma_wait3A_39 = tpu.memref_slice %arg4[%mul3A_0, %dma_wait3A_38] : memref<10112x128xf32, #tpu.memory_space<hbm>> -> memref<632x128xf32, #tpu.memory_space<hbm>>
      tpu.wait_dma2 semaphore(%run_scoped3A : memref<!tpu.dma_semaphore, #tpu.memory_space<semaphore_mem>>) src(%dma_wait3A_39 : memref<632x128xf32, #tpu.memory_space<hbm>>) dst(%dma_wait3A_37 : memref<632x128xf32, #tpu.memory_space<vmem_shared>>)
      tpu.yield
    }) : () -> ()
    %barrier3A = arith.constant 0 : index
    tpu.barrier barrier_id(%barrier3A)
    %scan3A = arith.constant 0 : i32
    %scan3A_3 = arith.constant 0 : i32
    %scan3A_4 = arith.constant 78 : i32
    %scan3A_5 = arith.addi %scan3A_3, %scan3A_4 : i32
    %scan3A_6 = arith.constant 1 : i32
    scf.for %scan3A_32 = %scan3A_3 to %scan3A_5 step %scan3A_6  : i32 {
      %mul3A_33 = arith.constant 160000 : i32
      %mul3A_34 = arith.muli %arg0, %mul3A_33 : i32
      %mul3A_35 = arith.constant 10000 : i32
      %mul3A_36 = arith.muli %arg1, %mul3A_35 : i32
      %add3A_37 = arith.addi %mul3A_34, %mul3A_36 : i32
      %mul3A_38 = arith.constant 128 : i32
      %mul3A_39 = arith.muli %scan3A_32, %mul3A_38 : i32
      %add3A_40 = arith.addi %add3A_37, %mul3A_39 : i32
      %dma_start3A_41 = tpu.memref_slice %arg3[%add3A_40] : memref<320000xi32, #tpu.memory_space<hbm>> -> memref<128xi32, #tpu.memory_space<hbm>>
      %dma_start3A_42 = tpu.memref_slice %arg3[%add3A_40] : memref<320000xi32, #tpu.memory_space<hbm>> -> memref<128xi32, #tpu.memory_space<hbm>>
      tpu.enqueue_dma source(%dma_start3A_42 : memref<128xi32, #tpu.memory_space<hbm>>) target(%arg8 : memref<128xi32, #tpu.memory_space<vmem>>) target_semaphore(%arg12 : memref<!tpu.dma_semaphore, #tpu.memory_space<semaphore_mem>>)
      %dma_start3A_43 = arith.constant 0 : i32
      %dma_start3A_44 = tpu.memref_slice %arg2[%add3A_40, %dma_start3A_43] : memref<320000x128xf32, #tpu.memory_space<hbm>> -> memref<128x128xf32, #tpu.memory_space<hbm>>
      %dma_start3A_45 = arith.constant 0 : i32
      %dma_start3A_46 = tpu.memref_slice %arg2[%add3A_40, %dma_start3A_45] : memref<320000x128xf32, #tpu.memory_space<hbm>> -> memref<128x128xf32, #tpu.memory_space<hbm>>
      tpu.enqueue_dma source(%dma_start3A_46 : memref<128x128xf32, #tpu.memory_space<hbm>>) target(%arg7 : memref<128x128xf32, #tpu.memory_space<vmem>>) target_semaphore(%arg11 : memref<!tpu.dma_semaphore, #tpu.memory_space<semaphore_mem>>)
      %dma_wait3A_47 = tpu.memref_slice %arg3[%add3A_40] : memref<320000xi32, #tpu.memory_space<hbm>> -> memref<128xi32, #tpu.memory_space<hbm>>
      %dma_wait3A_48 = tpu.memref_slice %arg3[%add3A_40] : memref<320000xi32, #tpu.memory_space<hbm>> -> memref<128xi32, #tpu.memory_space<hbm>>
      tpu.wait_dma2 semaphore(%arg12 : memref<!tpu.dma_semaphore, #tpu.memory_space<semaphore_mem>>) src(%dma_wait3A_48 : memref<128xi32, #tpu.memory_space<hbm>>) dst(%arg8 : memref<128xi32, #tpu.memory_space<vmem>>)
      %dma_wait3A_49 = arith.constant 0 : i32
      %dma_wait3A_50 = tpu.memref_slice %arg2[%add3A_40, %dma_wait3A_49] : memref<320000x128xf32, #tpu.memory_space<hbm>> -> memref<128x128xf32, #tpu.memory_space<hbm>>
      %dma_wait3A_51 = arith.constant 0 : i32
      %dma_wait3A_52 = tpu.memref_slice %arg2[%add3A_40, %dma_wait3A_51] : memref<320000x128xf32, #tpu.memory_space<hbm>> -> memref<128x128xf32, #tpu.memory_space<hbm>>
      tpu.wait_dma2 semaphore(%arg11 : memref<!tpu.dma_semaphore, #tpu.memory_space<semaphore_mem>>) src(%dma_wait3A_52 : memref<128x128xf32, #tpu.memory_space<hbm>>) dst(%arg7 : memref<128x128xf32, #tpu.memory_space<vmem>>)
      "tpu.region"() ({
        %run_scoped3A = tpu.sem_alloc : memref<!tpu.dma_semaphore, #tpu.memory_space<semaphore_mem>>
        %dma_start3A_53 = arith.constant 0 : i32
        %dma_start3A_54 = arith.constant 0 : i32
        %dma_start3A_55 = tpu.memref_slice %arg6[%dma_start3A_53, %dma_start3A_54] : memref<10112x128xf32, #tpu.memory_space<vmem_shared>> -> memref<10112x128xf32, #tpu.memory_space<vmem_shared>>
        tpu.enqueue_indirect_dma source(%arg7 : memref<128x128xf32, #tpu.memory_space<vmem>>) target(%dma_start3A_55 : memref<10112x128xf32, #tpu.memory_space<vmem_shared>>) offsets(%arg8 : memref<128xi32, #tpu.memory_space<vmem>>) semaphore(%run_scoped3A : memref<!tpu.dma_semaphore, #tpu.memory_space<semaphore_mem>>) {add = true}
        %dma_wait3A_56 = arith.constant 0 : i32
        %dma_wait3A_57 = arith.constant 0 : i32
        %dma_wait3A_58 = tpu.memref_slice %arg6[%dma_wait3A_56, %dma_wait3A_57] : memref<10112x128xf32, #tpu.memory_space<vmem_shared>> -> memref<10112x128xf32, #tpu.memory_space<vmem_shared>>
        tpu.wait_indirect_dma semaphore(%run_scoped3A : memref<!tpu.dma_semaphore, #tpu.memory_space<semaphore_mem>>) src(%arg7 : memref<128x128xf32, #tpu.memory_space<vmem>>) dst(%dma_wait3A_58 : memref<10112x128xf32, #tpu.memory_space<vmem_shared>>)
        tpu.yield
      }) : () -> ()
    }
    %scan3A_7 = arith.constant 78 : i32
    %mul3A_8 = arith.constant 160000 : i32
    %mul3A_9 = arith.muli %arg0, %mul3A_8 : i32
    %mul3A_10 = arith.constant 10000 : i32
    %mul3A_11 = arith.muli %arg1, %mul3A_10 : i32
    %add3A = arith.addi %mul3A_9, %mul3A_11 : i32
    %add3A_12 = arith.constant 9984 : i32
    %add3A_13 = arith.addi %add3A, %add3A_12 : i32
    %dma_start3A = tpu.memref_slice %arg3[%add3A_13] : memref<320000xi32, #tpu.memory_space<hbm>> -> memref<16xi32, #tpu.memory_space<hbm>>
    %dma_start3A_14 = tpu.memref_slice %arg3[%add3A_13] : memref<320000xi32, #tpu.memory_space<hbm>> -> memref<16xi32, #tpu.memory_space<hbm>>
    tpu.enqueue_dma source(%dma_start3A_14 : memref<16xi32, #tpu.memory_space<hbm>>) target(%arg10 : memref<16xi32, #tpu.memory_space<vmem>>) target_semaphore(%arg12 : memref<!tpu.dma_semaphore, #tpu.memory_space<semaphore_mem>>)
    %dma_start3A_15 = arith.constant 0 : i32
    %dma_start3A_16 = tpu.memref_slice %arg2[%add3A_13, %dma_start3A_15] : memref<320000x128xf32, #tpu.memory_space<hbm>> -> memref<16x128xf32, #tpu.memory_space<hbm>>
    %dma_start3A_17 = arith.constant 0 : i32
    %dma_start3A_18 = tpu.memref_slice %arg2[%add3A_13, %dma_start3A_17] : memref<320000x128xf32, #tpu.memory_space<hbm>> -> memref<16x128xf32, #tpu.memory_space<hbm>>
    tpu.enqueue_dma source(%dma_start3A_18 : memref<16x128xf32, #tpu.memory_space<hbm>>) target(%arg9 : memref<16x128xf32, #tpu.memory_space<vmem>>) target_semaphore(%arg11 : memref<!tpu.dma_semaphore, #tpu.memory_space<semaphore_mem>>)
    %dma_wait3A = tpu.memref_slice %arg3[%add3A_13] : memref<320000xi32, #tpu.memory_space<hbm>> -> memref<16xi32, #tpu.memory_space<hbm>>
    %dma_wait3A_19 = tpu.memref_slice %arg3[%add3A_13] : memref<320000xi32, #tpu.memory_space<hbm>> -> memref<16xi32, #tpu.memory_space<hbm>>
    tpu.wait_dma2 semaphore(%arg12 : memref<!tpu.dma_semaphore, #tpu.memory_space<semaphore_mem>>) src(%dma_wait3A_19 : memref<16xi32, #tpu.memory_space<hbm>>) dst(%arg10 : memref<16xi32, #tpu.memory_space<vmem>>)
    %dma_wait3A_20 = arith.constant 0 : i32
    %dma_wait3A_21 = tpu.memref_slice %arg2[%add3A_13, %dma_wait3A_20] : memref<320000x128xf32, #tpu.memory_space<hbm>> -> memref<16x128xf32, #tpu.memory_space<hbm>>
    %dma_wait3A_22 = arith.constant 0 : i32
    %dma_wait3A_23 = tpu.memref_slice %arg2[%add3A_13, %dma_wait3A_22] : memref<320000x128xf32, #tpu.memory_space<hbm>> -> memref<16x128xf32, #tpu.memory_space<hbm>>
    tpu.wait_dma2 semaphore(%arg11 : memref<!tpu.dma_semaphore, #tpu.memory_space<semaphore_mem>>) src(%dma_wait3A_23 : memref<16x128xf32, #tpu.memory_space<hbm>>) dst(%arg9 : memref<16x128xf32, #tpu.memory_space<vmem>>)
    "tpu.region"() ({
      %run_scoped3A = tpu.sem_alloc : memref<!tpu.dma_semaphore, #tpu.memory_space<semaphore_mem>>
      %dma_start3A_32 = arith.constant 0 : i32
      %dma_start3A_33 = arith.constant 0 : i32
      %dma_start3A_34 = tpu.memref_slice %arg6[%dma_start3A_32, %dma_start3A_33] : memref<10112x128xf32, #tpu.memory_space<vmem_shared>> -> memref<10112x128xf32, #tpu.memory_space<vmem_shared>>
      tpu.enqueue_indirect_dma source(%arg9 : memref<16x128xf32, #tpu.memory_space<vmem>>) target(%dma_start3A_34 : memref<10112x128xf32, #tpu.memory_space<vmem_shared>>) offsets(%arg10 : memref<16xi32, #tpu.memory_space<vmem>>) semaphore(%run_scoped3A : memref<!tpu.dma_semaphore, #tpu.memory_space<semaphore_mem>>) {add = true}
      %dma_wait3A_35 = arith.constant 0 : i32
      %dma_wait3A_36 = arith.constant 0 : i32
      %dma_wait3A_37 = tpu.memref_slice %arg6[%dma_wait3A_35, %dma_wait3A_36] : memref<10112x128xf32, #tpu.memory_space<vmem_shared>> -> memref<10112x128xf32, #tpu.memory_space<vmem_shared>>
      tpu.wait_indirect_dma semaphore(%run_scoped3A : memref<!tpu.dma_semaphore, #tpu.memory_space<semaphore_mem>>) src(%arg9 : memref<16x128xf32, #tpu.memory_space<vmem>>) dst(%dma_wait3A_37 : memref<10112x128xf32, #tpu.memory_space<vmem_shared>>)
      tpu.yield
    }) : () -> ()
    %barrier3A_24 = arith.constant 0 : index
    tpu.barrier barrier_id(%barrier3A_24)
    %mul3A_25 = arith.constant 632 : i32
    %mul3A_26 = arith.muli %arg1, %mul3A_25 : i32
    %mul3A_27 = arith.constant 10112 : i32
    %mul3A_28 = arith.muli %arg0, %mul3A_27 : i32
    %mul3A_29 = arith.constant 632 : i32
    %mul3A_30 = arith.muli %arg1, %mul3A_29 : i32
    %add3A_31 = arith.addi %mul3A_28, %mul3A_30 : i32
    "tpu.region"() ({
      %run_scoped3A = tpu.sem_alloc : memref<!tpu.dma_semaphore, #tpu.memory_space<semaphore_mem>>
      %dma_start3A_32 = arith.constant 0 : i32
      %dma_start3A_33 = tpu.memref_slice %arg5[%add3A_31, %dma_start3A_32] : memref<20224x128xf32, #tpu.memory_space<hbm>> -> memref<632x128xf32, #tpu.memory_space<hbm>>
      %dma_start3A_34 = arith.constant 0 : i32
      %dma_start3A_35 = tpu.memref_slice %arg6[%mul3A_26, %dma_start3A_34] : memref<10112x128xf32, #tpu.memory_space<vmem_shared>> -> memref<632x128xf32, #tpu.memory_space<vmem_shared>>
      tpu.enqueue_dma source(%dma_start3A_35 : memref<632x128xf32, #tpu.memory_space<vmem_shared>>) target(%dma_start3A_33 : memref<632x128xf32, #tpu.memory_space<hbm>>) target_semaphore(%run_scoped3A : memref<!tpu.dma_semaphore, #tpu.memory_space<semaphore_mem>>)
      %dma_wait3A_36 = arith.constant 0 : i32
      %dma_wait3A_37 = tpu.memref_slice %arg5[%add3A_31, %dma_wait3A_36] : memref<20224x128xf32, #tpu.memory_space<hbm>> -> memref<632x128xf32, #tpu.memory_space<hbm>>
      %dma_wait3A_38 = arith.constant 0 : i32
      %dma_wait3A_39 = tpu.memref_slice %arg6[%mul3A_26, %dma_wait3A_38] : memref<10112x128xf32, #tpu.memory_space<vmem_shared>> -> memref<632x128xf32, #tpu.memory_space<vmem_shared>>
      tpu.wait_dma2 semaphore(%run_scoped3A : memref<!tpu.dma_semaphore, #tpu.memory_space<semaphore_mem>>) src(%dma_wait3A_39 : memref<632x128xf32, #tpu.memory_space<vmem_shared>>) dst(%dma_wait3A_37 : memref<632x128xf32, #tpu.memory_space<hbm>>)
      tpu.yield
    }) : () -> ()
    return
  }
}

module attributes {stable_mosaic.version = 14 : i64} {
  func.func @_pre_body(%arg0: i32, %arg1: memref<1000x128xf32, #tpu.memory_space<vmem>>, %arg2: memref<128x128xf32, #tpu.memory_space<vmem>>, %arg3: memref<128x128xf32, #tpu.memory_space<vmem>>, %arg4: memref<1000x128xf32, #tpu.memory_space<vmem>>, %arg5: memref<1000x128xf32, #tpu.memory_space<vmem>>) attributes {dimension_semantics = [#tpu.dimension_semantics<arbitrary>], iteration_bounds = array<i64: 10>, scalar_prefetch = 0 : i64, scratch_operands = 0 : i64, tpu.core_type = #tpu.core_type<tc>, window_params = [{transform_indices = @transform_0, window_bounds = array<i64: 1000, 128>}, {pipeline_mode = #tpu.pipeline_mode<synchronous>, transform_indices = @transform_1, window_bounds = array<i64: 128, 128>}, {pipeline_mode = #tpu.pipeline_mode<synchronous>, transform_indices = @transform_2, window_bounds = array<i64: 128, 128>}, {transform_indices = @transform_3, window_bounds = array<i64: 1000, 128>}, {transform_indices = @transform_4, window_bounds = array<i64: 1000, 128>}]} {
    %get3A = arith.constant 0 : index
    %get3A_0 = arith.constant 0 : index
    %get3A_1 = vector.load %arg1[%get3A, %get3A_0] : memref<1000x128xf32, #tpu.memory_space<vmem>>, vector<1000x128xf32>
    %get3A_2 = arith.constant 0 : index
    %get3A_3 = arith.constant 0 : index
    %get3A_4 = vector.load %arg2[%get3A_2, %get3A_3] : memref<128x128xf32, #tpu.memory_space<vmem>>, vector<128x128xf32>
    %convert_element_type3A = arith.truncf %get3A_1 : vector<1000x128xf32> to vector<1000x128xbf16>
    %convert_element_type3A_5 = arith.truncf %get3A_4 : vector<128x128xf32> to vector<128x128xbf16>
    %dot_general3A = arith.constant dense<0.000000e+00> : vector<1000x128xf32>
    %dot_general3A_6 = tpu.matmul %convert_element_type3A, %convert_element_type3A_5, %dot_general3A {dimension_numbers = #tpu.dot_dimension_numbers<[1], [1], [0], [0], [0, 0, 1, 0], [], []>, transpose_lhs_hint = false} : vector<1000x128xbf16>, vector<128x128xbf16>, vector<1000x128xf32> -> vector<1000x128xf32>
    %swap3A = arith.constant 0 : index
    %swap3A_7 = arith.constant 0 : index
    %swap3A_8 = vector.load %arg4[%swap3A, %swap3A_7] : memref<1000x128xf32, #tpu.memory_space<vmem>>, vector<1000x128xf32>
    tpu.vector_store %arg4[%swap3A, %swap3A_7], %dot_general3A_6 {strides = array<i32>} : memref<1000x128xf32, #tpu.memory_space<vmem>>, vector<1000x128xf32>,
    %get3A_9 = arith.constant 0 : index
    %get3A_10 = arith.constant 0 : index
    %get3A_11 = vector.load %arg3[%get3A_9, %get3A_10] : memref<128x128xf32, #tpu.memory_space<vmem>>, vector<128x128xf32>
    %convert_element_type3A_12 = arith.truncf %get3A_1 : vector<1000x128xf32> to vector<1000x128xbf16>
    %convert_element_type3A_13 = arith.truncf %get3A_11 : vector<128x128xf32> to vector<128x128xbf16>
    %dot_general3A_14 = arith.constant dense<0.000000e+00> : vector<1000x128xf32>
    %dot_general3A_15 = tpu.matmul %convert_element_type3A_12, %convert_element_type3A_13, %dot_general3A_14 {dimension_numbers = #tpu.dot_dimension_numbers<[1], [1], [0], [0], [0, 0, 1, 0], [], []>, transpose_lhs_hint = false} : vector<1000x128xbf16>, vector<128x128xbf16>, vector<1000x128xf32> -> vector<1000x128xf32>
    %swap3A_16 = arith.constant 0 : index
    %swap3A_17 = arith.constant 0 : index
    %swap3A_18 = vector.load %arg5[%swap3A_16, %swap3A_17] : memref<1000x128xf32, #tpu.memory_space<vmem>>, vector<1000x128xf32>
    tpu.vector_store %arg5[%swap3A_16, %swap3A_17], %dot_general3A_15 {strides = array<i32>} : memref<1000x128xf32, #tpu.memory_space<vmem>>, vector<1000x128xf32>,
    return
  }
  func.func @transform_0(%arg0: i32) -> (i32, i32) {
    %c0_i32 = arith.constant 0 : i32
    %c0_i32_0 = arith.constant 0 : i32
    return %arg0, %c0_i32 : i32, i32
  }
  func.func @transform_1(%arg0: i32) -> (i32, i32) {
    %c0_i32 = arith.constant 0 : i32
    %c0_i32_0 = arith.constant 0 : i32
    %c0_i32_1 = arith.constant 0 : i32
    return %c0_i32, %c0_i32_0 : i32, i32
  }
  func.func @transform_2(%arg0: i32) -> (i32, i32) {
    %c0_i32 = arith.constant 0 : i32
    %c0_i32_0 = arith.constant 0 : i32
    %c0_i32_1 = arith.constant 0 : i32
    return %c0_i32, %c0_i32_0 : i32, i32
  }
  func.func @transform_3(%arg0: i32) -> (i32, i32) {
    %c0_i32 = arith.constant 0 : i32
    %c0_i32_0 = arith.constant 0 : i32
    return %arg0, %c0_i32 : i32, i32
  }
  func.func @transform_4(%arg0: i32) -> (i32, i32) {
    %c0_i32 = arith.constant 0 : i32
    %c0_i32_0 = arith.constant 0 : i32
    return %arg0, %c0_i32 : i32, i32
  }
}

module attributes {stable_mosaic.version = 14 : i64} {
  func.func @_edge_body(%arg0: i32, %arg1: memref<2000x128xf32, #tpu.memory_space<vmem>>, %arg2: memref<2000x128xf32, #tpu.memory_space<vmem>>, %arg3: memref<2000x16xf32, #tpu.memory_space<vmem>>, %arg4: memref<2000x4xf32, #tpu.memory_space<vmem>>, %arg5: memref<16x128xf32, #tpu.memory_space<vmem>>, %arg6: memref<1x128xf32, #tpu.memory_space<vmem>>, %arg7: memref<1x128xf32, #tpu.memory_space<vmem>>, %arg8: memref<128x128xf32, #tpu.memory_space<vmem>>, %arg9: memref<1x128xf32, #tpu.memory_space<vmem>>, %arg10: memref<128x128xf32, #tpu.memory_space<vmem>>, %arg11: memref<1x128xf32, #tpu.memory_space<vmem>>, %arg12: memref<1x128xf32, #tpu.memory_space<vmem>>, %arg13: memref<2000x128xf32, #tpu.memory_space<vmem>>, %arg14: memref<2000x128xf32, #tpu.memory_space<vmem>>) attributes {dimension_semantics = [#tpu.dimension_semantics<arbitrary>], iteration_bounds = array<i64: 160>, scalar_prefetch = 0 : i64, scratch_operands = 0 : i64, tpu.core_type = #tpu.core_type<tc>, window_params = [{transform_indices = @transform_0, window_bounds = array<i64: 2000, 128>}, {transform_indices = @transform_1, window_bounds = array<i64: 2000, 128>}, {transform_indices = @transform_2, window_bounds = array<i64: 2000, 16>}, {transform_indices = @transform_3, window_bounds = array<i64: 2000, 4>}, {pipeline_mode = #tpu.pipeline_mode<synchronous>, transform_indices = @transform_4, window_bounds = array<i64: 16, 128>}, {pipeline_mode = #tpu.pipeline_mode<synchronous>, transform_indices = @transform_5, window_bounds = array<i64: 1, 128>}, {pipeline_mode = #tpu.pipeline_mode<synchronous>, transform_indices = @transform_6, window_bounds = array<i64: 1, 128>}, {pipeline_mode = #tpu.pipeline_mode<synchronous>, transform_indices = @transform_7, window_bounds = array<i64: 128, 128>}, {pipeline_mode = #tpu.pipeline_mode<synchronous>, transform_indices = @transform_8, window_bounds = array<i64: 1, 128>}, {pipeline_mode = #tpu.pipeline_mode<synchronous>, transform_indices = @transform_9, window_bounds = array<i64: 128, 128>}, {pipeline_mode = #tpu.pipeline_mode<synchronous>, transform_indices = @transform_10, window_bounds = array<i64: 1, 128>}, {pipeline_mode = #tpu.pipeline_mode<synchronous>, transform_indices = @transform_11, window_bounds = array<i64: 1, 128>}, {transform_indices = @transform_12, window_bounds = array<i64: 2000, 128>}, {transform_indices = @transform_13, window_bounds = array<i64: 2000, 128>}]} {
    %get3A = arith.constant 0 : index
    %get3A_0 = arith.constant 0 : index
    %get3A_1 = vector.load %arg4[%get3A, %get3A_0] : memref<2000x4xf32, #tpu.memory_space<vmem>>, vector<2000x4xf32>
    %slice3A = vector.extract_strided_slice %get3A_1 {offsets = [0, 3], sizes = [2000, 1], strides = [1, 1]} : vector<2000x4xf32> to vector<2000x1xf32>
    %get3A_2 = arith.constant 0 : index
    %get3A_3 = arith.constant 0 : index
    %get3A_4 = vector.load %arg3[%get3A_2, %get3A_3] : memref<2000x16xf32, #tpu.memory_space<vmem>>, vector<2000x16xf32>
    %get3A_5 = arith.constant 0 : index
    %get3A_6 = arith.constant 0 : index
    %get3A_7 = vector.load %arg5[%get3A_5, %get3A_6] : memref<16x128xf32, #tpu.memory_space<vmem>>, vector<16x128xf32>
    %slice3A_8 = vector.extract_strided_slice %get3A_4 {offsets = [0, 0], sizes = [2000, 1], strides = [1, 1]} : vector<2000x16xf32> to vector<2000x1xf32>
    %convert_element_type3A = arith.truncf %slice3A_8 : vector<2000x1xf32> to vector<2000x1xbf16>
    %convert_element_type3A_9 = arith.extf %convert_element_type3A : vector<2000x1xbf16> to vector<2000x1xf32>
    %slice3A_10 = vector.extract_strided_slice %get3A_7 {offsets = [0, 0], sizes = [1, 128], strides = [1, 1]} : vector<16x128xf32> to vector<1x128xf32>
    %convert_element_type3A_11 = arith.truncf %slice3A_10 : vector<1x128xf32> to vector<1x128xbf16>
    %convert_element_type3A_12 = arith.extf %convert_element_type3A_11 : vector<1x128xbf16> to vector<1x128xf32>
    %mul3A = vector.broadcast %convert_element_type3A_9 : vector<2000x1xf32> to vector<2000x128xf32>
    %mul3A_13 = vector.broadcast %convert_element_type3A_12 : vector<1x128xf32> to vector<2000x128xf32>
    %mul3A_14 = arith.mulf %mul3A, %mul3A_13 : vector<2000x128xf32>
    %slice3A_15 = vector.extract_strided_slice %get3A_4 {offsets = [0, 1], sizes = [2000, 1], strides = [1, 1]} : vector<2000x16xf32> to vector<2000x1xf32>
    %convert_element_type3A_16 = arith.truncf %slice3A_15 : vector<2000x1xf32> to vector<2000x1xbf16>
    %convert_element_type3A_17 = arith.extf %convert_element_type3A_16 : vector<2000x1xbf16> to vector<2000x1xf32>
    %slice3A_18 = vector.extract_strided_slice %get3A_7 {offsets = [1, 0], sizes = [1, 128], strides = [1, 1]} : vector<16x128xf32> to vector<1x128xf32>
    %convert_element_type3A_19 = arith.truncf %slice3A_18 : vector<1x128xf32> to vector<1x128xbf16>
    %convert_element_type3A_20 = arith.extf %convert_element_type3A_19 : vector<1x128xbf16> to vector<1x128xf32>
    %mul3A_21 = vector.broadcast %convert_element_type3A_17 : vector<2000x1xf32> to vector<2000x128xf32>
    %mul3A_22 = vector.broadcast %convert_element_type3A_20 : vector<1x128xf32> to vector<2000x128xf32>
    %mul3A_23 = arith.mulf %mul3A_21, %mul3A_22 : vector<2000x128xf32>
    %add3A = arith.addf %mul3A_14, %mul3A_23 : vector<2000x128xf32>
    %slice3A_24 = vector.extract_strided_slice %get3A_4 {offsets = [0, 2], sizes = [2000, 1], strides = [1, 1]} : vector<2000x16xf32> to vector<2000x1xf32>
    %convert_element_type3A_25 = arith.truncf %slice3A_24 : vector<2000x1xf32> to vector<2000x1xbf16>
    %convert_element_type3A_26 = arith.extf %convert_element_type3A_25 : vector<2000x1xbf16> to vector<2000x1xf32>
    %slice3A_27 = vector.extract_strided_slice %get3A_7 {offsets = [2, 0], sizes = [1, 128], strides = [1, 1]} : vector<16x128xf32> to vector<1x128xf32>
    %convert_element_type3A_28 = arith.truncf %slice3A_27 : vector<1x128xf32> to vector<1x128xbf16>
    %convert_element_type3A_29 = arith.extf %convert_element_type3A_28 : vector<1x128xbf16> to vector<1x128xf32>
    %mul3A_30 = vector.broadcast %convert_element_type3A_26 : vector<2000x1xf32> to vector<2000x128xf32>
    %mul3A_31 = vector.broadcast %convert_element_type3A_29 : vector<1x128xf32> to vector<2000x128xf32>
    %mul3A_32 = arith.mulf %mul3A_30, %mul3A_31 : vector<2000x128xf32>
    %add3A_33 = arith.addf %add3A, %mul3A_32 : vector<2000x128xf32>
    %slice3A_34 = vector.extract_strided_slice %get3A_4 {offsets = [0, 3], sizes = [2000, 1], strides = [1, 1]} : vector<2000x16xf32> to vector<2000x1xf32>
    %convert_element_type3A_35 = arith.truncf %slice3A_34 : vector<2000x1xf32> to vector<2000x1xbf16>
    %convert_element_type3A_36 = arith.extf %convert_element_type3A_35 : vector<2000x1xbf16> to vector<2000x1xf32>
    %slice3A_37 = vector.extract_strided_slice %get3A_7 {offsets = [3, 0], sizes = [1, 128], strides = [1, 1]} : vector<16x128xf32> to vector<1x128xf32>
    %convert_element_type3A_38 = arith.truncf %slice3A_37 : vector<1x128xf32> to vector<1x128xbf16>
    %convert_element_type3A_39 = arith.extf %convert_element_type3A_38 : vector<1x128xbf16> to vector<1x128xf32>
    %mul3A_40 = vector.broadcast %convert_element_type3A_36 : vector<2000x1xf32> to vector<2000x128xf32>
    %mul3A_41 = vector.broadcast %convert_element_type3A_39 : vector<1x128xf32> to vector<2000x128xf32>
    %mul3A_42 = arith.mulf %mul3A_40, %mul3A_41 : vector<2000x128xf32>
    %add3A_43 = arith.addf %add3A_33, %mul3A_42 : vector<2000x128xf32>
    %slice3A_44 = vector.extract_strided_slice %get3A_4 {offsets = [0, 4], sizes = [2000, 1], strides = [1, 1]} : vector<2000x16xf32> to vector<2000x1xf32>
    %convert_element_type3A_45 = arith.truncf %slice3A_44 : vector<2000x1xf32> to vector<2000x1xbf16>
    %convert_element_type3A_46 = arith.extf %convert_element_type3A_45 : vector<2000x1xbf16> to vector<2000x1xf32>
    %slice3A_47 = vector.extract_strided_slice %get3A_7 {offsets = [4, 0], sizes = [1, 128], strides = [1, 1]} : vector<16x128xf32> to vector<1x128xf32>
    %convert_element_type3A_48 = arith.truncf %slice3A_47 : vector<1x128xf32> to vector<1x128xbf16>
    %convert_element_type3A_49 = arith.extf %convert_element_type3A_48 : vector<1x128xbf16> to vector<1x128xf32>
    %mul3A_50 = vector.broadcast %convert_element_type3A_46 : vector<2000x1xf32> to vector<2000x128xf32>
    %mul3A_51 = vector.broadcast %convert_element_type3A_49 : vector<1x128xf32> to vector<2000x128xf32>
    %mul3A_52 = arith.mulf %mul3A_50, %mul3A_51 : vector<2000x128xf32>
    %add3A_53 = arith.addf %add3A_43, %mul3A_52 : vector<2000x128xf32>
    %slice3A_54 = vector.extract_strided_slice %get3A_4 {offsets = [0, 5], sizes = [2000, 1], strides = [1, 1]} : vector<2000x16xf32> to vector<2000x1xf32>
    %convert_element_type3A_55 = arith.truncf %slice3A_54 : vector<2000x1xf32> to vector<2000x1xbf16>
    %convert_element_type3A_56 = arith.extf %convert_element_type3A_55 : vector<2000x1xbf16> to vector<2000x1xf32>
    %slice3A_57 = vector.extract_strided_slice %get3A_7 {offsets = [5, 0], sizes = [1, 128], strides = [1, 1]} : vector<16x128xf32> to vector<1x128xf32>
    %convert_element_type3A_58 = arith.truncf %slice3A_57 : vector<1x128xf32> to vector<1x128xbf16>
    %convert_element_type3A_59 = arith.extf %convert_element_type3A_58 : vector<1x128xbf16> to vector<1x128xf32>
    %mul3A_60 = vector.broadcast %convert_element_type3A_56 : vector<2000x1xf32> to vector<2000x128xf32>
    %mul3A_61 = vector.broadcast %convert_element_type3A_59 : vector<1x128xf32> to vector<2000x128xf32>
    %mul3A_62 = arith.mulf %mul3A_60, %mul3A_61 : vector<2000x128xf32>
    %add3A_63 = arith.addf %add3A_53, %mul3A_62 : vector<2000x128xf32>
    %slice3A_64 = vector.extract_strided_slice %get3A_4 {offsets = [0, 6], sizes = [2000, 1], strides = [1, 1]} : vector<2000x16xf32> to vector<2000x1xf32>
    %convert_element_type3A_65 = arith.truncf %slice3A_64 : vector<2000x1xf32> to vector<2000x1xbf16>
    %convert_element_type3A_66 = arith.extf %convert_element_type3A_65 : vector<2000x1xbf16> to vector<2000x1xf32>
    %slice3A_67 = vector.extract_strided_slice %get3A_7 {offsets = [6, 0], sizes = [1, 128], strides = [1, 1]} : vector<16x128xf32> to vector<1x128xf32>
    %convert_element_type3A_68 = arith.truncf %slice3A_67 : vector<1x128xf32> to vector<1x128xbf16>
    %convert_element_type3A_69 = arith.extf %convert_element_type3A_68 : vector<1x128xbf16> to vector<1x128xf32>
    %mul3A_70 = vector.broadcast %convert_element_type3A_66 : vector<2000x1xf32> to vector<2000x128xf32>
    %mul3A_71 = vector.broadcast %convert_element_type3A_69 : vector<1x128xf32> to vector<2000x128xf32>
    %mul3A_72 = arith.mulf %mul3A_70, %mul3A_71 : vector<2000x128xf32>
    %add3A_73 = arith.addf %add3A_63, %mul3A_72 : vector<2000x128xf32>
    %slice3A_74 = vector.extract_strided_slice %get3A_4 {offsets = [0, 7], sizes = [2000, 1], strides = [1, 1]} : vector<2000x16xf32> to vector<2000x1xf32>
    %convert_element_type3A_75 = arith.truncf %slice3A_74 : vector<2000x1xf32> to vector<2000x1xbf16>
    %convert_element_type3A_76 = arith.extf %convert_element_type3A_75 : vector<2000x1xbf16> to vector<2000x1xf32>
    %slice3A_77 = vector.extract_strided_slice %get3A_7 {offsets = [7, 0], sizes = [1, 128], strides = [1, 1]} : vector<16x128xf32> to vector<1x128xf32>
    %convert_element_type3A_78 = arith.truncf %slice3A_77 : vector<1x128xf32> to vector<1x128xbf16>
    %convert_element_type3A_79 = arith.extf %convert_element_type3A_78 : vector<1x128xbf16> to vector<1x128xf32>
    %mul3A_80 = vector.broadcast %convert_element_type3A_76 : vector<2000x1xf32> to vector<2000x128xf32>
    %mul3A_81 = vector.broadcast %convert_element_type3A_79 : vector<1x128xf32> to vector<2000x128xf32>
    %mul3A_82 = arith.mulf %mul3A_80, %mul3A_81 : vector<2000x128xf32>
    %add3A_83 = arith.addf %add3A_73, %mul3A_82 : vector<2000x128xf32>
    %slice3A_84 = vector.extract_strided_slice %get3A_4 {offsets = [0, 8], sizes = [2000, 1], strides = [1, 1]} : vector<2000x16xf32> to vector<2000x1xf32>
    %convert_element_type3A_85 = arith.truncf %slice3A_84 : vector<2000x1xf32> to vector<2000x1xbf16>
    %convert_element_type3A_86 = arith.extf %convert_element_type3A_85 : vector<2000x1xbf16> to vector<2000x1xf32>
    %slice3A_87 = vector.extract_strided_slice %get3A_7 {offsets = [8, 0], sizes = [1, 128], strides = [1, 1]} : vector<16x128xf32> to vector<1x128xf32>
    %convert_element_type3A_88 = arith.truncf %slice3A_87 : vector<1x128xf32> to vector<1x128xbf16>
    %convert_element_type3A_89 = arith.extf %convert_element_type3A_88 : vector<1x128xbf16> to vector<1x128xf32>
    %mul3A_90 = vector.broadcast %convert_element_type3A_86 : vector<2000x1xf32> to vector<2000x128xf32>
    %mul3A_91 = vector.broadcast %convert_element_type3A_89 : vector<1x128xf32> to vector<2000x128xf32>
    %mul3A_92 = arith.mulf %mul3A_90, %mul3A_91 : vector<2000x128xf32>
    %add3A_93 = arith.addf %add3A_83, %mul3A_92 : vector<2000x128xf32>
    %slice3A_94 = vector.extract_strided_slice %get3A_4 {offsets = [0, 9], sizes = [2000, 1], strides = [1, 1]} : vector<2000x16xf32> to vector<2000x1xf32>
    %convert_element_type3A_95 = arith.truncf %slice3A_94 : vector<2000x1xf32> to vector<2000x1xbf16>
    %convert_element_type3A_96 = arith.extf %convert_element_type3A_95 : vector<2000x1xbf16> to vector<2000x1xf32>
    %slice3A_97 = vector.extract_strided_slice %get3A_7 {offsets = [9, 0], sizes = [1, 128], strides = [1, 1]} : vector<16x128xf32> to vector<1x128xf32>
    %convert_element_type3A_98 = arith.truncf %slice3A_97 : vector<1x128xf32> to vector<1x128xbf16>
    %convert_element_type3A_99 = arith.extf %convert_element_type3A_98 : vector<1x128xbf16> to vector<1x128xf32>
    %mul3A_100 = vector.broadcast %convert_element_type3A_96 : vector<2000x1xf32> to vector<2000x128xf32>
    %mul3A_101 = vector.broadcast %convert_element_type3A_99 : vector<1x128xf32> to vector<2000x128xf32>
    %mul3A_102 = arith.mulf %mul3A_100, %mul3A_101 : vector<2000x128xf32>
    %add3A_103 = arith.addf %add3A_93, %mul3A_102 : vector<2000x128xf32>
    %slice3A_104 = vector.extract_strided_slice %get3A_4 {offsets = [0, 10], sizes = [2000, 1], strides = [1, 1]} : vector<2000x16xf32> to vector<2000x1xf32>
    %convert_element_type3A_105 = arith.truncf %slice3A_104 : vector<2000x1xf32> to vector<2000x1xbf16>
    %convert_element_type3A_106 = arith.extf %convert_element_type3A_105 : vector<2000x1xbf16> to vector<2000x1xf32>
    %slice3A_107 = vector.extract_strided_slice %get3A_7 {offsets = [10, 0], sizes = [1, 128], strides = [1, 1]} : vector<16x128xf32> to vector<1x128xf32>
    %convert_element_type3A_108 = arith.truncf %slice3A_107 : vector<1x128xf32> to vector<1x128xbf16>
    %convert_element_type3A_109 = arith.extf %convert_element_type3A_108 : vector<1x128xbf16> to vector<1x128xf32>
    %mul3A_110 = vector.broadcast %convert_element_type3A_106 : vector<2000x1xf32> to vector<2000x128xf32>
    %mul3A_111 = vector.broadcast %convert_element_type3A_109 : vector<1x128xf32> to vector<2000x128xf32>
    %mul3A_112 = arith.mulf %mul3A_110, %mul3A_111 : vector<2000x128xf32>
    %add3A_113 = arith.addf %add3A_103, %mul3A_112 : vector<2000x128xf32>
    %slice3A_114 = vector.extract_strided_slice %get3A_4 {offsets = [0, 11], sizes = [2000, 1], strides = [1, 1]} : vector<2000x16xf32> to vector<2000x1xf32>
    %convert_element_type3A_115 = arith.truncf %slice3A_114 : vector<2000x1xf32> to vector<2000x1xbf16>
    %convert_element_type3A_116 = arith.extf %convert_element_type3A_115 : vector<2000x1xbf16> to vector<2000x1xf32>
    %slice3A_117 = vector.extract_strided_slice %get3A_7 {offsets = [11, 0], sizes = [1, 128], strides = [1, 1]} : vector<16x128xf32> to vector<1x128xf32>
    %convert_element_type3A_118 = arith.truncf %slice3A_117 : vector<1x128xf32> to vector<1x128xbf16>
    %convert_element_type3A_119 = arith.extf %convert_element_type3A_118 : vector<1x128xbf16> to vector<1x128xf32>
    %mul3A_120 = vector.broadcast %convert_element_type3A_116 : vector<2000x1xf32> to vector<2000x128xf32>
    %mul3A_121 = vector.broadcast %convert_element_type3A_119 : vector<1x128xf32> to vector<2000x128xf32>
    %mul3A_122 = arith.mulf %mul3A_120, %mul3A_121 : vector<2000x128xf32>
    %add3A_123 = arith.addf %add3A_113, %mul3A_122 : vector<2000x128xf32>
    %slice3A_124 = vector.extract_strided_slice %get3A_4 {offsets = [0, 12], sizes = [2000, 1], strides = [1, 1]} : vector<2000x16xf32> to vector<2000x1xf32>
    %convert_element_type3A_125 = arith.truncf %slice3A_124 : vector<2000x1xf32> to vector<2000x1xbf16>
    %convert_element_type3A_126 = arith.extf %convert_element_type3A_125 : vector<2000x1xbf16> to vector<2000x1xf32>
    %slice3A_127 = vector.extract_strided_slice %get3A_7 {offsets = [12, 0], sizes = [1, 128], strides = [1, 1]} : vector<16x128xf32> to vector<1x128xf32>
    %convert_element_type3A_128 = arith.truncf %slice3A_127 : vector<1x128xf32> to vector<1x128xbf16>
    %convert_element_type3A_129 = arith.extf %convert_element_type3A_128 : vector<1x128xbf16> to vector<1x128xf32>
    %mul3A_130 = vector.broadcast %convert_element_type3A_126 : vector<2000x1xf32> to vector<2000x128xf32>
    %mul3A_131 = vector.broadcast %convert_element_type3A_129 : vector<1x128xf32> to vector<2000x128xf32>
    %mul3A_132 = arith.mulf %mul3A_130, %mul3A_131 : vector<2000x128xf32>
    %add3A_133 = arith.addf %add3A_123, %mul3A_132 : vector<2000x128xf32>
    %slice3A_134 = vector.extract_strided_slice %get3A_4 {offsets = [0, 13], sizes = [2000, 1], strides = [1, 1]} : vector<2000x16xf32> to vector<2000x1xf32>
    %convert_element_type3A_135 = arith.truncf %slice3A_134 : vector<2000x1xf32> to vector<2000x1xbf16>
    %convert_element_type3A_136 = arith.extf %convert_element_type3A_135 : vector<2000x1xbf16> to vector<2000x1xf32>
    %slice3A_137 = vector.extract_strided_slice %get3A_7 {offsets = [13, 0], sizes = [1, 128], strides = [1, 1]} : vector<16x128xf32> to vector<1x128xf32>
    %convert_element_type3A_138 = arith.truncf %slice3A_137 : vector<1x128xf32> to vector<1x128xbf16>
    %convert_element_type3A_139 = arith.extf %convert_element_type3A_138 : vector<1x128xbf16> to vector<1x128xf32>
    %mul3A_140 = vector.broadcast %convert_element_type3A_136 : vector<2000x1xf32> to vector<2000x128xf32>
    %mul3A_141 = vector.broadcast %convert_element_type3A_139 : vector<1x128xf32> to vector<2000x128xf32>
    %mul3A_142 = arith.mulf %mul3A_140, %mul3A_141 : vector<2000x128xf32>
    %add3A_143 = arith.addf %add3A_133, %mul3A_142 : vector<2000x128xf32>
    %slice3A_144 = vector.extract_strided_slice %get3A_4 {offsets = [0, 14], sizes = [2000, 1], strides = [1, 1]} : vector<2000x16xf32> to vector<2000x1xf32>
    %convert_element_type3A_145 = arith.truncf %slice3A_144 : vector<2000x1xf32> to vector<2000x1xbf16>
    %convert_element_type3A_146 = arith.extf %convert_element_type3A_145 : vector<2000x1xbf16> to vector<2000x1xf32>
    %slice3A_147 = vector.extract_strided_slice %get3A_7 {offsets = [14, 0], sizes = [1, 128], strides = [1, 1]} : vector<16x128xf32> to vector<1x128xf32>
    %convert_element_type3A_148 = arith.truncf %slice3A_147 : vector<1x128xf32> to vector<1x128xbf16>
    %convert_element_type3A_149 = arith.extf %convert_element_type3A_148 : vector<1x128xbf16> to vector<1x128xf32>
    %mul3A_150 = vector.broadcast %convert_element_type3A_146 : vector<2000x1xf32> to vector<2000x128xf32>
    %mul3A_151 = vector.broadcast %convert_element_type3A_149 : vector<1x128xf32> to vector<2000x128xf32>
    %mul3A_152 = arith.mulf %mul3A_150, %mul3A_151 : vector<2000x128xf32>
    %add3A_153 = arith.addf %add3A_143, %mul3A_152 : vector<2000x128xf32>
    %slice3A_154 = vector.extract_strided_slice %get3A_4 {offsets = [0, 15], sizes = [2000, 1], strides = [1, 1]} : vector<2000x16xf32> to vector<2000x1xf32>
    %convert_element_type3A_155 = arith.truncf %slice3A_154 : vector<2000x1xf32> to vector<2000x1xbf16>
    %convert_element_type3A_156 = arith.extf %convert_element_type3A_155 : vector<2000x1xbf16> to vector<2000x1xf32>
    %slice3A_157 = vector.extract_strided_slice %get3A_7 {offsets = [15, 0], sizes = [1, 128], strides = [1, 1]} : vector<16x128xf32> to vector<1x128xf32>
    %convert_element_type3A_158 = arith.truncf %slice3A_157 : vector<1x128xf32> to vector<1x128xbf16>
    %convert_element_type3A_159 = arith.extf %convert_element_type3A_158 : vector<1x128xbf16> to vector<1x128xf32>
    %mul3A_160 = vector.broadcast %convert_element_type3A_156 : vector<2000x1xf32> to vector<2000x128xf32>
    %mul3A_161 = vector.broadcast %convert_element_type3A_159 : vector<1x128xf32> to vector<2000x128xf32>
    %mul3A_162 = arith.mulf %mul3A_160, %mul3A_161 : vector<2000x128xf32>
    %add3A_163 = arith.addf %add3A_153, %mul3A_162 : vector<2000x128xf32>
    %get3A_164 = arith.constant 0 : index
    %get3A_165 = arith.constant 0 : index
    %get3A_166 = vector.load %arg1[%get3A_164, %get3A_165] : memref<2000x128xf32, #tpu.memory_space<vmem>>, vector<2000x128xf32>
    %get3A_167 = arith.constant 0 : index
    %get3A_168 = arith.constant 0 : index
    %get3A_169 = vector.load %arg2[%get3A_167, %get3A_168] : memref<2000x128xf32, #tpu.memory_space<vmem>>, vector<2000x128xf32>
    %add3A_170 = arith.addf %get3A_166, %get3A_169 : vector<2000x128xf32>
    %add3A_171 = arith.addf %add3A_170, %add3A_163 : vector<2000x128xf32>
    %convert_element_type3A_172 = arith.truncf %slice3A : vector<2000x1xf32> to vector<2000x1xbf16>
    %convert_element_type3A_173 = arith.extf %convert_element_type3A_172 : vector<2000x1xbf16> to vector<2000x1xf32>
    %get3A_174 = arith.constant 0 : index
    %get3A_175 = arith.constant 0 : index
    %get3A_176 = vector.load %arg6[%get3A_174, %get3A_175] : memref<1x128xf32, #tpu.memory_space<vmem>>, vector<1x128xf32>
    %mul3A_177 = vector.broadcast %convert_element_type3A_173 : vector<2000x1xf32> to vector<2000x128xf32>
    %mul3A_178 = vector.broadcast %get3A_176 : vector<1x128xf32> to vector<2000x128xf32>
    %mul3A_179 = arith.mulf %mul3A_177, %mul3A_178 : vector<2000x128xf32>
    %add3A_180 = arith.addf %add3A_171, %mul3A_179 : vector<2000x128xf32>
    %get3A_181 = arith.constant 0 : index
    %get3A_182 = arith.constant 0 : index
    %get3A_183 = vector.load %arg7[%get3A_181, %get3A_182] : memref<1x128xf32, #tpu.memory_space<vmem>>, vector<1x128xf32>
    %add3A_184 = vector.broadcast %get3A_183 : vector<1x128xf32> to vector<2000x128xf32>
    %add3A_185 = arith.addf %add3A_180, %add3A_184 : vector<2000x128xf32>
    %logistic3A = arith.negf %add3A_185 : vector<2000x128xf32>
    %logistic3A_186 = math.exp %logistic3A : vector<2000x128xf32>
    %logistic3A_187 = arith.constant 1.000000e+00 : f32
    %logistic3A_188 = vector.broadcast %logistic3A_187 : f32 to vector<2000x128xf32>
    %logistic3A_189 = arith.addf %logistic3A_188, %logistic3A_186 : vector<2000x128xf32>
    %logistic3A_190 = arith.divf %logistic3A_188, %logistic3A_189 : vector<2000x128xf32>
    %mul3A_191 = arith.mulf %add3A_185, %logistic3A_190 : vector<2000x128xf32>
    %get3A_192 = arith.constant 0 : index
    %get3A_193 = arith.constant 0 : index
    %get3A_194 = vector.load %arg8[%get3A_192, %get3A_193] : memref<128x128xf32, #tpu.memory_space<vmem>>, vector<128x128xf32>
    %convert_element_type3A_195 = arith.truncf %mul3A_191 : vector<2000x128xf32> to vector<2000x128xbf16>
    %convert_element_type3A_196 = arith.truncf %get3A_194 : vector<128x128xf32> to vector<128x128xbf16>
    %dot_general3A = arith.constant dense<0.000000e+00> : vector<2000x128xf32>
    %dot_general3A_197 = tpu.matmul %convert_element_type3A_195, %convert_element_type3A_196, %dot_general3A {dimension_numbers = #tpu.dot_dimension_numbers<[1], [1], [0], [0], [0, 0, 1, 0], [], []>, transpose_lhs_hint = false} : vector<2000x128xbf16>, vector<128x128xbf16>, vector<2000x128xf32> -> vector<2000x128xf32>
    %get3A_198 = arith.constant 0 : index
    %get3A_199 = arith.constant 0 : index
    %get3A_200 = vector.load %arg9[%get3A_198, %get3A_199] : memref<1x128xf32, #tpu.memory_space<vmem>>, vector<1x128xf32>
    %add3A_201 = vector.broadcast %get3A_200 : vector<1x128xf32> to vector<2000x128xf32>
    %add3A_202 = arith.addf %dot_general3A_197, %add3A_201 : vector<2000x128xf32>
    %logistic3A_203 = arith.negf %add3A_202 : vector<2000x128xf32>
    %logistic3A_204 = math.exp %logistic3A_203 : vector<2000x128xf32>
    %logistic3A_205 = arith.constant 1.000000e+00 : f32
    %logistic3A_206 = vector.broadcast %logistic3A_205 : f32 to vector<2000x128xf32>
    %logistic3A_207 = arith.addf %logistic3A_206, %logistic3A_204 : vector<2000x128xf32>
    %logistic3A_208 = arith.divf %logistic3A_206, %logistic3A_207 : vector<2000x128xf32>
    %mul3A_209 = arith.mulf %add3A_202, %logistic3A_208 : vector<2000x128xf32>
    %get3A_210 = arith.constant 0 : index
    %get3A_211 = arith.constant 0 : index
    %get3A_212 = vector.load %arg10[%get3A_210, %get3A_211] : memref<128x128xf32, #tpu.memory_space<vmem>>, vector<128x128xf32>
    %convert_element_type3A_213 = arith.truncf %mul3A_209 : vector<2000x128xf32> to vector<2000x128xbf16>
    %convert_element_type3A_214 = arith.truncf %get3A_212 : vector<128x128xf32> to vector<128x128xbf16>
    %dot_general3A_215 = arith.constant dense<0.000000e+00> : vector<2000x128xf32>
    %dot_general3A_216 = tpu.matmul %convert_element_type3A_213, %convert_element_type3A_214, %dot_general3A_215 {dimension_numbers = #tpu.dot_dimension_numbers<[1], [1], [0], [0], [0, 0, 1, 0], [], []>, transpose_lhs_hint = false} : vector<2000x128xbf16>, vector<128x128xbf16>, vector<2000x128xf32> -> vector<2000x128xf32>
    %get3A_217 = arith.constant 0 : index
    %get3A_218 = arith.constant 0 : index
    %get3A_219 = vector.load %arg11[%get3A_217, %get3A_218] : memref<1x128xf32, #tpu.memory_space<vmem>>, vector<1x128xf32>
    %add3A_220 = vector.broadcast %get3A_219 : vector<1x128xf32> to vector<2000x128xf32>
    %add3A_221 = arith.addf %dot_general3A_216, %add3A_220 : vector<2000x128xf32>
    %logistic3A_222 = arith.negf %add3A_221 : vector<2000x128xf32>
    %logistic3A_223 = math.exp %logistic3A_222 : vector<2000x128xf32>
    %logistic3A_224 = arith.constant 1.000000e+00 : f32
    %logistic3A_225 = vector.broadcast %logistic3A_224 : f32 to vector<2000x128xf32>
    %logistic3A_226 = arith.addf %logistic3A_225, %logistic3A_223 : vector<2000x128xf32>
    %logistic3A_227 = arith.divf %logistic3A_225, %logistic3A_226 : vector<2000x128xf32>
    %mul3A_228 = arith.mulf %add3A_221, %logistic3A_227 : vector<2000x128xf32>
    %convert_element_type3A_229 = arith.truncf %mul3A_228 : vector<2000x128xf32> to vector<2000x128xbf16>
    %convert_element_type3A_230 = arith.extf %convert_element_type3A_229 : vector<2000x128xbf16> to vector<2000x128xf32>
    %get3A_231 = arith.constant 0 : index
    %get3A_232 = arith.constant 0 : index
    %get3A_233 = vector.load %arg12[%get3A_231, %get3A_232] : memref<1x128xf32, #tpu.memory_space<vmem>>, vector<1x128xf32>
    %convert_element_type3A_234 = arith.truncf %get3A_233 : vector<1x128xf32> to vector<1x128xbf16>
    %convert_element_type3A_235 = arith.extf %convert_element_type3A_234 : vector<1x128xbf16> to vector<1x128xf32>
    %mul3A_236 = vector.broadcast %convert_element_type3A_235 : vector<1x128xf32> to vector<2000x128xf32>
    %mul3A_237 = arith.mulf %convert_element_type3A_230, %mul3A_236 : vector<2000x128xf32>
    %reduce_sum3A = arith.constant dense<0.000000e+00> : vector<2000xf32>
    %reduce_sum3A_238 = vector.multi_reduction <add>, %mul3A_237, %reduce_sum3A [1] : vector<2000x128xf32> to vector<2000xf32>
    %broadcast_in_dim3A = vector.shape_cast %reduce_sum3A_238 : vector<2000xf32> to vector<2000x1xf32>
    %sqrt3A = math.sqrt %slice3A : vector<2000x1xf32>
    %max3A = arith.constant 9.99999996E-13 : f32
    %max3A_239 = vector.broadcast %max3A : f32 to vector<2000x1xf32>
    %max3A_240 = arith.maximumf %sqrt3A, %max3A_239 : vector<2000x1xf32>
    %div3A = arith.constant 1.000000e+00 : f32
    %div3A_241 = vector.broadcast %div3A : f32 to vector<2000x1xf32>
    %div3A_242 = arith.divf %div3A_241, %max3A_240 : vector<2000x1xf32>
    %swap3A = arith.constant 0 : index
    %swap3A_243 = arith.constant 0 : index
    %swap3A_244 = vector.load %arg13[%swap3A, %swap3A_243] : memref<2000x128xf32, #tpu.memory_space<vmem>>, vector<2000x128xf32>
    tpu.vector_store %arg13[%swap3A, %swap3A_243], %mul3A_209 {strides = array<i32>} : memref<2000x128xf32, #tpu.memory_space<vmem>>, vector<2000x128xf32>,
    %mul3A_245 = arith.mulf %broadcast_in_dim3A, %div3A_242 : vector<2000x1xf32>
    %mul3A_246 = vector.broadcast %mul3A_245 : vector<2000x1xf32> to vector<2000x4xf32>
    %mul3A_247 = arith.mulf %get3A_1, %mul3A_246 : vector<2000x4xf32>
    %broadcast_in_dim3A_248 = arith.constant 0.000000e+00 : f32
    %broadcast_in_dim3A_249 = vector.broadcast %broadcast_in_dim3A_248 : f32 to vector<2000x124xf32>
    %concatenate3A = tpu.concatenate %mul3A_247, %broadcast_in_dim3A_249 in 1 : vector<2000x4xf32>, vector<2000x124xf32> -> vector<2000x128xf32>
    %swap3A_250 = arith.constant 0 : index
    %swap3A_251 = arith.constant 0 : index
    %swap3A_252 = vector.load %arg14[%swap3A_250, %swap3A_251] : memref<2000x128xf32, #tpu.memory_space<vmem>>, vector<2000x128xf32>
    tpu.vector_store %arg14[%swap3A_250, %swap3A_251], %concatenate3A {strides = array<i32>} : memref<2000x128xf32, #tpu.memory_space<vmem>>, vector<2000x128xf32>,
    return
  }
  func.func @transform_0(%arg0: i32) -> (i32, i32) {
    %c0_i32 = arith.constant 0 : i32
    %c0_i32_0 = arith.constant 0 : i32
    return %arg0, %c0_i32 : i32, i32
  }
  func.func @transform_1(%arg0: i32) -> (i32, i32) {
    %c0_i32 = arith.constant 0 : i32
    %c0_i32_0 = arith.constant 0 : i32
    return %arg0, %c0_i32 : i32, i32
  }
  func.func @transform_2(%arg0: i32) -> (i32, i32) {
    %c0_i32 = arith.constant 0 : i32
    %c0_i32_0 = arith.constant 0 : i32
    return %arg0, %c0_i32 : i32, i32
  }
  func.func @transform_3(%arg0: i32) -> (i32, i32) {
    %c0_i32 = arith.constant 0 : i32
    %c0_i32_0 = arith.constant 0 : i32
    return %arg0, %c0_i32 : i32, i32
  }
  func.func @transform_4(%arg0: i32) -> (i32, i32) {
    %c0_i32 = arith.constant 0 : i32
    %c0_i32_0 = arith.constant 0 : i32
    %c0_i32_1 = arith.constant 0 : i32
    return %c0_i32, %c0_i32_0 : i32, i32
  }
  func.func @transform_5(%arg0: i32) -> (i32, i32) {
    %c0_i32 = arith.constant 0 : i32
    %c0_i32_0 = arith.constant 0 : i32
    %c0_i32_1 = arith.constant 0 : i32
    return %c0_i32, %c0_i32_0 : i32, i32
  }
  func.func @transform_6(%arg0: i32) -> (i32, i32) {
    %c0_i32 = arith.constant 0 : i32
    %c0_i32_0 = arith.constant 0 : i32
    %c0_i32_1 = arith.constant 0 : i32
    return %c0_i32, %c0_i32_0 : i32, i32
  }
  func.func @transform_7(%arg0: i32) -> (i32, i32) {
    %c0_i32 = arith.constant 0 : i32
    %c0_i32_0 = arith.constant 0 : i32
    %c0_i32_1 = arith.constant 0 : i32
    return %c0_i32, %c0_i32_0 : i32, i32
  }
  func.func @transform_8(%arg0: i32) -> (i32, i32) {
    %c0_i32 = arith.constant 0 : i32
    %c0_i32_0 = arith.constant 0 : i32
    %c0_i32_1 = arith.constant 0 : i32
    return %c0_i32, %c0_i32_0 : i32, i32
  }
  func.func @transform_9(%arg0: i32) -> (i32, i32) {
    %c0_i32 = arith.constant 0 : i32
    %c0_i32_0 = arith.constant 0 : i32
    %c0_i32_1 = arith.constant 0 : i32
    return %c0_i32, %c0_i32_0 : i32, i32
  }
  func.func @transform_10(%arg0: i32) -> (i32, i32) {
    %c0_i32 = arith.constant 0 : i32
    %c0_i32_0 = arith.constant 0 : i32
    %c0_i32_1 = arith.constant 0 : i32
    return %c0_i32, %c0_i32_0 : i32, i32
  }
  func.func @transform_11(%arg0: i32) -> (i32, i32) {
    %c0_i32 = arith.constant 0 : i32
    %c0_i32_0 = arith.constant 0 : i32
    %c0_i32_1 = arith.constant 0 : i32
    return %c0_i32, %c0_i32_0 : i32, i32
  }
  func.func @transform_12(%arg0: i32) -> (i32, i32) {
    %c0_i32 = arith.constant 0 : i32
    %c0_i32_0 = arith.constant 0 : i32
    return %arg0, %c0_i32 : i32, i32
  }
  func.func @transform_13(%arg0: i32) -> (i32, i32) {
    %c0_i32 = arith.constant 0 : i32
    %c0_i32_0 = arith.constant 0 : i32
    return %arg0, %c0_i32 : i32, i32
  }
}

module attributes {stable_mosaic.version = 14 : i64} {
  func.func @_node_body(%arg0: i32, %arg1: memref<1000x128xf32, #tpu.memory_space<vmem>>, %arg2: memref<1000x128xf32, #tpu.memory_space<vmem>>, %arg3: memref<1000x128xf32, #tpu.memory_space<vmem>>, %arg4: memref<1000x4xf32, #tpu.memory_space<vmem>>, %arg5: memref<1000x4xf32, #tpu.memory_space<vmem>>, %arg6: memref<128x128xf32, #tpu.memory_space<vmem>>, %arg7: memref<128x128xf32, #tpu.memory_space<vmem>>, %arg8: memref<1x128xf32, #tpu.memory_space<vmem>>, %arg9: memref<128x128xf32, #tpu.memory_space<vmem>>, %arg10: memref<1x128xf32, #tpu.memory_space<vmem>>, %arg11: memref<128x128xf32, #tpu.memory_space<vmem>>, %arg12: memref<1x128xf32, #tpu.memory_space<vmem>>, %arg13: memref<1x128xf32, #tpu.memory_space<vmem>>, %arg14: memref<1000x128xf32, #tpu.memory_space<vmem>>, %arg15: memref<1000x4xf32, #tpu.memory_space<vmem>>) attributes {dimension_semantics = [#tpu.dimension_semantics<arbitrary>], iteration_bounds = array<i64: 10>, scalar_prefetch = 0 : i64, scratch_operands = 0 : i64, tpu.core_type = #tpu.core_type<tc>, window_params = [{transform_indices = @transform_0, window_bounds = array<i64: 1000, 128>}, {transform_indices = @transform_1, window_bounds = array<i64: 1000, 128>}, {transform_indices = @transform_2, window_bounds = array<i64: 1000, 128>}, {transform_indices = @transform_3, window_bounds = array<i64: 1000, 4>}, {transform_indices = @transform_4, window_bounds = array<i64: 1000, 4>}, {pipeline_mode = #tpu.pipeline_mode<synchronous>, transform_indices = @transform_5, window_bounds = array<i64: 128, 128>}, {pipeline_mode = #tpu.pipeline_mode<synchronous>, transform_indices = @transform_6, window_bounds = array<i64: 128, 128>}, {pipeline_mode = #tpu.pipeline_mode<synchronous>, transform_indices = @transform_7, window_bounds = array<i64: 1, 128>}, {pipeline_mode = #tpu.pipeline_mode<synchronous>, transform_indices = @transform_8, window_bounds = array<i64: 128, 128>}, {pipeline_mode = #tpu.pipeline_mode<synchronous>, transform_indices = @transform_9, window_bounds = array<i64: 1, 128>}, {pipeline_mode = #tpu.pipeline_mode<synchronous>, transform_indices = @transform_10, window_bounds = array<i64: 128, 128>}, {pipeline_mode = #tpu.pipeline_mode<synchronous>, transform_indices = @transform_11, window_bounds = array<i64: 1, 128>}, {pipeline_mode = #tpu.pipeline_mode<synchronous>, transform_indices = @transform_12, window_bounds = array<i64: 1, 128>}, {transform_indices = @transform_13, window_bounds = array<i64: 1000, 128>}, {transform_indices = @transform_14, window_bounds = array<i64: 1000, 4>}]} {
    %get3A = arith.constant 0 : index
    %get3A_0 = arith.constant 0 : index
    %get3A_1 = vector.load %arg1[%get3A, %get3A_0] : memref<1000x128xf32, #tpu.memory_space<vmem>>, vector<1000x128xf32>
    %get3A_2 = arith.constant 0 : index
    %get3A_3 = arith.constant 0 : index
    %get3A_4 = vector.load %arg2[%get3A_2, %get3A_3] : memref<1000x128xf32, #tpu.memory_space<vmem>>, vector<1000x128xf32>
    %get3A_5 = arith.constant 0 : index
    %get3A_6 = arith.constant 0 : index
    %get3A_7 = vector.load %arg3[%get3A_5, %get3A_6] : memref<1000x128xf32, #tpu.memory_space<vmem>>, vector<1000x128xf32>
    %add3A = arith.addf %get3A_4, %get3A_7 : vector<1000x128xf32>
    %get3A_8 = arith.constant 0 : index
    %get3A_9 = arith.constant 0 : index
    %get3A_10 = vector.load %arg6[%get3A_8, %get3A_9] : memref<128x128xf32, #tpu.memory_space<vmem>>, vector<128x128xf32>
    %convert_element_type3A = arith.truncf %get3A_1 : vector<1000x128xf32> to vector<1000x128xbf16>
    %convert_element_type3A_11 = arith.truncf %get3A_10 : vector<128x128xf32> to vector<128x128xbf16>
    %dot_general3A = arith.constant dense<0.000000e+00> : vector<1000x128xf32>
    %dot_general3A_12 = tpu.matmul %convert_element_type3A, %convert_element_type3A_11, %dot_general3A {dimension_numbers = #tpu.dot_dimension_numbers<[1], [1], [0], [0], [0, 0, 1, 0], [], []>, transpose_lhs_hint = false} : vector<1000x128xbf16>, vector<128x128xbf16>, vector<1000x128xf32> -> vector<1000x128xf32>
    %get3A_13 = arith.constant 0 : index
    %get3A_14 = arith.constant 0 : index
    %get3A_15 = vector.load %arg7[%get3A_13, %get3A_14] : memref<128x128xf32, #tpu.memory_space<vmem>>, vector<128x128xf32>
    %convert_element_type3A_16 = arith.truncf %add3A : vector<1000x128xf32> to vector<1000x128xbf16>
    %convert_element_type3A_17 = arith.truncf %get3A_15 : vector<128x128xf32> to vector<128x128xbf16>
    %dot_general3A_18 = arith.constant dense<0.000000e+00> : vector<1000x128xf32>
    %dot_general3A_19 = tpu.matmul %convert_element_type3A_16, %convert_element_type3A_17, %dot_general3A_18 {dimension_numbers = #tpu.dot_dimension_numbers<[1], [1], [0], [0], [0, 0, 1, 0], [], []>, transpose_lhs_hint = false} : vector<1000x128xbf16>, vector<128x128xbf16>, vector<1000x128xf32> -> vector<1000x128xf32>
    %add3A_20 = arith.addf %dot_general3A_12, %dot_general3A_19 : vector<1000x128xf32>
    %get3A_21 = arith.constant 0 : index
    %get3A_22 = arith.constant 0 : index
    %get3A_23 = vector.load %arg8[%get3A_21, %get3A_22] : memref<1x128xf32, #tpu.memory_space<vmem>>, vector<1x128xf32>
    %add3A_24 = vector.broadcast %get3A_23 : vector<1x128xf32> to vector<1000x128xf32>
    %add3A_25 = arith.addf %add3A_20, %add3A_24 : vector<1000x128xf32>
    %logistic3A = arith.negf %add3A_25 : vector<1000x128xf32>
    %logistic3A_26 = math.exp %logistic3A : vector<1000x128xf32>
    %logistic3A_27 = arith.constant 1.000000e+00 : f32
    %logistic3A_28 = vector.broadcast %logistic3A_27 : f32 to vector<1000x128xf32>
    %logistic3A_29 = arith.addf %logistic3A_28, %logistic3A_26 : vector<1000x128xf32>
    %logistic3A_30 = arith.divf %logistic3A_28, %logistic3A_29 : vector<1000x128xf32>
    %mul3A = arith.mulf %add3A_25, %logistic3A_30 : vector<1000x128xf32>
    %get3A_31 = arith.constant 0 : index
    %get3A_32 = arith.constant 0 : index
    %get3A_33 = vector.load %arg9[%get3A_31, %get3A_32] : memref<128x128xf32, #tpu.memory_space<vmem>>, vector<128x128xf32>
    %convert_element_type3A_34 = arith.truncf %mul3A : vector<1000x128xf32> to vector<1000x128xbf16>
    %convert_element_type3A_35 = arith.truncf %get3A_33 : vector<128x128xf32> to vector<128x128xbf16>
    %dot_general3A_36 = arith.constant dense<0.000000e+00> : vector<1000x128xf32>
    %dot_general3A_37 = tpu.matmul %convert_element_type3A_34, %convert_element_type3A_35, %dot_general3A_36 {dimension_numbers = #tpu.dot_dimension_numbers<[1], [1], [0], [0], [0, 0, 1, 0], [], []>, transpose_lhs_hint = false} : vector<1000x128xbf16>, vector<128x128xbf16>, vector<1000x128xf32> -> vector<1000x128xf32>
    %get3A_38 = arith.constant 0 : index
    %get3A_39 = arith.constant 0 : index
    %get3A_40 = vector.load %arg10[%get3A_38, %get3A_39] : memref<1x128xf32, #tpu.memory_space<vmem>>, vector<1x128xf32>
    %add3A_41 = vector.broadcast %get3A_40 : vector<1x128xf32> to vector<1000x128xf32>
    %add3A_42 = arith.addf %dot_general3A_37, %add3A_41 : vector<1000x128xf32>
    %logistic3A_43 = arith.negf %add3A_42 : vector<1000x128xf32>
    %logistic3A_44 = math.exp %logistic3A_43 : vector<1000x128xf32>
    %logistic3A_45 = arith.constant 1.000000e+00 : f32
    %logistic3A_46 = vector.broadcast %logistic3A_45 : f32 to vector<1000x128xf32>
    %logistic3A_47 = arith.addf %logistic3A_46, %logistic3A_44 : vector<1000x128xf32>
    %logistic3A_48 = arith.divf %logistic3A_46, %logistic3A_47 : vector<1000x128xf32>
    %mul3A_49 = arith.mulf %add3A_42, %logistic3A_48 : vector<1000x128xf32>
    %add3A_50 = arith.addf %get3A_1, %mul3A_49 : vector<1000x128xf32>
    %get3A_51 = arith.constant 0 : index
    %get3A_52 = arith.constant 0 : index
    %get3A_53 = vector.load %arg11[%get3A_51, %get3A_52] : memref<128x128xf32, #tpu.memory_space<vmem>>, vector<128x128xf32>
    %convert_element_type3A_54 = arith.truncf %add3A_50 : vector<1000x128xf32> to vector<1000x128xbf16>
    %convert_element_type3A_55 = arith.truncf %get3A_53 : vector<128x128xf32> to vector<128x128xbf16>
    %dot_general3A_56 = arith.constant dense<0.000000e+00> : vector<1000x128xf32>
    %dot_general3A_57 = tpu.matmul %convert_element_type3A_54, %convert_element_type3A_55, %dot_general3A_56 {dimension_numbers = #tpu.dot_dimension_numbers<[1], [1], [0], [0], [0, 0, 1, 0], [], []>, transpose_lhs_hint = false} : vector<1000x128xbf16>, vector<128x128xbf16>, vector<1000x128xf32> -> vector<1000x128xf32>
    %get3A_58 = arith.constant 0 : index
    %get3A_59 = arith.constant 0 : index
    %get3A_60 = vector.load %arg12[%get3A_58, %get3A_59] : memref<1x128xf32, #tpu.memory_space<vmem>>, vector<1x128xf32>
    %add3A_61 = vector.broadcast %get3A_60 : vector<1x128xf32> to vector<1000x128xf32>
    %add3A_62 = arith.addf %dot_general3A_57, %add3A_61 : vector<1000x128xf32>
    %logistic3A_63 = arith.negf %add3A_62 : vector<1000x128xf32>
    %logistic3A_64 = math.exp %logistic3A_63 : vector<1000x128xf32>
    %logistic3A_65 = arith.constant 1.000000e+00 : f32
    %logistic3A_66 = vector.broadcast %logistic3A_65 : f32 to vector<1000x128xf32>
    %logistic3A_67 = arith.addf %logistic3A_66, %logistic3A_64 : vector<1000x128xf32>
    %logistic3A_68 = arith.divf %logistic3A_66, %logistic3A_67 : vector<1000x128xf32>
    %mul3A_69 = arith.mulf %add3A_62, %logistic3A_68 : vector<1000x128xf32>
    %convert_element_type3A_70 = arith.truncf %mul3A_69 : vector<1000x128xf32> to vector<1000x128xbf16>
    %convert_element_type3A_71 = arith.extf %convert_element_type3A_70 : vector<1000x128xbf16> to vector<1000x128xf32>
    %get3A_72 = arith.constant 0 : index
    %get3A_73 = arith.constant 0 : index
    %get3A_74 = vector.load %arg13[%get3A_72, %get3A_73] : memref<1x128xf32, #tpu.memory_space<vmem>>, vector<1x128xf32>
    %convert_element_type3A_75 = arith.truncf %get3A_74 : vector<1x128xf32> to vector<1x128xbf16>
    %convert_element_type3A_76 = arith.extf %convert_element_type3A_75 : vector<1x128xbf16> to vector<1x128xf32>
    %mul3A_77 = vector.broadcast %convert_element_type3A_76 : vector<1x128xf32> to vector<1000x128xf32>
    %mul3A_78 = arith.mulf %convert_element_type3A_71, %mul3A_77 : vector<1000x128xf32>
    %reduce_sum3A = arith.constant dense<0.000000e+00> : vector<1000xf32>
    %reduce_sum3A_79 = vector.multi_reduction <add>, %mul3A_78, %reduce_sum3A [1] : vector<1000x128xf32> to vector<1000xf32>
    %broadcast_in_dim3A = vector.shape_cast %reduce_sum3A_79 : vector<1000xf32> to vector<1000x1xf32>
    %get3A_80 = arith.constant 0 : index
    %get3A_81 = arith.constant 0 : index
    %get3A_82 = vector.load %arg4[%get3A_80, %get3A_81] : memref<1000x4xf32, #tpu.memory_space<vmem>>, vector<1000x4xf32>
    %get3A_83 = arith.constant 0 : index
    %get3A_84 = arith.constant 0 : index
    %get3A_85 = vector.load %arg5[%get3A_83, %get3A_84] : memref<1000x4xf32, #tpu.memory_space<vmem>>, vector<1000x4xf32>
    %add3A_86 = arith.addf %get3A_82, %get3A_85 : vector<1000x4xf32>
    %swap3A = arith.constant 0 : index
    %swap3A_87 = arith.constant 0 : index
    %swap3A_88 = vector.load %arg14[%swap3A, %swap3A_87] : memref<1000x128xf32, #tpu.memory_space<vmem>>, vector<1000x128xf32>
    tpu.vector_store %arg14[%swap3A, %swap3A_87], %add3A_50 {strides = array<i32>} : memref<1000x128xf32, #tpu.memory_space<vmem>>, vector<1000x128xf32>,
    %mul3A_89 = vector.broadcast %broadcast_in_dim3A : vector<1000x1xf32> to vector<1000x4xf32>
    %mul3A_90 = arith.mulf %add3A_86, %mul3A_89 : vector<1000x4xf32>
    %swap3A_91 = arith.constant 0 : index
    %swap3A_92 = arith.constant 0 : index
    %swap3A_93 = vector.load %arg15[%swap3A_91, %swap3A_92] : memref<1000x4xf32, #tpu.memory_space<vmem>>, vector<1000x4xf32>
    tpu.vector_store %arg15[%swap3A_91, %swap3A_92], %mul3A_90 {strides = array<i32>} : memref<1000x4xf32, #tpu.memory_space<vmem>>, vector<1000x4xf32>,
    return
  }
  func.func @transform_0(%arg0: i32) -> (i32, i32) {
    %c0_i32 = arith.constant 0 : i32
    %c0_i32_0 = arith.constant 0 : i32
    return %arg0, %c0_i32 : i32, i32
  }
  func.func @transform_1(%arg0: i32) -> (i32, i32) {
    %c0_i32 = arith.constant 0 : i32
    %c0_i32_0 = arith.constant 0 : i32
    return %arg0, %c0_i32 : i32, i32
  }
  func.func @transform_2(%arg0: i32) -> (i32, i32) {
    %c0_i32 = arith.constant 0 : i32
    %c0_i32_0 = arith.constant 0 : i32
    return %arg0, %c0_i32 : i32, i32
  }
  func.func @transform_3(%arg0: i32) -> (i32, i32) {
    %c0_i32 = arith.constant 0 : i32
    %c0_i32_0 = arith.constant 0 : i32
    return %arg0, %c0_i32 : i32, i32
  }
  func.func @transform_4(%arg0: i32) -> (i32, i32) {
    %c0_i32 = arith.constant 0 : i32
    %c0_i32_0 = arith.constant 0 : i32
    return %arg0, %c0_i32 : i32, i32
  }
  func.func @transform_5(%arg0: i32) -> (i32, i32) {
    %c0_i32 = arith.constant 0 : i32
    %c0_i32_0 = arith.constant 0 : i32
    %c0_i32_1 = arith.constant 0 : i32
    return %c0_i32, %c0_i32_0 : i32, i32
  }
  func.func @transform_6(%arg0: i32) -> (i32, i32) {
    %c0_i32 = arith.constant 0 : i32
    %c0_i32_0 = arith.constant 0 : i32
    %c0_i32_1 = arith.constant 0 : i32
    return %c0_i32, %c0_i32_0 : i32, i32
  }
  func.func @transform_7(%arg0: i32) -> (i32, i32) {
    %c0_i32 = arith.constant 0 : i32
    %c0_i32_0 = arith.constant 0 : i32
    %c0_i32_1 = arith.constant 0 : i32
    return %c0_i32, %c0_i32_0 : i32, i32
  }
  func.func @transform_8(%arg0: i32) -> (i32, i32) {
    %c0_i32 = arith.constant 0 : i32
    %c0_i32_0 = arith.constant 0 : i32
    %c0_i32_1 = arith.constant 0 : i32
    return %c0_i32, %c0_i32_0 : i32, i32
  }
  func.func @transform_9(%arg0: i32) -> (i32, i32) {
    %c0_i32 = arith.constant 0 : i32
    %c0_i32_0 = arith.constant 0 : i32
    %c0_i32_1 = arith.constant 0 : i32
    return %c0_i32, %c0_i32_0 : i32, i32
  }
  func.func @transform_10(%arg0: i32) -> (i32, i32) {
    %c0_i32 = arith.constant 0 : i32
    %c0_i32_0 = arith.constant 0 : i32
    %c0_i32_1 = arith.constant 0 : i32
    return %c0_i32, %c0_i32_0 : i32, i32
  }
  func.func @transform_11(%arg0: i32) -> (i32, i32) {
    %c0_i32 = arith.constant 0 : i32
    %c0_i32_0 = arith.constant 0 : i32
    %c0_i32_1 = arith.constant 0 : i32
    return %c0_i32, %c0_i32_0 : i32, i32
  }
  func.func @transform_12(%arg0: i32) -> (i32, i32) {
    %c0_i32 = arith.constant 0 : i32
    %c0_i32_0 = arith.constant 0 : i32
    %c0_i32_1 = arith.constant 0 : i32
    return %c0_i32, %c0_i32_0 : i32, i32
  }
  func.func @transform_13(%arg0: i32) -> (i32, i32) {
    %c0_i32 = arith.constant 0 : i32
    %c0_i32_0 = arith.constant 0 : i32
    return %arg0, %c0_i32 : i32, i32
  }
  func.func @transform_14(%arg0: i32) -> (i32, i32) {
    %c0_i32 = arith.constant 0 : i32
    %c0_i32_0 = arith.constant 0 : i32
    return %arg0, %c0_i32 : i32, i32
  }
}

</mosaic_0001>

<sc_bundles>
// kernel: kernel.11.cloned.1.call-start
scs
__scs_entry_jumppad:
0x0: {  	(pc) =	sbr.rel $0x88, $3  }
0x1: {  	(tag) =	ssettag $0x0;
	lr =	simm.s32 $0x1  }
0x2: {  	[smem:$0x3F8E] =	sst lr;
	_ =	strace $0xD0000000  }
0x3: {  	_ = 	snop  }
0x4: {  	_ = 	snop  }
0x5: {  	_ = 	snop  }
0x6: {  	_ = 	snop  }
0x7: {  	_ = 	snop  }
__scs_overlays_trampoline_lowered:
0x8: {  	[smem:$0x3F9D] =	sst s0  }
0x9: {  	[smem:$0x3F9E] =	sst s1  }
0xa: {  	[smem:$0x3F9F] =	sst s2  }
0xb: {  	[smem:$0x3FA0] =	sst s3  }
0xc: {  	[smem:$0x3FA1] =	sst s4  }
0xd: {  	[smem:$0x3FA2] =	sst s5  }
0xe: {  	[smem:$0x3FA3] =	sst s6  }
0xf: {  	[smem:$0x3FA4] =	sst s7  }
0x10: {  	[smem:$0x3FA5] =	sst s8  }
0x11: {  	[smem:$0x3FA6] =	sst s9;
	s0 =	simm.s32 @!p0 $0x0  }
0x12: {  	s1 =	sld [smem:$0x3F8C];
	s0 =	simm.s32 @p0 $0x1  }
0x13: {  	[smem:$0x3FA7] =	sst s0;
	s0 =	simm.s32 @!p1 $0x0  }
0x14: {  	s2 =	sld [smem:$0x3F8B];
	s0 =	simm.s32 @p1 $0x1  }
0x15: {  	[smem:$0x3FA8] =	sst s0;
	s0 =	simm.s32 @!p2 $0x0  }
0x16: {  	s3 =	sld [smem:$0x3FDB];
	s0 =	simm.s32 @p2 $0x1  }
0x17: {  	s4 =	simm.s32 $0x1BF5;
	[smem:$0x3FAA] =	sst s0  }
0x18: {  	s0 =	sld [smem:$0x3F8D];
	_ =	swait.ge [sflag:s4], $0x0  }
0x19: {  	s7 =	sld [smem:$0x3F8E]  }
0x1a: {  	s8 =	sadd.s32 $0xFFFFE003, lr  }
0x1b: {  	s9 =	sadd.s32 $0xFFFFFEF7, lr;
	s5 =	simm.s32 $0xFFFFFFFF;
	p2 =	slt.u32 s8, $0xFFFFF086  }
0x1c: {  	p1 =	slt.u32 s9, $0xF7A;
	s5 =	simm.s32 @!p2 $0x0  }
0x1d: {  	s5 =	simm.s32 @p1 $0x1;
	p0 =	seq.s32 s7, s2  }
0x1e: {  	s7 =	smul.u32 @!p0 $0xF7A, s2;
	p2 =	seq.s32 @!p0 s5, $0x0  }
0x1f: {  	s9 =	smul.u32 $0xF7A, s1;
	s8 =	simm.s32 @!p0 $0x1BF5;
	p2 =	por !p2, p0  }
0x20: {  	[sflag:s8] =	ssyncset.s32 @!p0 $0xFFFFF086;
	s6 =	sadd.s32 @!p0 s3, s7;
	s7 =	simm.s32 @!p0 $0x108  }
0x21: {  	s3 =	sadd.s32 s3, s9;
	s6 =	sadd.s32 @!p0 $0x88, s6;
	s7 =	simm.s32 @p2 $0x1082  }
0x22: {  	[simem:s7], [sflag:s8] =	dma.local @!p0 [hbm:s6], $0xF7A  }
0x23: {  	s9 =	sor.u32 $0xD0000000, s2;
	s6 =	simm.s32 $0x108;
	_ =	swait.ge @!p0 [sflag:s8], $0x0  }
0x24: {  	s3 =	sadd.s32 $0x88, s3;
	s6 =	simm.s32 @!p1 $0x1082;
	[sflag:s4] =	ssyncset.s32 $0xFFFFF086  }
0x25: {  	[simem:s6], [sflag:s4] =	dma.local [hbm:s3], $0xF7A  }
0x26: {  	[smem:$0x3F8E] =	sst s1;
	(tag) =	ssettag s2;
	_ =	strace s9  }
0x27: {  	s1 =	sld [smem:$0x3F9E]  }
0x28: {  	s2 =	sld [smem:$0x3F9F]  }
0x29: {  	s4 =	sld [smem:$0x3FA1]  }
0x2a: {  	p0 =	seq.s32 s5, $0x0;
	s5 =	sld [smem:$0x3FA2]  }
0x2b: {  	s6 =	sld [smem:$0x3FA3]  }
0x2c: {  	s7 =	sld [smem:$0x3FA4]  }
0x2d: {  	s3 =	simm.s32 $0x108;
	s8 =	sld [smem:$0x3FA5]  }
0x2e: {  	s3 =	simm.s32 @!p0 $0x1082;
	s9 =	sld [smem:$0x3FA6]  }
0x2f: {  	lr =	sadd.s32 s0, s3;
	s0 =	sld [smem:$0x3F9D]  }
0x30: {  	s3 =	sld [smem:$0x3FA0]  }
0x31: {  	[smem:$0x3FA9] =	sst s10  }
0x32: {  	s10 =	sld [smem:$0x3FA7];
	_ =	sdelay $0x3  }
0x33: {  	p0 =	seq.s32 s10, $0x1;
	s10 =	sld [smem:$0x3FA9];
	_ =	sdelay $0x3  }
0x34: {  	[smem:$0x3FA9] =	sst s10  }
0x35: {  	s10 =	sld [smem:$0x3FA8];
	_ =	sdelay $0x3  }
0x36: {  	p1 =	seq.s32 s10, $0x1;
	s10 =	sld [smem:$0x3FA9];
	_ =	sdelay $0x3  }
0x37: {  	[smem:$0x3FA9] =	sst s10  }
0x38: {  	s10 =	sld [smem:$0x3FAA]  }
0x39: {  	_ = 	snop;
	(pc) =	sbr.ind lr, $3  }
0x3a: {  	_ = 	snop  }
0x3b: {  	_ = 	snop  }
0x3c: {  	p2 =	seq.s32 s10, $0x1;
	s10 =	sld [smem:$0x3FA9]  }
0x3d: {  	_ =	shalt  }
0x3e: {  	_ =	shalt  }
0x3f: {  	_ =	shalt  }
0x40: {  	_ =	shalt  }
0x41: {  	_ =	shalt  }
0x42: {  	_ =	shalt  }
0x43: {  	_ =	shalt  }
0x44: {  	_ =	shalt  }
0x45: {  	_ =	shalt  }
0x46: {  	_ =	shalt  }
0x47: {  	_ =	shalt  }
0x48: {  	_ =	shalt  }
0x49: {  	_ =	shalt  }
0x4a: {  	_ =	shalt  }
0x4b: {  	_ =	shalt  }
0x4c: {  	_ =	shalt  }
0x4d: {  	_ =	shalt  }
0x4e: {  	_ =	shalt  }
0x4f: {  	_ =	shalt  }
0x50: {  	_ =	shalt  }
0x51: {  	_ =	shalt  }
0x52: {  	_ =	shalt  }
0x53: {  	_ =	shalt  }
0x54: {  	_ =	shalt  }
0x55: {  	_ =	shalt  }
0x56: {  	_ =	shalt  }
0x57: {  	_ =	shalt  }
0x58: {  	_ =	shalt  }
0x59: {  	_ =	shalt  }
0x5a: {  	_ =	shalt  }
0x5b: {  	_ =	shalt  }
0x5c: {  	_ =	shalt  }
0x5d: {  	_ =	shalt  }
0x5e: {  	_ =	shalt  }
0x5f: {  	_ =	shalt  }
0x60: {  	_ =	shalt  }
0x61: {  	_ =	shalt  }
0x62: {  	_ =	shalt  }
0x63: {  	_ =	shalt  }
0x64: {  	_ =	shalt  }
0x65: {  	_ =	shalt  }
0x66: {  	_ =	shalt  }
0x67: {  	_ =	shalt  }
0x68: {  	_ =	shalt  }
0x69: {  	_ =	shalt  }
0x6a: {  	_ =	shalt  }
0x6b: {  	_ =	shalt  }
0x6c: {  	_ =	shalt  }
0x6d: {  	_ =	shalt  }
0x6e: {  	_ =	shalt  }
0x6f: {  	_ =	shalt  }
0x70: {  	_ =	shalt  }
0x71: {  	_ =	shalt  }
0x72: {  	_ =	shalt  }
0x73: {  	_ =	shalt  }
0x74: {  	_ =	shalt  }
0x75: {  	_ =	shalt  }
0x76: {  	_ =	shalt  }
0x77: {  	_ =	shalt  }
0x78: {  	_ =	shalt  }
0x79: {  	_ =	shalt  }
0x7a: {  	_ =	shalt  }
0x7b: {  	_ =	shalt  }
0x7c: {  	_ =	shalt  }
0x7d: {  	_ =	shalt  }
0x7e: {  	_ =	shalt  }
0x7f: {  	_ =	shalt  }
0x80: {  	_ =	shalt  }
0x81: {  	_ =	shalt  }
0x82: {  	_ =	shalt  }
0x83: {  	_ =	shalt  }
0x84: {  	_ =	shalt  }
0x85: {  	_ =	shalt  }
0x86: {  	_ =	shalt  }
0x87: {  	_ =	shalt  }
.Lfunc_end0:
.L_simem_size_0:
called_computation.1_lowered:
.L_overlay_start_0:
0x88: {  	s2 =	sld [smem:$0x3FD9]  }
0x89: {  	s3 =	sld [smem:$0x3FFE];
	_ =	sdelay $0x1  }
0x8a: {  	s1 =	srdreg.scid  }
0x8b: {  	s0 =	sand.u32 $0x1, s1  }
0x8c: {  	s17 =	sshll.u32 s0, $0xA;
	s2 =	sadd.s32 s3, s2  }
0x8d: {  	s2 =	sadd.s32 s2, s17  }
0x8e: {  	[smem:$0x3FB5] =	sst s2  }
0x8f: {  	_ = 	snop  }
0x90: {  	(tm) =	ssettm $0x1  }
0x91: {  	s18 =	sld [smem:$0x3FFB];
	_ =	sdelay $0x3  }
0x92: {  	_ =	strace s18  }
0x93: {  	s2 =	sld [smem:$0x3FFC];
	_ =	sdelay $0x3  }
0x94: {  	_ =	strace s2  }
0x95: {  	s2 =	sld [smem:$0x3FFD];
	_ =	sdelay $0x3  }
0x96: {  	_ =	strace s2  }
0x97: {  	_ =	strace $0x8FFFFFFF  }
0x98: {  	s19 =	sld [smem:$0x3FDB];
	_ =	sdelay $0x1  }
0x99: {  	s20 =	simm.s32 $_scs_section_size  }
0x9a: {  	s4 =	simm.s32 $_size__tile_overlayer_lowered;
	s5 =	simm.s32 $_tile_overlayer_lowered  }
0x9b: {  	s6 =	simm.s32 $0x1BFF;
	s21 =	sshll.u32 s5, $0x1;
	s3 =	sadd.s32 s20, s19  }
0x9c: {  	s22 =	simm.s32 $0x0;
	s4 =	sshll.u32 s4, $0x1;
	s5 =	sadd.s32 s21, s3  }
0x9d: {  	[timem:s22], [sflag:s6] =	dma.local [hbm:s5], s4  }
0x9e: {  	_ =	swait.ge [sflag:s6], s4  }
0x9f: {  	s4 =	ssub.s32 $0x0, s4;
	[sflag:s6] =	ssyncset.done $0x0  }
0xa0: {  	[sflag:s6] =	ssyncadd.s32 s4;
	_ =	sdelay $0x1  }
0xa1: {  	s23 =	simm.s32 $0x1B8B  }
0xa2: {  	_ =	swait.ge [sflag:s23], $0x1  }
0xa3: {  	[sflag:s23] =	ssyncset.done $0x0  }
0xa4: {  	[sflag:s23] =	ssyncadd.s32 $0xFFFFFFFF  }
0xa5: {  	s4 =	sld [smem:$0x0]  }
0xa6: {  	s5 =	sand.u32 $0xFFFFFFFE, s1  }
0xa7: {  	p0 =	sne.s32 s1, s5  }
0xa8: {  	s5 =	sshll.u32 @p0 s5, $0xE  }
0xa9: {  	s5 =	sadd.s32 @p0 $0x11B8D, s5;
	s6 =	sshll.u32 @p0 s4, $0x11  }
0xaa: {  	s5 =	sor.u32 @p0 s6, s5  }
0xab: {  	[sflag:s5] =	ssyncadd.remote.s32 @p0 $0x1;
	_ =	sdelay $0x1  }
0xac: {  	s5 =	simm.s32 @p0 $0x1B8D  }
0xad: {  	_ =	swait.eq @p0 [sflag:s5], $0x1  }
0xae: {  	[sflag:s5] =	ssyncadd.s32 @p0 $0xFFFFFFFF  }
0xaf: {  	s6 =	sshll.u32 @!p0 s1, $0xE  }
0xb0: {  	s6 =	sor.u32 @!p0 $0x4000, s6;
	s5 =	simm.s32 @!p0 $0x1B8D  }
0xb1: {  	s4 =	sshll.u32 @!p0 s4, $0x11;
	s6 =	sadd.s32 @!p0 $0x11B8D, s6;
	_ =	swait.eq @!p0 [sflag:s5], $0x1  }
0xb2: {  	s4 =	sor.u32 @!p0 s4, s6;
	[sflag:s5] =	ssyncadd.s32 @!p0 $0xFFFFFFFF  }
0xb3: {  	s25 =	simm.s32 $0x1B8E;
	s24 =	sld [smem:$0x3FFE];
	[sflag:s4] =	ssyncadd.remote.s32 @!p0 $0x1  }
0xb4: {  	s26 =	simm.s32 $execute0_lowered;
	[smem:$0x3FD2] =	sst s25  }
0xb5: {  	s5 =	sshll.u32 s26, $0x1;
	_ =	strace $0x8000004C;
	[dreg:$0x1] =	wrdreg $0xFFFFFFFF  }
0xb6: {  	s28 =	simm.s32 $_size_execute0_lowered;
	s3 =	sadd.s32 s3, s5;
	[dreg:$0x0] =	wrdreg $0x0  }
0xb7: {  	s5 =	sshll.u32 s28, $0x1;
	[dreg:$0x2] =	wrdreg s3  }
0xb8: {  	[dreg:$0x3] =	wrdreg s5  }
0xb9: {  	[dreg:$0x4] =	wrdreg $0xC0  }
0xba: {  	_ =	task [dreg:s22], $0x5FFFF  }
0xbb: {  	[dreg:$0x1] =	wrdreg $0xFFFFFFFF  }
0xbc: {  	[dreg:$0x0] =	wrdreg $0x60  }
0xbd: {  	[dreg:$0x2] =	wrdreg s24  }
0xbe: {  	[dreg:$0x3] =	wrdreg $0x0  }
0xbf: {  	[dreg:$0x4] =	wrdreg $0x9  }
0xc0: {  	_ =	task.clear_ibuf [dreg:s22], $0x5FFFF;
	_ =	strace $0x9000004C  }
0xc1: {  	s29 =	simm.s32 $0x9;
	_ =	strace $0x8000004E  }
0xc2: {  	_ =	swait.ge [sflag:s29], $0x1  }
0xc3: {  	[sflag:s29] =	ssyncadd.s32 $0xFFFFFFFF  }
0xc4: {  	_ =	strace $0x9000004E  }
0xc5: {  	_ =	sfence  }
0xc6: {  	s30 =	sld [smem:$0x0];
	_ =	sdelay $0x2  }
0xc7: {  	s31 =	sshll.u32 s1, $0xD;
	s1 =	sshrl.u32 s1, $0x2  }
0xc8: {  	s4 =	sand.u32 $0x4000, s31;
	s1 =	sadd.s32 s1, s30  }
0xc9: {  	s0 =	sor.u32 s4, s0;
	s1 =	sshll.u32 s1, $0x11  }
0xca: {  	s0 =	sor.u32 s1, s0  }
0xcb: {  	s0 =	sadd.s32 $0x8F2B, s0  }
0xcc: {  	[sflag:s0] =	ssyncadd.remote.s32 $0x1  }
0xcd: {  	_ =	sfence.sel $0xFFFF  }
0xce: {  	[dreg:$0x0] =	wrdreg $0xFFFFFFFF;
	(pc) =	sbr.abs _section_cstart, $3  }
0xcf: {  	[dreg:$0x1] =	wrdreg $0xFFFFFFFF  }
0xd0: {  	_ =	task.clear_ibuf [dreg:s22], $0x2FFFF;
	_ =	strace $0x9FFFFFFF  }
0xd1: {  	(tm) =	ssettm $0x7FFFFFFF  }
tec
execute0_lowered:
.L_overlay_start_1:
0x0: {  	(tag) =	ssettag $0x1  }
0x1: {  	s4 =	rddreg [dreg:$0x0]  }
0x2: {  	s2 =	rddreg [dreg:$0x1]  }
0x3: {  	s0 =	rddreg [dreg:$0x2];
	s1 =	stileid.u32  }
0x4: {  	s5 =	srdreg.scid;
	s3 =	simm.s32 $0x0;
	s6 =	smul.u32 $0x2780, s1  }
0x5: {  	s17 =	simm.s32 $0x1;
	s18 =	simm.s32 $0x80;
	s8 =	smul.u32 $0x4F000, s1  }
0x6: {  	s19 =	simm.s32 $0x18480;
	s20 =	simm.s32 $0x17C80;
	s13 =	smul.u32 $0x2710, s1  }
0x7: {  	s21 =	simm.s32 $0x10;
	s7 =	sand.u32 $0x1, s5;
	s31 =	smul.u32 $0x27100, s1  }
0x8: {  	[smem:$0x7FF] =	sst s3;
	s9 =	sadd.s32 $0x18AB000, s4;
	s5 =	smul.u32 $0x27800, s7  }
0x9: {  	s11 =	sadd.s32 $0x10000, s4;
	s25 =	sshll.u32 s1, $0x6;
	s12 =	smul.u32 $0x27100, s7  }
0xa: {  	_ =	strace $0x8000004D;
	s22 =	ssub.s32 $0x2, s7;
	s29 =	smul.u32 $0x271000, s7  }
0xb: {  	s10 =	sadd.s32 s6, s4;
	s23 =	sshrl.u32 s22, $0x1;
	s24 =	sshrl.u32 s8, $0x2  }
0xc: {  	s5 =	sadd.s32 s6, s5;
	s15 =	ssub.s32 s22, s23;
	s16 =	sadd.s32 s24, s2  }
0xd: {  	s12 =	sadd.s32 s13, s12;
	s13 =	simm.s32 $0x3;
	s22 =	simm.s32 $0x0  }
0xe: {  	s14 =	sadd.s32 s5, s4;
	s4 =	sadd.s32 $0x19E00, s10;
	s26 =	sadd.s32 $0x2700, s12  }
0xf: {  	s5 =	sor.u32 $0x1C03, s25;
	s10 =	sadd.s32 s29, s9;
	s12 =	sshrl.u32 s12, $0x3  }
0x10: {  	s28 =	sshrl.u32 s26, $0x3;
	s30 =	sshll.u32 s26, $0x4;
	s8 =	sadd.s32 $0x90600, s14  }
0x11: {  	s10 =	sadd.s32 s31, s10;
	s14 =	simm.s32 $0x17C00;
	s6 =	sadd.s32 s11, s28  }
0x12: {  	s7 =	sadd.s32 s9, s30;
	s9 =	smax.u32 s15, $0x1;
	s11 =	sadd.s32 s12, s11  }
0x13: {  	s12 =	sshrl.u32 s16, $0x3;
	s15 =	simm.s32 $0x13C00;
	s16 =	simm.s32 $0x2  }
.LBB2_1:
0x14: {  	[spmem:s12], [sflag:s5] =	dma.local [hbm:s4], $0x2780  }
0x15: {  	_ =	swait.ge [sflag:s13], $0x2780  }
0x16: {  	[sflag:s13] =	ssyncset.done $0x0  }
0x17: {  	[sflag:s13] =	ssyncadd.s32 $0xFFFFD880  }
0x18: {  	s23 =	sadd.s32 $0x0, s11;
	[bflag:$0x0] =	sbarrier.arrive $0xFFFF  }
0x19: {  	[tilespmem:s14], [sflag:$0x2] =	stream.linear.gather [hbm4b:s23+s3], $0x80, $0x38;
	[tilespmem:$0x18500] =	vst v63  }
0x1a: {  	_ = 	snop  }
0x1b: {  	[tilespmem:s15], [sflag:$0x1] =	stream.linear.gather [hbm4b:s10+s3], $0x4000, $0x38;
	[tilespmem:$0x18500] =	vst v63  }
0x1c: {  	_ =	swait.ge [sflag:s16], $0x80  }
0x1d: {  	[sflag:s16] =	ssyncset.done $0x0  }
0x1e: {  	[sflag:s16] =	ssyncadd.s32 $0xFFFFFF80  }
0x1f: {  	_ =	swait.ge [sflag:s17], $0x4000  }
0x20: {  	[sflag:s17] =	ssyncset.done $0x0  }
0x21: {  	[sflag:s17] =	ssyncadd.s32 $0xFFFFC000  }
0x22: {  	[spmem:s2] =	stream.indirect.scatter.add.f32 [tilespmem:s15], [sflag:$0x3], $0x80, s14, s18, $0xb8;
	[tilespmem:$0x18500] =	vst v63  }
0x23: {  	s24 =	simm.s32 $0x10;
	_ =	swait.ge [sflag:s13], $0x4000  }
0x24: {  	s25 =	simm.s32 $0x20;
	s23 =	sadd.s32 $0x800, s10;
	[sflag:s13] =	ssyncset.done $0x0  }
.LBB2_2:
0x25: {  	s26 =	sadd.s32 s24, s11  }
0x26: {  	[sflag:s13] =	ssyncadd.s32 $0xFFFFC000;
	s24 =	smov.u32 s25;
	s28 =	sadd.s32 $0x10, s25  }
0x27: {  	[tilespmem:s14], [sflag:$0x2] =	stream.linear.gather [hbm4b:s26+s3], $0x80, $0x38;
	[tilespmem:$0x18500] =	vst v63  }
0x28: {  	p0 =	sne.s32 s25, $0x4D0  }
0x29: {  	[tilespmem:s15], [sflag:$0x1] =	stream.linear.gather [hbm4b:s23+s3], $0x4000, $0x38;
	[tilespmem:$0x18500] =	vst v63  }
0x2a: {  	_ =	swait.ge [sflag:s16], $0x80  }
0x2b: {  	[sflag:s16] =	ssyncset.done $0x0  }
0x2c: {  	[sflag:s16] =	ssyncadd.s32 $0xFFFFFF80  }
0x2d: {  	_ =	swait.ge [sflag:s17], $0x4000  }
.Ltmp0:
0x2e: {  	[sflag:s17] =	ssyncset.done $0x0;
	(pc) =	sbr.rel @p0 .LBB2_2-.Ltmp0, $4  }
0x2f: {  	[sflag:s17] =	ssyncadd.s32 $0xFFFFC000  }
0x30: {  	[spmem:s2] =	stream.indirect.scatter.add.f32 [tilespmem:s15], [sflag:$0x3], $0x80, s14, s18, $0xb8;
	[tilespmem:$0x18500] =	vst v63  }
0x31: {  	_ =	swait.ge [sflag:s13], $0x4000  }
0x32: {  	s25 =	smov.u32 s28;
	s23 =	sadd.s32 $0x800, s23;
	[sflag:s13] =	ssyncset.done $0x0  }
0x33: {  	s24 =	sadd.s32 s24, s11;
	[sflag:s13] =	ssyncadd.s32 $0xFFFFC000  }
0x34: {  	[tilespmem:s14], [sflag:$0x2] =	stream.linear.gather [hbm4b:s24+s3], $0x80, $0x38;
	[tilespmem:$0x18500] =	vst v63  }
0x35: {  	_ = 	snop  }
0x36: {  	[tilespmem:s15], [sflag:$0x1] =	stream.linear.gather [hbm4b:s23+s3], $0x4000, $0x38;
	[tilespmem:$0x18500] =	vst v63  }
0x37: {  	_ =	swait.ge [sflag:s16], $0x80  }
0x38: {  	[sflag:s16] =	ssyncset.done $0x0  }
0x39: {  	[sflag:s16] =	ssyncadd.s32 $0xFFFFFF80  }
0x3a: {  	_ =	swait.ge [sflag:s17], $0x4000  }
0x3b: {  	[sflag:s17] =	ssyncset.done $0x0  }
0x3c: {  	[sflag:s17] =	ssyncadd.s32 $0xFFFFC000  }
0x3d: {  	[spmem:s2] =	stream.indirect.scatter.add.f32 [tilespmem:s15], [sflag:$0x3], $0x80, s14, s18, $0xb8;
	[tilespmem:$0x18500] =	vst v63  }
0x3e: {  	_ =	swait.ge [sflag:s13], $0x4000  }
0x3f: {  	[sflag:s13] =	ssyncset.done $0x0  }
0x40: {  	[sflag:s13] =	ssyncadd.s32 $0xFFFFC000  }
0x41: {  	[tilespmem:s19], [sflag:$0x2] =	stream.linear.gather [hbm4b:s6+s3], $0x10, $0x38;
	[tilespmem:$0x18500] =	vst v63  }
0x42: {  	_ = 	snop  }
0x43: {  	[tilespmem:s20], [sflag:$0x1] =	stream.linear.gather [hbm4b:s7+s3], $0x800, $0x38;
	[tilespmem:$0x18500] =	vst v63  }
0x44: {  	_ =	swait.ge [sflag:s16], $0x10  }
0x45: {  	[sflag:s16] =	ssyncset.done $0x0  }
0x46: {  	[sflag:s16] =	ssyncadd.s32 $0xFFFFFFF0  }
0x47: {  	_ =	swait.ge [sflag:s17], $0x800  }
0x48: {  	[sflag:s17] =	ssyncset.done $0x0  }
0x49: {  	[sflag:s17] =	ssyncadd.s32 $0xFFFFF800  }
0x4a: {  	[spmem:s2] =	stream.indirect.scatter.add.f32 [tilespmem:s20], [sflag:$0x3], $0x80, s19, s21, $0xb8;
	[tilespmem:$0x18500] =	vst v63  }
0x4b: {  	_ =	swait.ge [sflag:s13], $0x800  }
0x4c: {  	s22 =	sadd.s32 $0x1, s22;
	[sflag:s13] =	ssyncset.done $0x0  }
0x4d: {  	p0 =	sne.s32 s22, s9;
	[sflag:s13] =	ssyncadd.s32 $0xFFFFF800  }
.Ltmp1:
0x4e: {  	[bflag:$0x0] =	sbarrier.arrive $0xFFFF;
	(pc) =	sbr.rel @p0 .LBB2_1-.Ltmp1, $4  }
0x4f: {  	[hbm:s8], [sflag:s5] =	dma.local [spmem:s12], $0x2780  }
0x50: {  	_ =	swait.ge [sflag:s13], $0x2780  }
0x51: {  	[sflag:s13] =	ssyncset.done $0x0  }
0x52: {  	[sflag:s13] =	ssyncadd.s32 $0xFFFFD880  }
0x53: {  	_ =	sfence.sel $0x180000  }
0x54: {  	[bflag:$0x0] =	sbarrier.arrive $0xFFFF  }
0x55: {  	p0 =	sne.s32 s1, $0x0;
	_ =	strace $0x9000004D  }
0x56: {  	s0 =	sadd.s32 @!p0 $0x100000, s0;
	[bflag:$0x2] =	sbarrier.arrive $0xFFFF  }
0x57: {  	[sflag:s0] =	ssyncadd.tile.s32 @!p0 $0x1;
	_ =	shalt  }
.Lfunc_end2:
_tile_overlayer_lowered:
.L_overlay_start_2:
0x58: {  	(tag) =	ssettag $0x2  }
0x59: {  	s0 =	rddreg [dreg:$0x0];
	s2 =	stileid.u32  }
0x5a: {  	s1 =	rddreg [dreg:$0x1];
	p0 =	sne.s32 s2, $0x0  }
0x5b: {  	s3 =	rddreg [dreg:$0x2];
	[bflag:$0x3] =	sbarrier.arrive $0xFFFF;
	s2 =	simm.s32 @!p0 $0x1C03  }
0x5c: {  	[timem:s3], [sflag:s2] =	dma.local @!p0 [hbm:s0], s1  }
0x5d: {  	s0 =	simm.s32 @!p0 $0x3  }
0x5e: {  	_ =	swait.ge @!p0 [sflag:s0], s1  }
0x5f: {  	s1 =	ssub.s32 @!p0 $0x0, s1;
	[sflag:s0] =	ssyncset.done @!p0 $0x0  }
0x60: {  	[sflag:s0] =	ssyncadd.s32 @!p0 s1  }
0x61: {  	[bflag:$0x3] =	sbarrier.arrive $0xFFFF  }
0x62: {  	_ =	shalt  }

// kernel: kernel.14.cloned.1.call-start
scs
__scs_entry_jumppad:
0x0: {  	(pc) =	sbr.rel $0x88, $3  }
0x1: {  	(tag) =	ssettag $0x0;
	lr =	simm.s32 $0x1  }
0x2: {  	[smem:$0x3F8E] =	sst lr;
	_ =	strace $0xD0000000  }
0x3: {  	_ = 	snop  }
0x4: {  	_ = 	snop  }
0x5: {  	_ = 	snop  }
0x6: {  	_ = 	snop  }
0x7: {  	_ = 	snop  }
__scs_overlays_trampoline_lowered:
0x8: {  	[smem:$0x3F9D] =	sst s0  }
0x9: {  	[smem:$0x3F9E] =	sst s1  }
0xa: {  	[smem:$0x3F9F] =	sst s2  }
0xb: {  	[smem:$0x3FA0] =	sst s3  }
0xc: {  	[smem:$0x3FA1] =	sst s4  }
0xd: {  	[smem:$0x3FA2] =	sst s5  }
0xe: {  	[smem:$0x3FA3] =	sst s6  }
0xf: {  	[smem:$0x3FA4] =	sst s7  }
0x10: {  	[smem:$0x3FA5] =	sst s8  }
0x11: {  	[smem:$0x3FA6] =	sst s9;
	s0 =	simm.s32 @!p0 $0x0  }
0x12: {  	s1 =	sld [smem:$0x3F8C];
	s0 =	simm.s32 @p0 $0x1  }
0x13: {  	[smem:$0x3FA7] =	sst s0;
	s0 =	simm.s32 @!p1 $0x0  }
0x14: {  	s2 =	sld [smem:$0x3F8B];
	s0 =	simm.s32 @p1 $0x1  }
0x15: {  	[smem:$0x3FA8] =	sst s0;
	s0 =	simm.s32 @!p2 $0x0  }
0x16: {  	s3 =	sld [smem:$0x3FDB];
	s0 =	simm.s32 @p2 $0x1  }
0x17: {  	s4 =	simm.s32 $0x1BF5;
	[smem:$0x3FAA] =	sst s0  }
0x18: {  	s0 =	sld [smem:$0x3F8D];
	_ =	swait.ge [sflag:s4], $0x0  }
0x19: {  	s7 =	sld [smem:$0x3F8E]  }
0x1a: {  	s8 =	sadd.s32 $0xFFFFE003, lr  }
0x1b: {  	s9 =	sadd.s32 $0xFFFFFEF7, lr;
	s5 =	simm.s32 $0xFFFFFFFF;
	p2 =	slt.u32 s8, $0xFFFFF086  }
0x1c: {  	p1 =	slt.u32 s9, $0xF7A;
	s5 =	simm.s32 @!p2 $0x0  }
0x1d: {  	s5 =	simm.s32 @p1 $0x1;
	p0 =	seq.s32 s7, s2  }
0x1e: {  	s7 =	smul.u32 @!p0 $0xF7A, s2;
	p2 =	seq.s32 @!p0 s5, $0x0  }
0x1f: {  	s9 =	smul.u32 $0xF7A, s1;
	s8 =	simm.s32 @!p0 $0x1BF5;
	p2 =	por !p2, p0  }
0x20: {  	[sflag:s8] =	ssyncset.s32 @!p0 $0xFFFFF086;
	s6 =	sadd.s32 @!p0 s3, s7;
	s7 =	simm.s32 @!p0 $0x108  }
0x21: {  	s3 =	sadd.s32 s3, s9;
	s6 =	sadd.s32 @!p0 $0x88, s6;
	s7 =	simm.s32 @p2 $0x1082  }
0x22: {  	[simem:s7], [sflag:s8] =	dma.local @!p0 [hbm:s6], $0xF7A  }
0x23: {  	s9 =	sor.u32 $0xD0000000, s2;
	s6 =	simm.s32 $0x108;
	_ =	swait.ge @!p0 [sflag:s8], $0x0  }
0x24: {  	s3 =	sadd.s32 $0x88, s3;
	s6 =	simm.s32 @!p1 $0x1082;
	[sflag:s4] =	ssyncset.s32 $0xFFFFF086  }
0x25: {  	[simem:s6], [sflag:s4] =	dma.local [hbm:s3], $0xF7A  }
0x26: {  	[smem:$0x3F8E] =	sst s1;
	(tag) =	ssettag s2;
	_ =	strace s9  }
0x27: {  	s1 =	sld [smem:$0x3F9E]  }
0x28: {  	s2 =	sld [smem:$0x3F9F]  }
0x29: {  	s4 =	sld [smem:$0x3FA1]  }
0x2a: {  	p0 =	seq.s32 s5, $0x0;
	s5 =	sld [smem:$0x3FA2]  }
0x2b: {  	s6 =	sld [smem:$0x3FA3]  }
0x2c: {  	s7 =	sld [smem:$0x3FA4]  }
0x2d: {  	s3 =	simm.s32 $0x108;
	s8 =	sld [smem:$0x3FA5]  }
0x2e: {  	s3 =	simm.s32 @!p0 $0x1082;
	s9 =	sld [smem:$0x3FA6]  }
0x2f: {  	lr =	sadd.s32 s0, s3;
	s0 =	sld [smem:$0x3F9D]  }
0x30: {  	s3 =	sld [smem:$0x3FA0]  }
0x31: {  	[smem:$0x3FA9] =	sst s10  }
0x32: {  	s10 =	sld [smem:$0x3FA7];
	_ =	sdelay $0x3  }
0x33: {  	p0 =	seq.s32 s10, $0x1;
	s10 =	sld [smem:$0x3FA9];
	_ =	sdelay $0x3  }
0x34: {  	[smem:$0x3FA9] =	sst s10  }
0x35: {  	s10 =	sld [smem:$0x3FA8];
	_ =	sdelay $0x3  }
0x36: {  	p1 =	seq.s32 s10, $0x1;
	s10 =	sld [smem:$0x3FA9];
	_ =	sdelay $0x3  }
0x37: {  	[smem:$0x3FA9] =	sst s10  }
0x38: {  	s10 =	sld [smem:$0x3FAA]  }
0x39: {  	_ = 	snop;
	(pc) =	sbr.ind lr, $3  }
0x3a: {  	_ = 	snop  }
0x3b: {  	_ = 	snop  }
0x3c: {  	p2 =	seq.s32 s10, $0x1;
	s10 =	sld [smem:$0x3FA9]  }
0x3d: {  	_ =	shalt  }
0x3e: {  	_ =	shalt  }
0x3f: {  	_ =	shalt  }
0x40: {  	_ =	shalt  }
0x41: {  	_ =	shalt  }
0x42: {  	_ =	shalt  }
0x43: {  	_ =	shalt  }
0x44: {  	_ =	shalt  }
0x45: {  	_ =	shalt  }
0x46: {  	_ =	shalt  }
0x47: {  	_ =	shalt  }
0x48: {  	_ =	shalt  }
0x49: {  	_ =	shalt  }
0x4a: {  	_ =	shalt  }
0x4b: {  	_ =	shalt  }
0x4c: {  	_ =	shalt  }
0x4d: {  	_ =	shalt  }
0x4e: {  	_ =	shalt  }
0x4f: {  	_ =	shalt  }
0x50: {  	_ =	shalt  }
0x51: {  	_ =	shalt  }
0x52: {  	_ =	shalt  }
0x53: {  	_ =	shalt  }
0x54: {  	_ =	shalt  }
0x55: {  	_ =	shalt  }
0x56: {  	_ =	shalt  }
0x57: {  	_ =	shalt  }
0x58: {  	_ =	shalt  }
0x59: {  	_ =	shalt  }
0x5a: {  	_ =	shalt  }
0x5b: {  	_ =	shalt  }
0x5c: {  	_ =	shalt  }
0x5d: {  	_ =	shalt  }
0x5e: {  	_ =	shalt  }
0x5f: {  	_ =	shalt  }
0x60: {  	_ =	shalt  }
0x61: {  	_ =	shalt  }
0x62: {  	_ =	shalt  }
0x63: {  	_ =	shalt  }
0x64: {  	_ =	shalt  }
0x65: {  	_ =	shalt  }
0x66: {  	_ =	shalt  }
0x67: {  	_ =	shalt  }
0x68: {  	_ =	shalt  }
0x69: {  	_ =	shalt  }
0x6a: {  	_ =	shalt  }
0x6b: {  	_ =	shalt  }
0x6c: {  	_ =	shalt  }
0x6d: {  	_ =	shalt  }
0x6e: {  	_ =	shalt  }
0x6f: {  	_ =	shalt  }
0x70: {  	_ =	shalt  }
0x71: {  	_ =	shalt  }
0x72: {  	_ =	shalt  }
0x73: {  	_ =	shalt  }
0x74: {  	_ =	shalt  }
0x75: {  	_ =	shalt  }
0x76: {  	_ =	shalt  }
0x77: {  	_ =	shalt  }
0x78: {  	_ =	shalt  }
0x79: {  	_ =	shalt  }
0x7a: {  	_ =	shalt  }
0x7b: {  	_ =	shalt  }
0x7c: {  	_ =	shalt  }
0x7d: {  	_ =	shalt  }
0x7e: {  	_ =	shalt  }
0x7f: {  	_ =	shalt  }
0x80: {  	_ =	shalt  }
0x81: {  	_ =	shalt  }
0x82: {  	_ =	shalt  }
0x83: {  	_ =	shalt  }
0x84: {  	_ =	shalt  }
0x85: {  	_ =	shalt  }
0x86: {  	_ =	shalt  }
0x87: {  	_ =	shalt  }
.Lfunc_end0:
.L_simem_size_0:
called_computation.2_lowered:
.L_overlay_start_0:
0x88: {  	s2 =	sld [smem:$0x3FD9]  }
0x89: {  	s3 =	sld [smem:$0x3FFE];
	_ =	sdelay $0x1  }
0x8a: {  	s1 =	srdreg.scid  }
0x8b: {  	s0 =	sand.u32 $0x1, s1  }
0x8c: {  	s16 =	sshll.u32 s0, $0xA;
	s2 =	sadd.s32 s3, s2  }
0x8d: {  	s2 =	sadd.s32 s2, s16  }
0x8e: {  	[smem:$0x3FB5] =	sst s2  }
0x8f: {  	_ = 	snop  }
0x90: {  	(tm) =	ssettm $0x1  }
0x91: {  	s17 =	sld [smem:$0x3FFB];
	_ =	sdelay $0x3  }
0x92: {  	_ =	strace s17  }
0x93: {  	s2 =	sld [smem:$0x3FFC];
	_ =	sdelay $0x3  }
0x94: {  	_ =	strace s2  }
0x95: {  	s2 =	sld [smem:$0x3FFD];
	_ =	sdelay $0x3  }
0x96: {  	_ =	strace s2  }
0x97: {  	_ =	strace $0x8FFFFFFF  }
0x98: {  	s18 =	sld [smem:$0x3FDB];
	_ =	sdelay $0x1  }
0x99: {  	s19 =	simm.s32 $_scs_section_size  }
0x9a: {  	s4 =	simm.s32 $_size__tile_overlayer_lowered;
	s5 =	simm.s32 $_tile_overlayer_lowered  }
0x9b: {  	s22 =	simm.s32 $0x1BFF;
	s21 =	sshll.u32 s5, $0x1;
	s2 =	sadd.s32 s19, s18  }
0x9c: {  	s6 =	simm.s32 $0x0;
	s20 =	sshll.u32 s4, $0x1;
	s4 =	sadd.s32 s21, s2  }
0x9d: {  	[timem:s6], [sflag:s22] =	dma.local [hbm:s4], s20  }
0x9e: {  	_ =	swait.ge [sflag:s22], s20  }
0x9f: {  	s3 =	ssub.s32 $0x0, s20;
	[sflag:s22] =	ssyncset.done $0x0  }
0xa0: {  	[sflag:s22] =	ssyncadd.s32 s3;
	_ =	sdelay $0x1  }
0xa1: {  	s23 =	simm.s32 $0x1B8B  }
0xa2: {  	_ =	swait.ge [sflag:s23], $0x1  }
0xa3: {  	[sflag:s23] =	ssyncset.done $0x0  }
0xa4: {  	s25 =	simm.s32 $0x1B8E;
	s24 =	sld [smem:$0x3FFE];
	[sflag:s23] =	ssyncadd.s32 $0xFFFFFFFF  }
0xa5: {  	s26 =	simm.s32 $execute0_lowered;
	[smem:$0x3FD2] =	sst s25  }
0xa6: {  	s4 =	sshll.u32 s26, $0x1;
	_ =	strace $0x80000049;
	[dreg:$0x1] =	wrdreg $0xFFFFFFFF  }
0xa7: {  	s28 =	simm.s32 $_size_execute0_lowered;
	s2 =	sadd.s32 s2, s4;
	[dreg:$0x0] =	wrdreg $0x0  }
0xa8: {  	s4 =	sshll.u32 s28, $0x1;
	[dreg:$0x2] =	wrdreg s2  }
0xa9: {  	[dreg:$0x3] =	wrdreg s4  }
0xaa: {  	[dreg:$0x4] =	wrdreg $0xC0  }
0xab: {  	_ =	task [dreg:s6], $0x5FFFF  }
0xac: {  	[dreg:$0x1] =	wrdreg $0xFFFFFFFF  }
0xad: {  	[dreg:$0x0] =	wrdreg $0x60  }
0xae: {  	[dreg:$0x2] =	wrdreg s24  }
0xaf: {  	[dreg:$0x3] =	wrdreg $0x0  }
0xb0: {  	[dreg:$0x4] =	wrdreg $0xA  }
0xb1: {  	_ =	task.clear_ibuf [dreg:s6], $0x5FFFF;
	_ =	strace $0x90000049  }
0xb2: {  	s29 =	simm.s32 $0xA;
	_ =	strace $0x8000004B  }
0xb3: {  	_ =	swait.ge [sflag:s29], $0x1  }
0xb4: {  	[sflag:s29] =	ssyncadd.s32 $0xFFFFFFFF  }
0xb5: {  	_ =	strace $0x9000004B  }
0xb6: {  	_ =	sfence  }
0xb7: {  	s30 =	sld [smem:$0x0];
	_ =	sdelay $0x2  }
0xb8: {  	s31 =	sshll.u32 s1, $0xD;
	s1 =	sshrl.u32 s1, $0x2  }
0xb9: {  	s3 =	sand.u32 $0x4000, s31;
	s1 =	sadd.s32 s1, s30  }
0xba: {  	s0 =	sor.u32 s3, s0;
	s1 =	sshll.u32 s1, $0x11  }
0xbb: {  	s0 =	sor.u32 s1, s0  }
0xbc: {  	s0 =	sadd.s32 $0x8F2B, s0  }
0xbd: {  	[sflag:s0] =	ssyncadd.remote.s32 $0x1  }
0xbe: {  	_ =	sfence.sel $0xFFFF  }
0xbf: {  	[dreg:$0x0] =	wrdreg $0xFFFFFFFF;
	(pc) =	sbr.abs _section_cstart, $3  }
0xc0: {  	[dreg:$0x1] =	wrdreg $0xFFFFFFFF  }
0xc1: {  	_ =	task.clear_ibuf [dreg:s6], $0x2FFFF;
	_ =	strace $0x9FFFFFFF  }
0xc2: {  	(tm) =	ssettm $0x7FFFFFFF  }
0xc3: {  	_ =	shalt  }
tec
execute0_lowered:
.L_overlay_start_1:
0x0: {  	(tag) =	ssettag $0x1  }
0x1: {  	s4 =	rddreg [dreg:$0x0]  }
0x2: {  	s2 =	rddreg [dreg:$0x1]  }
0x3: {  	s0 =	rddreg [dreg:$0x2];
	s1 =	stileid.u32  }
0x4: {  	s5 =	srdreg.scid;
	s3 =	simm.s32 $0x0;
	s6 =	smul.u32 $0x2780, s1  }
0x5: {  	s17 =	simm.s32 $0x1;
	s18 =	simm.s32 $0x80;
	s8 =	smul.u32 $0x4F000, s1  }
0x6: {  	s19 =	simm.s32 $0x18480;
	s20 =	simm.s32 $0x17C80;
	s13 =	smul.u32 $0x2710, s1  }
0x7: {  	s21 =	simm.s32 $0x10;
	s7 =	sand.u32 $0x1, s5;
	s31 =	smul.u32 $0x27100, s1  }
0x8: {  	[smem:$0x7FF] =	sst s3;
	s9 =	sadd.s32 $0x13C9000, s4;
	s5 =	smul.u32 $0x27800, s7  }
0x9: {  	s11 =	sadd.s32 $0x10000, s4;
	s25 =	sshll.u32 s1, $0x6;
	s12 =	smul.u32 $0x27100, s7  }
0xa: {  	_ =	strace $0x8000004A;
	s22 =	ssub.s32 $0x2, s7;
	s29 =	smul.u32 $0x271000, s7  }
0xb: {  	s10 =	sadd.s32 s6, s4;
	s23 =	sshrl.u32 s22, $0x1;
	s24 =	sshrl.u32 s8, $0x2  }
0xc: {  	s5 =	sadd.s32 s6, s5;
	s15 =	ssub.s32 s22, s23;
	s16 =	sadd.s32 s24, s2  }
0xd: {  	s12 =	sadd.s32 s13, s12;
	s13 =	simm.s32 $0x3;
	s22 =	simm.s32 $0x0  }
0xe: {  	s14 =	sadd.s32 s5, s4;
	s4 =	sadd.s32 $0x19E00, s10;
	s26 =	sadd.s32 $0x2700, s12  }
0xf: {  	s5 =	sor.u32 $0x1C03, s25;
	s10 =	sadd.s32 s29, s9;
	s12 =	sshrl.u32 s12, $0x3  }
0x10: {  	s28 =	sshrl.u32 s26, $0x3;
	s30 =	sshll.u32 s26, $0x4;
	s8 =	sadd.s32 $0x41600, s14  }
0x11: {  	s10 =	sadd.s32 s31, s10;
	s14 =	simm.s32 $0x17C00;
	s6 =	sadd.s32 s11, s28  }
0x12: {  	s7 =	sadd.s32 s9, s30;
	s9 =	smax.u32 s15, $0x1;
	s11 =	sadd.s32 s12, s11  }
0x13: {  	s12 =	sshrl.u32 s16, $0x3;
	s15 =	simm.s32 $0x13C00;
	s16 =	simm.s32 $0x2  }
.LBB2_1:
0x14: {  	[spmem:s12], [sflag:s5] =	dma.local [hbm:s4], $0x2780  }
0x15: {  	_ =	swait.ge [sflag:s13], $0x2780  }
0x16: {  	[sflag:s13] =	ssyncset.done $0x0  }
0x17: {  	[sflag:s13] =	ssyncadd.s32 $0xFFFFD880  }
0x18: {  	s23 =	sadd.s32 $0x0, s11;
	[bflag:$0x0] =	sbarrier.arrive $0xFFFF  }
0x19: {  	[tilespmem:s14], [sflag:$0x2] =	stream.linear.gather [hbm4b:s23+s3], $0x80, $0x38;
	[tilespmem:$0x18500] =	vst v63  }
0x1a: {  	_ = 	snop  }
0x1b: {  	[tilespmem:s15], [sflag:$0x1] =	stream.linear.gather [hbm4b:s10+s3], $0x4000, $0x38;
	[tilespmem:$0x18500] =	vst v63  }
0x1c: {  	_ =	swait.ge [sflag:s16], $0x80  }
0x1d: {  	[sflag:s16] =	ssyncset.done $0x0  }
0x1e: {  	[sflag:s16] =	ssyncadd.s32 $0xFFFFFF80  }
0x1f: {  	_ =	swait.ge [sflag:s17], $0x4000  }
0x20: {  	[sflag:s17] =	ssyncset.done $0x0  }
0x21: {  	[sflag:s17] =	ssyncadd.s32 $0xFFFFC000  }
0x22: {  	[spmem:s2] =	stream.indirect.scatter.add.f32 [tilespmem:s15], [sflag:$0x3], $0x80, s14, s18, $0xb8;
	[tilespmem:$0x18500] =	vst v63  }
0x23: {  	s24 =	simm.s32 $0x10;
	_ =	swait.ge [sflag:s13], $0x4000  }
0x24: {  	s25 =	simm.s32 $0x20;
	s23 =	sadd.s32 $0x800, s10;
	[sflag:s13] =	ssyncset.done $0x0  }
.LBB2_2:
0x25: {  	s26 =	sadd.s32 s24, s11  }
0x26: {  	[sflag:s13] =	ssyncadd.s32 $0xFFFFC000;
	s24 =	smov.u32 s25;
	s28 =	sadd.s32 $0x10, s25  }
0x27: {  	[tilespmem:s14], [sflag:$0x2] =	stream.linear.gather [hbm4b:s26+s3], $0x80, $0x38;
	[tilespmem:$0x18500] =	vst v63  }
0x28: {  	p0 =	sne.s32 s25, $0x4D0  }
0x29: {  	[tilespmem:s15], [sflag:$0x1] =	stream.linear.gather [hbm4b:s23+s3], $0x4000, $0x38;
	[tilespmem:$0x18500] =	vst v63  }
0x2a: {  	_ =	swait.ge [sflag:s16], $0x80  }
0x2b: {  	[sflag:s16] =	ssyncset.done $0x0  }
0x2c: {  	[sflag:s16] =	ssyncadd.s32 $0xFFFFFF80  }
0x2d: {  	_ =	swait.ge [sflag:s17], $0x4000  }
.Ltmp0:
0x2e: {  	[sflag:s17] =	ssyncset.done $0x0;
	(pc) =	sbr.rel @p0 .LBB2_2-.Ltmp0, $4  }
0x2f: {  	[sflag:s17] =	ssyncadd.s32 $0xFFFFC000  }
0x30: {  	[spmem:s2] =	stream.indirect.scatter.add.f32 [tilespmem:s15], [sflag:$0x3], $0x80, s14, s18, $0xb8;
	[tilespmem:$0x18500] =	vst v63  }
0x31: {  	_ =	swait.ge [sflag:s13], $0x4000  }
0x32: {  	s25 =	smov.u32 s28;
	s23 =	sadd.s32 $0x800, s23;
	[sflag:s13] =	ssyncset.done $0x0  }
0x33: {  	s24 =	sadd.s32 s24, s11;
	[sflag:s13] =	ssyncadd.s32 $0xFFFFC000  }
0x34: {  	[tilespmem:s14], [sflag:$0x2] =	stream.linear.gather [hbm4b:s24+s3], $0x80, $0x38;
	[tilespmem:$0x18500] =	vst v63  }
0x35: {  	_ = 	snop  }
0x36: {  	[tilespmem:s15], [sflag:$0x1] =	stream.linear.gather [hbm4b:s23+s3], $0x4000, $0x38;
	[tilespmem:$0x18500] =	vst v63  }
0x37: {  	_ =	swait.ge [sflag:s16], $0x80  }
0x38: {  	[sflag:s16] =	ssyncset.done $0x0  }
0x39: {  	[sflag:s16] =	ssyncadd.s32 $0xFFFFFF80  }
0x3a: {  	_ =	swait.ge [sflag:s17], $0x4000  }
0x3b: {  	[sflag:s17] =	ssyncset.done $0x0  }
0x3c: {  	[sflag:s17] =	ssyncadd.s32 $0xFFFFC000  }
0x3d: {  	[spmem:s2] =	stream.indirect.scatter.add.f32 [tilespmem:s15], [sflag:$0x3], $0x80, s14, s18, $0xb8;
	[tilespmem:$0x18500] =	vst v63  }
0x3e: {  	_ =	swait.ge [sflag:s13], $0x4000  }
0x3f: {  	[sflag:s13] =	ssyncset.done $0x0  }
0x40: {  	[sflag:s13] =	ssyncadd.s32 $0xFFFFC000  }
0x41: {  	[tilespmem:s19], [sflag:$0x2] =	stream.linear.gather [hbm4b:s6+s3], $0x10, $0x38;
	[tilespmem:$0x18500] =	vst v63  }
0x42: {  	_ = 	snop  }
0x43: {  	[tilespmem:s20], [sflag:$0x1] =	stream.linear.gather [hbm4b:s7+s3], $0x800, $0x38;
	[tilespmem:$0x18500] =	vst v63  }
0x44: {  	_ =	swait.ge [sflag:s16], $0x10  }
0x45: {  	[sflag:s16] =	ssyncset.done $0x0  }
0x46: {  	[sflag:s16] =	ssyncadd.s32 $0xFFFFFFF0  }
0x47: {  	_ =	swait.ge [sflag:s17], $0x800  }
0x48: {  	[sflag:s17] =	ssyncset.done $0x0  }
0x49: {  	[sflag:s17] =	ssyncadd.s32 $0xFFFFF800  }
0x4a: {  	[spmem:s2] =	stream.indirect.scatter.add.f32 [tilespmem:s20], [sflag:$0x3], $0x80, s19, s21, $0xb8;
	[tilespmem:$0x18500] =	vst v63  }
0x4b: {  	_ =	swait.ge [sflag:s13], $0x800  }
0x4c: {  	s22 =	sadd.s32 $0x1, s22;
	[sflag:s13] =	ssyncset.done $0x0  }
0x4d: {  	p0 =	sne.s32 s22, s9;
	[sflag:s13] =	ssyncadd.s32 $0xFFFFF800  }
.Ltmp1:
0x4e: {  	[bflag:$0x0] =	sbarrier.arrive $0xFFFF;
	(pc) =	sbr.rel @p0 .LBB2_1-.Ltmp1, $4  }
0x4f: {  	[hbm:s8], [sflag:s5] =	dma.local [spmem:s12], $0x2780  }
0x50: {  	_ =	swait.ge [sflag:s13], $0x2780  }
0x51: {  	[sflag:s13] =	ssyncset.done $0x0  }
0x52: {  	[sflag:s13] =	ssyncadd.s32 $0xFFFFD880  }
0x53: {  	_ =	sfence.sel $0x180000  }
0x54: {  	[bflag:$0x0] =	sbarrier.arrive $0xFFFF  }
0x55: {  	p0 =	sne.s32 s1, $0x0;
	_ =	strace $0x9000004A  }
0x56: {  	s0 =	sadd.s32 @!p0 $0x100000, s0;
	[bflag:$0x2] =	sbarrier.arrive $0xFFFF  }
0x57: {  	[sflag:s0] =	ssyncadd.tile.s32 @!p0 $0x1;
	_ =	shalt  }
.Lfunc_end2:
_tile_overlayer_lowered:
.L_overlay_start_2:
0x58: {  	(tag) =	ssettag $0x2  }
0x59: {  	s0 =	rddreg [dreg:$0x0];
	s2 =	stileid.u32  }
0x5a: {  	s1 =	rddreg [dreg:$0x1];
	p0 =	sne.s32 s2, $0x0  }
0x5b: {  	s3 =	rddreg [dreg:$0x2];
	[bflag:$0x3] =	sbarrier.arrive $0xFFFF;
	s2 =	simm.s32 @!p0 $0x1C03  }
0x5c: {  	[timem:s3], [sflag:s2] =	dma.local @!p0 [hbm:s0], s1  }
0x5d: {  	s0 =	simm.s32 @!p0 $0x3  }
0x5e: {  	_ =	swait.ge @!p0 [sflag:s0], s1  }
0x5f: {  	s1 =	ssub.s32 @!p0 $0x0, s1;
	[sflag:s0] =	ssyncset.done @!p0 $0x0  }
0x60: {  	[sflag:s0] =	ssyncadd.s32 @!p0 s1  }
0x61: {  	[bflag:$0x3] =	sbarrier.arrive $0xFFFF  }
0x62: {  	_ =	shalt  }

// kernel: kernel.8.cloned.1.call-start
scs
__scs_entry_jumppad:
0x0: {  	(pc) =	sbr.rel $0x88, $3  }
0x1: {  	(tag) =	ssettag $0x0;
	lr =	simm.s32 $0x1  }
0x2: {  	[smem:$0x3F8E] =	sst lr;
	_ =	strace $0xD0000000  }
0x3: {  	_ = 	snop  }
0x4: {  	_ = 	snop  }
0x5: {  	_ = 	snop  }
0x6: {  	_ = 	snop  }
0x7: {  	_ = 	snop  }
__scs_overlays_trampoline_lowered:
0x8: {  	[smem:$0x3F9D] =	sst s0  }
0x9: {  	[smem:$0x3F9E] =	sst s1  }
0xa: {  	[smem:$0x3F9F] =	sst s2  }
0xb: {  	[smem:$0x3FA0] =	sst s3  }
0xc: {  	[smem:$0x3FA1] =	sst s4  }
0xd: {  	[smem:$0x3FA2] =	sst s5  }
0xe: {  	[smem:$0x3FA3] =	sst s6  }
0xf: {  	[smem:$0x3FA4] =	sst s7  }
0x10: {  	[smem:$0x3FA5] =	sst s8  }
0x11: {  	[smem:$0x3FA6] =	sst s9;
	s0 =	simm.s32 @!p0 $0x0  }
0x12: {  	s1 =	sld [smem:$0x3F8C];
	s0 =	simm.s32 @p0 $0x1  }
0x13: {  	[smem:$0x3FA7] =	sst s0;
	s0 =	simm.s32 @!p1 $0x0  }
0x14: {  	s2 =	sld [smem:$0x3F8B];
	s0 =	simm.s32 @p1 $0x1  }
0x15: {  	[smem:$0x3FA8] =	sst s0;
	s0 =	simm.s32 @!p2 $0x0  }
0x16: {  	s3 =	sld [smem:$0x3FDB];
	s0 =	simm.s32 @p2 $0x1  }
0x17: {  	s4 =	simm.s32 $0x1BF5;
	[smem:$0x3FAA] =	sst s0  }
0x18: {  	s0 =	sld [smem:$0x3F8D];
	_ =	swait.ge [sflag:s4], $0x0  }
0x19: {  	s7 =	sld [smem:$0x3F8E]  }
0x1a: {  	s8 =	sadd.s32 $0xFFFFE003, lr  }
0x1b: {  	s9 =	sadd.s32 $0xFFFFFEF7, lr;
	s5 =	simm.s32 $0xFFFFFFFF;
	p2 =	slt.u32 s8, $0xFFFFF086  }
0x1c: {  	p1 =	slt.u32 s9, $0xF7A;
	s5 =	simm.s32 @!p2 $0x0  }
0x1d: {  	s5 =	simm.s32 @p1 $0x1;
	p0 =	seq.s32 s7, s2  }
0x1e: {  	s7 =	smul.u32 @!p0 $0xF7A, s2;
	p2 =	seq.s32 @!p0 s5, $0x0  }
0x1f: {  	s9 =	smul.u32 $0xF7A, s1;
	s8 =	simm.s32 @!p0 $0x1BF5;
	p2 =	por !p2, p0  }
0x20: {  	[sflag:s8] =	ssyncset.s32 @!p0 $0xFFFFF086;
	s6 =	sadd.s32 @!p0 s3, s7;
	s7 =	simm.s32 @!p0 $0x108  }
0x21: {  	s3 =	sadd.s32 s3, s9;
	s6 =	sadd.s32 @!p0 $0x88, s6;
	s7 =	simm.s32 @p2 $0x1082  }
0x22: {  	[simem:s7], [sflag:s8] =	dma.local @!p0 [hbm:s6], $0xF7A  }
0x23: {  	s9 =	sor.u32 $0xD0000000, s2;
	s6 =	simm.s32 $0x108;
	_ =	swait.ge @!p0 [sflag:s8], $0x0  }
0x24: {  	s3 =	sadd.s32 $0x88, s3;
	s6 =	simm.s32 @!p1 $0x1082;
	[sflag:s4] =	ssyncset.s32 $0xFFFFF086  }
0x25: {  	[simem:s6], [sflag:s4] =	dma.local [hbm:s3], $0xF7A  }
0x26: {  	[smem:$0x3F8E] =	sst s1;
	(tag) =	ssettag s2;
	_ =	strace s9  }
0x27: {  	s1 =	sld [smem:$0x3F9E]  }
0x28: {  	s2 =	sld [smem:$0x3F9F]  }
0x29: {  	s4 =	sld [smem:$0x3FA1]  }
0x2a: {  	p0 =	seq.s32 s5, $0x0;
	s5 =	sld [smem:$0x3FA2]  }
0x2b: {  	s6 =	sld [smem:$0x3FA3]  }
0x2c: {  	s7 =	sld [smem:$0x3FA4]  }
0x2d: {  	s3 =	simm.s32 $0x108;
	s8 =	sld [smem:$0x3FA5]  }
0x2e: {  	s3 =	simm.s32 @!p0 $0x1082;
	s9 =	sld [smem:$0x3FA6]  }
0x2f: {  	lr =	sadd.s32 s0, s3;
	s0 =	sld [smem:$0x3F9D]  }
0x30: {  	s3 =	sld [smem:$0x3FA0]  }
0x31: {  	[smem:$0x3FA9] =	sst s10  }
0x32: {  	s10 =	sld [smem:$0x3FA7];
	_ =	sdelay $0x3  }
0x33: {  	p0 =	seq.s32 s10, $0x1;
	s10 =	sld [smem:$0x3FA9];
	_ =	sdelay $0x3  }
0x34: {  	[smem:$0x3FA9] =	sst s10  }
0x35: {  	s10 =	sld [smem:$0x3FA8];
	_ =	sdelay $0x3  }
0x36: {  	p1 =	seq.s32 s10, $0x1;
	s10 =	sld [smem:$0x3FA9];
	_ =	sdelay $0x3  }
0x37: {  	[smem:$0x3FA9] =	sst s10  }
0x38: {  	s10 =	sld [smem:$0x3FAA]  }
0x39: {  	_ = 	snop;
	(pc) =	sbr.ind lr, $3  }
0x3a: {  	_ = 	snop  }
0x3b: {  	_ = 	snop  }
0x3c: {  	p2 =	seq.s32 s10, $0x1;
	s10 =	sld [smem:$0x3FA9]  }
0x3d: {  	_ =	shalt  }
0x3e: {  	_ =	shalt  }
0x3f: {  	_ =	shalt  }
0x40: {  	_ =	shalt  }
0x41: {  	_ =	shalt  }
0x42: {  	_ =	shalt  }
0x43: {  	_ =	shalt  }
0x44: {  	_ =	shalt  }
0x45: {  	_ =	shalt  }
0x46: {  	_ =	shalt  }
0x47: {  	_ =	shalt  }
0x48: {  	_ =	shalt  }
0x49: {  	_ =	shalt  }
0x4a: {  	_ =	shalt  }
0x4b: {  	_ =	shalt  }
0x4c: {  	_ =	shalt  }
0x4d: {  	_ =	shalt  }
0x4e: {  	_ =	shalt  }
0x4f: {  	_ =	shalt  }
0x50: {  	_ =	shalt  }
0x51: {  	_ =	shalt  }
0x52: {  	_ =	shalt  }
0x53: {  	_ =	shalt  }
0x54: {  	_ =	shalt  }
0x55: {  	_ =	shalt  }
0x56: {  	_ =	shalt  }
0x57: {  	_ =	shalt  }
0x58: {  	_ =	shalt  }
0x59: {  	_ =	shalt  }
0x5a: {  	_ =	shalt  }
0x5b: {  	_ =	shalt  }
0x5c: {  	_ =	shalt  }
0x5d: {  	_ =	shalt  }
0x5e: {  	_ =	shalt  }
0x5f: {  	_ =	shalt  }
0x60: {  	_ =	shalt  }
0x61: {  	_ =	shalt  }
0x62: {  	_ =	shalt  }
0x63: {  	_ =	shalt  }
0x64: {  	_ =	shalt  }
0x65: {  	_ =	shalt  }
0x66: {  	_ =	shalt  }
0x67: {  	_ =	shalt  }
0x68: {  	_ =	shalt  }
0x69: {  	_ =	shalt  }
0x6a: {  	_ =	shalt  }
0x6b: {  	_ =	shalt  }
0x6c: {  	_ =	shalt  }
0x6d: {  	_ =	shalt  }
0x6e: {  	_ =	shalt  }
0x6f: {  	_ =	shalt  }
0x70: {  	_ =	shalt  }
0x71: {  	_ =	shalt  }
0x72: {  	_ =	shalt  }
0x73: {  	_ =	shalt  }
0x74: {  	_ =	shalt  }
0x75: {  	_ =	shalt  }
0x76: {  	_ =	shalt  }
0x77: {  	_ =	shalt  }
0x78: {  	_ =	shalt  }
0x79: {  	_ =	shalt  }
0x7a: {  	_ =	shalt  }
0x7b: {  	_ =	shalt  }
0x7c: {  	_ =	shalt  }
0x7d: {  	_ =	shalt  }
0x7e: {  	_ =	shalt  }
0x7f: {  	_ =	shalt  }
0x80: {  	_ =	shalt  }
0x81: {  	_ =	shalt  }
0x82: {  	_ =	shalt  }
0x83: {  	_ =	shalt  }
0x84: {  	_ =	shalt  }
0x85: {  	_ =	shalt  }
0x86: {  	_ =	shalt  }
0x87: {  	_ =	shalt  }
.Lfunc_end0:
.L_simem_size_0:
called_computation_lowered:
.L_overlay_start_0:
0x88: {  	s2 =	sld [smem:$0x3FD9]  }
0x89: {  	s3 =	sld [smem:$0x3FFE];
	_ =	sdelay $0x1  }
0x8a: {  	s1 =	srdreg.scid  }
0x8b: {  	s0 =	sand.u32 $0x1, s1  }
0x8c: {  	s14 =	sshll.u32 s0, $0xA;
	s2 =	sadd.s32 s3, s2  }
0x8d: {  	s2 =	sadd.s32 s2, s14  }
0x8e: {  	[smem:$0x3FB5] =	sst s2  }
0x8f: {  	_ = 	snop  }
0x90: {  	s2 =	sld [smem:$0x3FD0];
	_ =	sdelay $0x2  }
0x91: {  	s15 =	simm.s32 $0xB;
	s4 =	simm.s32 $0x10  }
0x92: {  	[smem:s4], [sflag:s15] =	dma.local [hbm:s2], $0x1  }
0x93: {  	_ =	swait.eq [sflag:s15], $0x1  }
0x94: {  	[sflag:s15] =	ssyncset.done $0x0  }
0x95: {  	s16 =	sld [smem:$0x10];
	[sflag:s15] =	ssyncadd.s32 $0xFFFFFFFF  }
0x96: {  	s17 =	sld [smem:$0x12];
	(tm) =	ssettm $0x1  }
0x97: {  	s18 =	sld [smem:$0x3FFB];
	_ =	sdelay $0x3  }
0x98: {  	_ =	strace s18  }
0x99: {  	s4 =	sld [smem:$0x3FFC];
	_ =	sdelay $0x3  }
0x9a: {  	_ =	strace s4  }
0x9b: {  	s4 =	sld [smem:$0x3FFD];
	_ =	sdelay $0x3  }
0x9c: {  	_ =	strace s4  }
0x9d: {  	_ =	strace $0x8FFFFFFF  }
0x9e: {  	s19 =	sld [smem:$0x3FDB];
	_ =	sdelay $0x1  }
0x9f: {  	s5 =	simm.s32 $_scs_section_size  }
0xa0: {  	s6 =	simm.s32 $_size__tile_overlayer_lowered;
	s7 =	simm.s32 $_tile_overlayer_lowered  }
0xa1: {  	s22 =	simm.s32 $0x1BFF;
	s21 =	sshll.u32 s7, $0x1;
	s4 =	sadd.s32 s5, s19  }
0xa2: {  	s8 =	simm.s32 $0x0;
	s20 =	sshll.u32 s6, $0x1;
	s6 =	sadd.s32 s21, s4  }
0xa3: {  	[timem:s8], [sflag:s22] =	dma.local [hbm:s6], s20  }
0xa4: {  	_ =	swait.ge [sflag:s22], s20  }
0xa5: {  	s5 =	ssub.s32 $0x0, s20;
	[sflag:s22] =	ssyncset.done $0x0  }
0xa6: {  	[sflag:s22] =	ssyncadd.s32 s5;
	_ =	sdelay $0x1  }
0xa7: {  	s23 =	simm.s32 $0x1B8B  }
0xa8: {  	_ =	swait.ge [sflag:s23], $0x1  }
0xa9: {  	[sflag:s23] =	ssyncset.done $0x0  }
0xaa: {  	s25 =	simm.s32 $0x1B8E;
	s24 =	sld [smem:$0x3FFE];
	[sflag:s23] =	ssyncadd.s32 $0xFFFFFFFF  }
0xab: {  	s26 =	simm.s32 $execute0_lowered;
	[smem:$0x3FD2] =	sst s25  }
0xac: {  	s6 =	sshll.u32 s26, $0x1;
	_ =	strace $0x80000046;
	[dreg:$0x1] =	wrdreg $0xFFFFFFFF  }
0xad: {  	s28 =	simm.s32 $_size_execute0_lowered;
	s4 =	sadd.s32 s4, s6;
	[dreg:$0x0] =	wrdreg $0x0  }
0xae: {  	s6 =	sshll.u32 s28, $0x1;
	[dreg:$0x2] =	wrdreg s4  }
0xaf: {  	[dreg:$0x3] =	wrdreg s6  }
0xb0: {  	[dreg:$0x4] =	wrdreg $0xC0  }
0xb1: {  	_ =	task [dreg:s8], $0x5FFFF  }
0xb2: {  	[dreg:$0x1] =	wrdreg $0xFFFFFFFF  }
0xb3: {  	[dreg:$0x0] =	wrdreg $0x60  }
0xb4: {  	[dreg:$0x2] =	wrdreg s16  }
0xb5: {  	[dreg:$0x3] =	wrdreg s24  }
0xb6: {  	[dreg:$0x4] =	wrdreg s17  }
0xb7: {  	[dreg:$0x5] =	wrdreg $0x9  }
0xb8: {  	_ =	task.clear_ibuf [dreg:s8], $0x6FFFF;
	_ =	strace $0x90000046  }
0xb9: {  	s29 =	simm.s32 $0x9;
	_ =	strace $0x80000048  }
0xba: {  	_ =	swait.ge [sflag:s29], $0x1  }
0xbb: {  	[sflag:s29] =	ssyncadd.s32 $0xFFFFFFFF  }
0xbc: {  	_ =	strace $0x90000048  }
0xbd: {  	_ =	sfence  }
0xbe: {  	s30 =	sld [smem:$0x0];
	_ =	sdelay $0x2  }
0xbf: {  	s31 =	sshll.u32 s1, $0xD;
	s1 =	sshrl.u32 s1, $0x2  }
0xc0: {  	s3 =	sand.u32 $0x4000, s31;
	s1 =	sadd.s32 s1, s30  }
0xc1: {  	s0 =	sor.u32 s3, s0;
	s1 =	sshll.u32 s1, $0x11  }
0xc2: {  	s0 =	sor.u32 s1, s0  }
0xc3: {  	s0 =	sadd.s32 $0x8F2B, s0  }
0xc4: {  	[sflag:s0] =	ssyncadd.remote.s32 $0x1  }
0xc5: {  	_ =	sfence.sel $0xFFFF  }
0xc6: {  	[dreg:$0x0] =	wrdreg $0xFFFFFFFF;
	(pc) =	sbr.abs _section_cstart, $3  }
0xc7: {  	[dreg:$0x1] =	wrdreg $0xFFFFFFFF  }
0xc8: {  	_ =	task.clear_ibuf [dreg:s8], $0x2FFFF;
	_ =	strace $0x9FFFFFFF  }
0xc9: {  	(tm) =	ssettm $0x7FFFFFFF  }
tec
execute0_lowered:
.L_overlay_start_1:
0x0: {  	(tag) =	ssettag $0x1  }
0x1: {  	s1 =	rddreg [dreg:$0x0]  }
0x2: {  	s0 =	rddreg [dreg:$0x1];
	s4 =	simm.s32 $0x0  }
0x3: {  	s2 =	srdreg.scid;
	s13 =	stileid.u32;
	s17 =	simm.s32 $0x5  }
0x4: {  	s18 =	simm.s32 $0x7580;
	s19 =	simm.s32 $0x7600;
	s20 =	simm.s32 $0x80  }
0x5: {  	s28 =	simm.s32 $0x4;
	s29 =	simm.s32 $0x13680;
	s30 =	simm.s32 $0x13700  }
0x6: {  	s31 =	simm.s32 $0x10;
	[smem:$0x7FF] =	sst s4;
	s2 =	sand.u32 $0x1, s2  }
0x7: {  	s3 =	sshll.u32 s13, $0x1;
	s5 =	sadd.s32 $0x19E00, s0;
	s14 =	smul.u32 $0x4E200, s13  }
0x8: {  	s6 =	sadd.s32 $0x10000, s0;
	s7 =	sadd.s32 $0x6200, s0;
	s13 =	smul.u32 $0x4E20, s13  }
0x9: {  	s8 =	sadd.s32 $0x41000, s0;
	s9 =	sadd.s32 $0x523000, s0;
	s15 =	smul.u32 $0x27100, s2  }
0xa: {  	v0 =	vlaneseq.u32;
	s3 =	sor.u32 s2, s3;
	s10 =	ssub.s32 $0x2, s2;
	s2 =	smul.u32 $0x2710, s2  }
0xb: {  	s0 =	sadd.s32 $0xA05000, s0;
	v0 =	vmul.u32 $0x80, v0;
	_ =	strace $0x80000047;
	s3 =	smul.u32 $0x2710, s3  }
0xc: {  	s11 =	sshrl.u32 s10, $0x1;
	s25 =	sadd.s32 s14, s8;
	s26 =	sadd.s32 s14, s9  }
0xd: {  	v1 =	vor.u32 $0x1, v0;
	s11 =	ssub.s32 s10, s11;
	s2 =	sadd.s32 s2, s13;
	s13 =	sadd.s32 s15, s26  }
0xe: {  	v2 =	vor.u32 $0x2, v0;
	v3 =	vor.u32 $0x3, v0;
	v4 =	vor.u32 $0x800, v0;
	s26 =	simm.s32 $0x3;
	s3 =	sadd.s32 $0x2700, s3;
	s11 =	smax.u32 s11, $0x1  }
0xf: {  	v5 =	vor.u32 $0x801, v0;
	v6 =	vor.u32 $0x802, v0;
	v7 =	vor.u32 $0x803, v0;
	s2 =	sshrl.u32 s2, $0x3;
	s12 =	sshrl.u32 s3, $0x3;
	s3 =	sshll.u32 s3, $0x4  }
0x10: {  	v8 =	vor.u32 $0x1000, v0;
	v9 =	vor.u32 $0x1001, v0;
	v10 =	vor.u32 $0x1002, v0;
	s21 =	sadd.s32 s6, s12;
	s22 =	sadd.s32 s7, s12;
	s23 =	sadd.s32 s8, s3  }
0x11: {  	v11 =	vor.u32 $0x1003, v0;
	v12 =	vor.u32 $0x1800, v0;
	v13 =	vor.u32 $0x1801, v0;
	s24 =	sadd.s32 s9, s3;
	s3 =	sadd.s32 s0, s3;
	[dreg:$0x4] =	wrdreg s21  }
0x12: {  	v14 =	vor.u32 $0x1802, v0;
	v15 =	vor.u32 $0x1803, v0;
	v16 =	vor.u32 $0x2000, v0;
	s12 =	sadd.s32 s15, s25;
	s0 =	sadd.s32 s14, s0;
	[dreg:$0x5] =	wrdreg s22  }
0x13: {  	v17 =	vor.u32 $0x2001, v0;
	v18 =	vor.u32 $0x2002, v0;
	v19 =	vor.u32 $0x2003, v0;
	s8 =	sadd.s32 s2, s7;
	s7 =	sadd.s32 s2, s6;
	[dreg:$0x6] =	wrdreg s23  }
0x14: {  	v20 =	vor.u32 $0x2800, v0;
	v21 =	vor.u32 $0x2801, v0;
	v22 =	vor.u32 $0x2802, v0;
	s25 =	simm.s32 $0xF680;
	s2 =	simm.s32 $0x13F80;
	[dreg:$0x7] =	wrdreg s24  }
0x15: {  	v23 =	vor.u32 $0x2803, v0;
	v24 =	vor.u32 $0x3000, v0;
	v25 =	vor.u32 $0x3001, v0;
	s6 =	simm.s32 $0x0;
	[dreg:$0x8] =	wrdreg s3;
	s14 =	sadd.s32 s15, s0  }
0x16: {  	v26 =	vor.u32 $0x3002, v0;
	v27 =	vor.u32 $0x3003, v0;
	v28 =	vor.u32 $0x3800, v0;
	s21 =	simm.s32 $0x7680;
	s22 =	simm.s32 $0xB680;
	s23 =	simm.s32 $0x1  }
0x17: {  	v29 =	vor.u32 $0x3801, v0;
	v30 =	vor.u32 $0x3802, v0;
	v31 =	vor.u32 $0x3803, v0;
	s24 =	simm.s32 $0x2;
	s0 =	simm.s32 $0x13780;
	s3 =	simm.s32 $0x14780  }
.LBB2_1:
0x18: {  	s9 =	rddreg [dreg:$0x2]  }
0x19: {  	[tilespmem:s4], [sflag:$0x5] =	stream.linear.gather [hbm4b:s9+s4], $0x7580, $0x38;
	[tilespmem:$0x14F80] =	vst v63  }
0x1a: {  	_ =	swait.ge [sflag:s17], $0x7580  }
0x1b: {  	s16 =	smov.u32 s7;
	[sflag:s17] =	ssyncset.done $0x0  }
0x1c: {  	s15 =	smov.u32 s8;
	s9 =	simm.s32 $0x0;
	[sflag:s17] =	ssyncadd.s32 $0xFFFF8A80  }
.LBB2_2:
0x1d: {  	[tilespmem:s18], [sflag:$0x5] =	stream.linear.gather [hbm4b:s16+s4], $0x80, $0x38;
	[tilespmem:$0x14F80] =	vst v63  }
0x1e: {  	_ =	swait.ge [sflag:s17], $0x80  }
0x1f: {  	[sflag:s17] =	ssyncset.done $0x0  }
0x20: {  	[sflag:s17] =	ssyncadd.s32 $0xFFFFFF80  }
0x21: {  	[tilespmem:s19], [sflag:$0x5] =	stream.linear.gather [hbm4b:s15+s4], $0x80, $0x38;
	[tilespmem:$0x14F80] =	vst v63  }
0x22: {  	_ =	swait.ge [sflag:s17], $0x80  }
0x23: {  	[sflag:s17] =	ssyncset.done $0x0  }
0x24: {  	[sflag:s17] =	ssyncadd.s32 $0xFFFFFF80  }
0x25: {  	[tilespmem:s21], [sflag:$0x1] =	stream.indirect.gather [hbm4b:s1+s20], $0x80, s18, s20, $0xb8;
	[tilespmem:$0x14F80] =	vst v63  }
0x26: {  	_ = 	snop  }
0x27: {  	[tilespmem:s22], [sflag:$0x2] =	stream.indirect.gather [hbm4b:s5+s20], $0x80, s19, s20, $0xb8;
	[tilespmem:$0x14F80] =	vst v63  }
0x28: {  	_ =	swait.ge [sflag:s23], $0x4000  }
0x29: {  	[sflag:s23] =	ssyncset.done $0x0  }
0x2a: {  	s10 =	sadd.s32 s9, s12;
	[sflag:s23] =	ssyncadd.s32 $0xFFFFC000  }
0x2b: {  	[hbm4b:s10+s4] =	stream.linear.scatter [tilespmem:s21], [sflag:$0x3], $0x4000, $0x38;
	[tilespmem:$0x14F80] =	vst v63  }
0x2c: {  	_ =	swait.ge [sflag:s24], $0x4000  }
0x2d: {  	[sflag:s24] =	ssyncset.done $0x0  }
0x2e: {  	s10 =	sadd.s32 s9, s13;
	[sflag:s24] =	ssyncadd.s32 $0xFFFFC000  }
0x2f: {  	[hbm4b:s10+s4] =	stream.linear.scatter [tilespmem:s22], [sflag:$0x4], $0x4000, $0x38;
	[tilespmem:$0x14F80] =	vst v63  }
0x30: {  	v32 =	vld [tilespmem:$0x7580]  }
0x31: {  	v33 =	vld [tilespmem:$0x7600];
	_ =	sdelay $0x3  }
0x32: {  	v32 =	vmul.u32 $0x3, v32  }
0x33: {  	v33 =	vmul.u32 $0x3, v33;
	_ =	sdelay $0x4  }
0x34: {  	v34 =	vld.idx.msk [tilespmem:v32+s4+$0x0], $0xffff  }
0x35: {  	v35 =	vld.idx.msk [tilespmem:v33+s4+$0x0], $0xffff;
	_ =	sdelay $0x2  }
0x36: {  	v36 =	vadd.s32 $0x1, v32  }
0x37: {  	v37 =	vadd.s32 $0x1, v33  }
0x38: {  	v34 =	vsub.f32 v34, v35;
	_ =	sdelay $0x1  }
0x39: {  	[tilespmem:v0+s25+$0x0] =	vst.idx.msk $0xffff, v34  }
0x3a: {  	v54 =	vld.idx.msk [tilespmem:v36+s4+$0x0], $0xffff  }
0x3b: {  	v55 =	vld.idx.msk [tilespmem:v37+s4+$0x0], $0xffff;
	_ =	sdelay $0x2  }
0x3c: {  	v32 =	vadd.s32 $0x2, v32  }
0x3d: {  	v33 =	vadd.s32 $0x2, v33  }
0x3e: {  	v35 =	vsub.f32 v54, v55;
	_ =	sdelay $0x1  }
0x3f: {  	[tilespmem:v1+s25+$0x0] =	vst.idx.msk $0xffff, v35  }
0x40: {  	v32 =	vld.idx.msk [tilespmem:v32+s4+$0x0], $0xffff  }
0x41: {  	v33 =	vld.idx.msk [tilespmem:v33+s4+$0x0], $0xffff;
	_ =	sdelay $0x4  }
0x42: {  	v34 =	vmul.f32 v34, v34;
	v35 =	vmul.f32 v35, v35;
	v32 =	vsub.f32 v32, v33;
	_ =	sdelay $0x1  }
0x43: {  	v56 =	vadd.f32 v35, v34;
	v57 =	vmul.f32 v32, v32;
	_ =	sdelay $0x1  }
0x44: {  	v33 =	vadd.f32 v57, v56  }
0x45: {  	[tilespmem:v2+s25+$0x0] =	vst.idx.msk $0xffff, v32  }
0x46: {  	[tilespmem:v3+s25+$0x0] =	vst.idx.msk $0xffff, v33  }
0x47: {  	v32 =	vld [tilespmem:$0x7590]  }
0x48: {  	v33 =	vld [tilespmem:$0x7610];
	_ =	sdelay $0x3  }
0x49: {  	v32 =	vmul.u32 $0x3, v32  }
0x4a: {  	v33 =	vmul.u32 $0x3, v33;
	_ =	sdelay $0x4  }
0x4b: {  	v58 =	vld.idx.msk [tilespmem:v32+s4+$0x0], $0xffff  }
0x4c: {  	v59 =	vld.idx.msk [tilespmem:v33+s4+$0x0], $0xffff;
	_ =	sdelay $0x2  }
0x4d: {  	v60 =	vadd.s32 $0x1, v32  }
0x4e: {  	v61 =	vadd.s32 $0x1, v33  }
0x4f: {  	v34 =	vsub.f32 v58, v59;
	_ =	sdelay $0x1  }
0x50: {  	[tilespmem:v4+s25+$0x0] =	vst.idx.msk $0xffff, v34  }
0x51: {  	v62 =	vld.idx.msk [tilespmem:v60+s4+$0x0], $0xffff  }
0x52: {  	v63 =	vld.idx.msk [tilespmem:v61+s4+$0x0], $0xffff;
	_ =	sdelay $0x2  }
0x53: {  	v32 =	vadd.s32 $0x2, v32  }
0x54: {  	v33 =	vadd.s32 $0x2, v33  }
0x55: {  	v35 =	vsub.f32 v62, v63;
	_ =	sdelay $0x1  }
0x56: {  	[tilespmem:v5+s25+$0x0] =	vst.idx.msk $0xffff, v35  }
0x57: {  	v32 =	vld.idx.msk [tilespmem:v32+s4+$0x0], $0xffff  }
0x58: {  	v33 =	vld.idx.msk [tilespmem:v33+s4+$0x0], $0xffff;
	_ =	sdelay $0x4  }
0x59: {  	v34 =	vmul.f32 v34, v34;
	v35 =	vmul.f32 v35, v35;
	v32 =	vsub.f32 v32, v33;
	_ =	sdelay $0x1  }
0x5a: {  	v40 =	vadd.f32 v35, v34;
	v41 =	vmul.f32 v32, v32;
	_ =	sdelay $0x1  }
0x5b: {  	v33 =	vadd.f32 v41, v40  }
0x5c: {  	[tilespmem:v6+s25+$0x0] =	vst.idx.msk $0xffff, v32  }
0x5d: {  	[tilespmem:v7+s25+$0x0] =	vst.idx.msk $0xffff, v33  }
0x5e: {  	v32 =	vld [tilespmem:$0x75A0]  }
0x5f: {  	v33 =	vld [tilespmem:$0x7620];
	_ =	sdelay $0x3  }
0x60: {  	v32 =	vmul.u32 $0x3, v32  }
0x61: {  	v33 =	vmul.u32 $0x3, v33;
	_ =	sdelay $0x4  }
0x62: {  	v42 =	vld.idx.msk [tilespmem:v32+s4+$0x0], $0xffff  }
0x63: {  	v43 =	vld.idx.msk [tilespmem:v33+s4+$0x0], $0xffff;
	_ =	sdelay $0x2  }
0x64: {  	v44 =	vadd.s32 $0x1, v32  }
0x65: {  	v45 =	vadd.s32 $0x1, v33  }
0x66: {  	v34 =	vsub.f32 v42, v43;
	_ =	sdelay $0x1  }
0x67: {  	[tilespmem:v8+s25+$0x0] =	vst.idx.msk $0xffff, v34  }
0x68: {  	v46 =	vld.idx.msk [tilespmem:v44+s4+$0x0], $0xffff  }
0x69: {  	v47 =	vld.idx.msk [tilespmem:v45+s4+$0x0], $0xffff;
	_ =	sdelay $0x2  }
0x6a: {  	v32 =	vadd.s32 $0x2, v32  }
0x6b: {  	v33 =	vadd.s32 $0x2, v33  }
0x6c: {  	v35 =	vsub.f32 v46, v47;
	_ =	sdelay $0x1  }
0x6d: {  	[tilespmem:v9+s25+$0x0] =	vst.idx.msk $0xffff, v35  }
0x6e: {  	v32 =	vld.idx.msk [tilespmem:v32+s4+$0x0], $0xffff  }
0x6f: {  	v33 =	vld.idx.msk [tilespmem:v33+s4+$0x0], $0xffff;
	_ =	sdelay $0x4  }
0x70: {  	v34 =	vmul.f32 v34, v34;
	v35 =	vmul.f32 v35, v35;
	v32 =	vsub.f32 v32, v33;
	_ =	sdelay $0x1  }
0x71: {  	v48 =	vadd.f32 v35, v34;
	v49 =	vmul.f32 v32, v32;
	_ =	sdelay $0x1  }
0x72: {  	v33 =	vadd.f32 v49, v48  }
0x73: {  	[tilespmem:v10+s25+$0x0] =	vst.idx.msk $0xffff, v32  }
0x74: {  	[tilespmem:v11+s25+$0x0] =	vst.idx.msk $0xffff, v33  }
0x75: {  	v32 =	vld [tilespmem:$0x75B0]  }
0x76: {  	v33 =	vld [tilespmem:$0x7630];
	_ =	sdelay $0x3  }
0x77: {  	v32 =	vmul.u32 $0x3, v32  }
0x78: {  	v33 =	vmul.u32 $0x3, v33;
	_ =	sdelay $0x4  }
0x79: {  	v50 =	vld.idx.msk [tilespmem:v32+s4+$0x0], $0xffff  }
0x7a: {  	v51 =	vld.idx.msk [tilespmem:v33+s4+$0x0], $0xffff;
	_ =	sdelay $0x2  }
0x7b: {  	v52 =	vadd.s32 $0x1, v32  }
0x7c: {  	v53 =	vadd.s32 $0x1, v33  }
0x7d: {  	v34 =	vsub.f32 v50, v51;
	_ =	sdelay $0x1  }
0x7e: {  	[tilespmem:v12+s25+$0x0] =	vst.idx.msk $0xffff, v34  }
0x7f: {  	v54 =	vld.idx.msk [tilespmem:v52+s4+$0x0], $0xffff  }
0x80: {  	v55 =	vld.idx.msk [tilespmem:v53+s4+$0x0], $0xffff;
	_ =	sdelay $0x2  }
0x81: {  	v32 =	vadd.s32 $0x2, v32  }
0x82: {  	v33 =	vadd.s32 $0x2, v33  }
0x83: {  	v35 =	vsub.f32 v54, v55;
	_ =	sdelay $0x1  }
0x84: {  	[tilespmem:v13+s25+$0x0] =	vst.idx.msk $0xffff, v35  }
0x85: {  	v32 =	vld.idx.msk [tilespmem:v32+s4+$0x0], $0xffff  }
0x86: {  	v33 =	vld.idx.msk [tilespmem:v33+s4+$0x0], $0xffff;
	_ =	sdelay $0x4  }
0x87: {  	v34 =	vmul.f32 v34, v34;
	v35 =	vmul.f32 v35, v35;
	v32 =	vsub.f32 v32, v33;
	_ =	sdelay $0x1  }
0x88: {  	v56 =	vadd.f32 v35, v34;
	v57 =	vmul.f32 v32, v32;
	_ =	sdelay $0x1  }
0x89: {  	v33 =	vadd.f32 v57, v56  }
0x8a: {  	[tilespmem:v14+s25+$0x0] =	vst.idx.msk $0xffff, v32  }
0x8b: {  	[tilespmem:v15+s25+$0x0] =	vst.idx.msk $0xffff, v33  }
0x8c: {  	v32 =	vld [tilespmem:$0x75C0]  }
0x8d: {  	v33 =	vld [tilespmem:$0x7640];
	_ =	sdelay $0x3  }
0x8e: {  	v32 =	vmul.u32 $0x3, v32  }
0x8f: {  	v33 =	vmul.u32 $0x3, v33;
	_ =	sdelay $0x4  }
0x90: {  	v58 =	vld.idx.msk [tilespmem:v32+s4+$0x0], $0xffff  }
0x91: {  	v59 =	vld.idx.msk [tilespmem:v33+s4+$0x0], $0xffff;
	_ =	sdelay $0x2  }
0x92: {  	v60 =	vadd.s32 $0x1, v32  }
0x93: {  	v61 =	vadd.s32 $0x1, v33  }
0x94: {  	v34 =	vsub.f32 v58, v59;
	_ =	sdelay $0x1  }
0x95: {  	[tilespmem:v16+s25+$0x0] =	vst.idx.msk $0xffff, v34  }
0x96: {  	v62 =	vld.idx.msk [tilespmem:v60+s4+$0x0], $0xffff  }
0x97: {  	v63 =	vld.idx.msk [tilespmem:v61+s4+$0x0], $0xffff;
	_ =	sdelay $0x2  }
0x98: {  	v32 =	vadd.s32 $0x2, v32  }
0x99: {  	v33 =	vadd.s32 $0x2, v33  }
0x9a: {  	v35 =	vsub.f32 v62, v63;
	_ =	sdelay $0x1  }
0x9b: {  	[tilespmem:v17+s25+$0x0] =	vst.idx.msk $0xffff, v35  }
0x9c: {  	v32 =	vld.idx.msk [tilespmem:v32+s4+$0x0], $0xffff  }
0x9d: {  	v33 =	vld.idx.msk [tilespmem:v33+s4+$0x0], $0xffff;
	_ =	sdelay $0x4  }
0x9e: {  	v34 =	vmul.f32 v34, v34;
	v35 =	vmul.f32 v35, v35;
	v32 =	vsub.f32 v32, v33;
	_ =	sdelay $0x1  }
0x9f: {  	v38 =	vadd.f32 v35, v34;
	v39 =	vmul.f32 v32, v32;
	_ =	sdelay $0x1  }
0xa0: {  	v33 =	vadd.f32 v39, v38  }
0xa1: {  	[tilespmem:v18+s25+$0x0] =	vst.idx.msk $0xffff, v32  }
0xa2: {  	[tilespmem:v19+s25+$0x0] =	vst.idx.msk $0xffff, v33  }
0xa3: {  	v32 =	vld [tilespmem:$0x75D0]  }
0xa4: {  	v33 =	vld [tilespmem:$0x7650];
	_ =	sdelay $0x3  }
0xa5: {  	v32 =	vmul.u32 $0x3, v32  }
0xa6: {  	v33 =	vmul.u32 $0x3, v33;
	_ =	sdelay $0x4  }
0xa7: {  	v40 =	vld.idx.msk [tilespmem:v32+s4+$0x0], $0xffff  }
0xa8: {  	v41 =	vld.idx.msk [tilespmem:v33+s4+$0x0], $0xffff;
	_ =	sdelay $0x2  }
0xa9: {  	v42 =	vadd.s32 $0x1, v32  }
0xaa: {  	v43 =	vadd.s32 $0x1, v33  }
0xab: {  	v34 =	vsub.f32 v40, v41;
	_ =	sdelay $0x1  }
0xac: {  	[tilespmem:v20+s25+$0x0] =	vst.idx.msk $0xffff, v34  }
0xad: {  	v44 =	vld.idx.msk [tilespmem:v42+s4+$0x0], $0xffff  }
0xae: {  	v45 =	vld.idx.msk [tilespmem:v43+s4+$0x0], $0xffff;
	_ =	sdelay $0x2  }
0xaf: {  	v32 =	vadd.s32 $0x2, v32  }
0xb0: {  	v33 =	vadd.s32 $0x2, v33  }
0xb1: {  	v35 =	vsub.f32 v44, v45;
	_ =	sdelay $0x1  }
0xb2: {  	[tilespmem:v21+s25+$0x0] =	vst.idx.msk $0xffff, v35  }
0xb3: {  	v32 =	vld.idx.msk [tilespmem:v32+s4+$0x0], $0xffff  }
0xb4: {  	v33 =	vld.idx.msk [tilespmem:v33+s4+$0x0], $0xffff;
	_ =	sdelay $0x4  }
0xb5: {  	v34 =	vmul.f32 v34, v34;
	v35 =	vmul.f32 v35, v35;
	v32 =	vsub.f32 v32, v33;
	_ =	sdelay $0x1  }
0xb6: {  	v46 =	vadd.f32 v35, v34;
	v47 =	vmul.f32 v32, v32;
	_ =	sdelay $0x1  }
0xb7: {  	v33 =	vadd.f32 v47, v46  }
0xb8: {  	[tilespmem:v22+s25+$0x0] =	vst.idx.msk $0xffff, v32  }
0xb9: {  	[tilespmem:v23+s25+$0x0] =	vst.idx.msk $0xffff, v33  }
0xba: {  	v32 =	vld [tilespmem:$0x75E0]  }
0xbb: {  	v33 =	vld [tilespmem:$0x7660];
	_ =	sdelay $0x3  }
0xbc: {  	v32 =	vmul.u32 $0x3, v32  }
0xbd: {  	v33 =	vmul.u32 $0x3, v33;
	_ =	sdelay $0x4  }
0xbe: {  	v48 =	vld.idx.msk [tilespmem:v32+s4+$0x0], $0xffff  }
0xbf: {  	v49 =	vld.idx.msk [tilespmem:v33+s4+$0x0], $0xffff;
	_ =	sdelay $0x2  }
0xc0: {  	v50 =	vadd.s32 $0x1, v32  }
0xc1: {  	v51 =	vadd.s32 $0x1, v33  }
0xc2: {  	v34 =	vsub.f32 v48, v49;
	_ =	sdelay $0x1  }
0xc3: {  	[tilespmem:v24+s25+$0x0] =	vst.idx.msk $0xffff, v34  }
0xc4: {  	v52 =	vld.idx.msk [tilespmem:v50+s4+$0x0], $0xffff  }
0xc5: {  	v53 =	vld.idx.msk [tilespmem:v51+s4+$0x0], $0xffff;
	_ =	sdelay $0x2  }
0xc6: {  	v32 =	vadd.s32 $0x2, v32  }
0xc7: {  	v33 =	vadd.s32 $0x2, v33  }
0xc8: {  	v35 =	vsub.f32 v52, v53;
	_ =	sdelay $0x1  }
0xc9: {  	[tilespmem:v25+s25+$0x0] =	vst.idx.msk $0xffff, v35  }
0xca: {  	v32 =	vld.idx.msk [tilespmem:v32+s4+$0x0], $0xffff  }
0xcb: {  	v33 =	vld.idx.msk [tilespmem:v33+s4+$0x0], $0xffff;
	_ =	sdelay $0x4  }
0xcc: {  	v34 =	vmul.f32 v34, v34;
	v35 =	vmul.f32 v35, v35;
	v32 =	vsub.f32 v32, v33;
	_ =	sdelay $0x1  }
0xcd: {  	v54 =	vadd.f32 v35, v34;
	v55 =	vmul.f32 v32, v32;
	_ =	sdelay $0x1  }
0xce: {  	v33 =	vadd.f32 v55, v54  }
0xcf: {  	[tilespmem:v26+s25+$0x0] =	vst.idx.msk $0xffff, v32  }
0xd0: {  	[tilespmem:v27+s25+$0x0] =	vst.idx.msk $0xffff, v33  }
0xd1: {  	v32 =	vld [tilespmem:$0x75F0]  }
0xd2: {  	v33 =	vld [tilespmem:$0x7670];
	_ =	sdelay $0x3  }
0xd3: {  	v32 =	vmul.u32 $0x3, v32  }
0xd4: {  	v33 =	vmul.u32 $0x3, v33;
	_ =	sdelay $0x4  }
0xd5: {  	v56 =	vld.idx.msk [tilespmem:v32+s4+$0x0], $0xffff  }
0xd6: {  	v57 =	vld.idx.msk [tilespmem:v33+s4+$0x0], $0xffff;
	_ =	sdelay $0x2  }
0xd7: {  	v58 =	vadd.s32 $0x1, v32  }
0xd8: {  	v59 =	vadd.s32 $0x1, v33  }
0xd9: {  	v34 =	vsub.f32 v56, v57;
	_ =	sdelay $0x1  }
0xda: {  	[tilespmem:v28+s25+$0x0] =	vst.idx.msk $0xffff, v34  }
0xdb: {  	v60 =	vld.idx.msk [tilespmem:v58+s4+$0x0], $0xffff  }
0xdc: {  	v61 =	vld.idx.msk [tilespmem:v59+s4+$0x0], $0xffff;
	_ =	sdelay $0x2  }
0xdd: {  	v32 =	vadd.s32 $0x2, v32  }
0xde: {  	v33 =	vadd.s32 $0x2, v33  }
0xdf: {  	v35 =	vsub.f32 v60, v61;
	_ =	sdelay $0x1  }
0xe0: {  	[tilespmem:v29+s25+$0x0] =	vst.idx.msk $0xffff, v35  }
0xe1: {  	v32 =	vld.idx.msk [tilespmem:v32+s4+$0x0], $0xffff  }
0xe2: {  	v33 =	vld.idx.msk [tilespmem:v33+s4+$0x0], $0xffff;
	_ =	sdelay $0x4  }
0xe3: {  	v34 =	vmul.f32 v34, v34;
	v35 =	vmul.f32 v35, v35;
	v32 =	vsub.f32 v32, v33;
	_ =	sdelay $0x1  }
0xe4: {  	v62 =	vadd.f32 v35, v34;
	v63 =	vmul.f32 v32, v32;
	_ =	sdelay $0x1  }
0xe5: {  	v33 =	vadd.f32 v63, v62  }
0xe6: {  	[tilespmem:v30+s25+$0x0] =	vst.idx.msk $0xffff, v32  }
0xe7: {  	s10 =	sadd.s32 s9, s14;
	[tilespmem:v31+s25+$0x0] =	vst.idx.msk $0xffff, v33  }
0xe8: {  	[hbm4b:s10+s4] =	stream.linear.scatter [tilespmem:s25], [sflag:$0x5], $0x4000, $0x38;
	[tilespmem:$0x14F80] =	vst v63  }
0xe9: {  	_ =	swait.ge [sflag:s17], $0x4000  }
0xea: {  	[sflag:s17] =	ssyncset.done $0x0  }
0xeb: {  	[sflag:s17] =	ssyncadd.s32 $0xFFFFC000  }
0xec: {  	p0 =	sne.s32 s9, $0x26800;
	_ =	swait.ge [sflag:s26], $0x4000  }
.Ltmp0:
0xed: {  	[sflag:s26] =	ssyncset.done $0x0;
	(pc) =	sbr.rel @p0 .LBB2_2-.Ltmp0, $4  }
0xee: {  	[sflag:s26] =	ssyncadd.s32 $0xFFFFC000  }
0xef: {  	_ =	swait.ge [sflag:s28], $0x4000  }
0xf0: {  	s16 =	sadd.s32 $0x10, s16;
	[sflag:s28] =	ssyncset.done $0x0  }
0xf1: {  	s15 =	sadd.s32 $0x10, s15;
	s9 =	sadd.s32 $0x800, s9;
	[sflag:s28] =	ssyncadd.s32 $0xFFFFC000  }
0xf2: {  	s9 =	rddreg [dreg:$0x4]  }
0xf3: {  	[tilespmem:s29], [sflag:$0x5] =	stream.linear.gather [hbm4b:s9+s4], $0x10, $0x38;
	[tilespmem:$0x14F80] =	vst v63  }
0xf4: {  	_ =	swait.ge [sflag:s17], $0x10  }
0xf5: {  	[sflag:s17] =	ssyncset.done $0x0  }
0xf6: {  	s16 =	rddreg [dreg:$0x5];
	[sflag:s17] =	ssyncadd.s32 $0xFFFFFFF0  }
0xf7: {  	[tilespmem:s30], [sflag:$0x5] =	stream.linear.gather [hbm4b:s16+s4], $0x10, $0x38;
	[tilespmem:$0x14F80] =	vst v63  }
0xf8: {  	_ =	swait.ge [sflag:s17], $0x10  }
0xf9: {  	[sflag:s17] =	ssyncset.done $0x0  }
0xfa: {  	[sflag:s17] =	ssyncadd.s32 $0xFFFFFFF0  }
0xfb: {  	[tilespmem:s0], [sflag:$0x1] =	stream.indirect.gather [hbm4b:s1+s31], $0x80, s29, s31, $0xb8;
	[tilespmem:$0x14F80] =	vst v63  }
0xfc: {  	_ = 	snop  }
0xfd: {  	[tilespmem:s2], [sflag:$0x2] =	stream.indirect.gather [hbm4b:s5+s31], $0x80, s30, s31, $0xb8;
	[tilespmem:$0x14F80] =	vst v63  }
0xfe: {  	_ =	swait.ge [sflag:s23], $0x800  }
0xff: {  	[sflag:s23] =	ssyncset.done $0x0  }
0x100: {  	s10 =	rddreg [dreg:$0x6];
	[sflag:s23] =	ssyncadd.s32 $0xFFFFF800  }
0x101: {  	[hbm4b:s10+s4] =	stream.linear.scatter [tilespmem:s0], [sflag:$0x3], $0x800, $0x38;
	[tilespmem:$0x14F80] =	vst v63  }
0x102: {  	_ =	swait.ge [sflag:s24], $0x800  }
0x103: {  	[sflag:s24] =	ssyncset.done $0x0  }
0x104: {  	s15 =	rddreg [dreg:$0x7];
	[sflag:s24] =	ssyncadd.s32 $0xFFFFF800  }
0x105: {  	[hbm4b:s15+s4] =	stream.linear.scatter [tilespmem:s2], [sflag:$0x4], $0x800, $0x38;
	[tilespmem:$0x14F80] =	vst v63  }
0x106: {  	v32 =	vld [tilespmem:$0x13680]  }
0x107: {  	v33 =	vld [tilespmem:$0x13700];
	_ =	sdelay $0x3  }
0x108: {  	v32 =	vmul.u32 $0x3, v32  }
0x109: {  	v33 =	vmul.u32 $0x3, v33;
	_ =	sdelay $0x4  }
0x10a: {  	v34 =	vld.idx.msk [tilespmem:v32+s4+$0x0], $0xffff  }
0x10b: {  	v35 =	vld.idx.msk [tilespmem:v33+s4+$0x0], $0xffff;
	_ =	sdelay $0x2  }
0x10c: {  	v36 =	vadd.s32 $0x1, v32  }
0x10d: {  	v37 =	vadd.s32 $0x1, v33  }
0x10e: {  	v34 =	vsub.f32 v34, v35;
	_ =	sdelay $0x1  }
0x10f: {  	[tilespmem:v0+s3+$0x0] =	vst.idx.msk $0xffff, v34  }
0x110: {  	v60 =	vld.idx.msk [tilespmem:v36+s4+$0x0], $0xffff  }
0x111: {  	v61 =	vld.idx.msk [tilespmem:v37+s4+$0x0], $0xffff;
	_ =	sdelay $0x2  }
0x112: {  	v32 =	vadd.s32 $0x2, v32  }
0x113: {  	v33 =	vadd.s32 $0x2, v33  }
0x114: {  	v35 =	vsub.f32 v60, v61;
	_ =	sdelay $0x1  }
0x115: {  	[tilespmem:v1+s3+$0x0] =	vst.idx.msk $0xffff, v35  }
0x116: {  	v32 =	vld.idx.msk [tilespmem:v32+s4+$0x0], $0xffff  }
0x117: {  	v33 =	vld.idx.msk [tilespmem:v33+s4+$0x0], $0xffff;
	_ =	sdelay $0x4  }
0x118: {  	v34 =	vmul.f32 v34, v34;
	v35 =	vmul.f32 v35, v35;
	v32 =	vsub.f32 v32, v33;
	_ =	sdelay $0x1  }
0x119: {  	v62 =	vadd.f32 v35, v34;
	v63 =	vmul.f32 v32, v32;
	_ =	sdelay $0x1  }
0x11a: {  	v33 =	vadd.f32 v63, v62  }
0x11b: {  	[tilespmem:v2+s3+$0x0] =	vst.idx.msk $0xffff, v32  }
0x11c: {  	s16 =	rddreg [dreg:$0x8];
	[tilespmem:v3+s3+$0x0] =	vst.idx.msk $0xffff, v33  }
0x11d: {  	[hbm4b:s16+s4] =	stream.linear.scatter [tilespmem:s3], [sflag:$0x5], $0x800, $0x38;
	[tilespmem:$0x14F80] =	vst v63  }
0x11e: {  	_ =	swait.ge [sflag:s17], $0x800  }
0x11f: {  	[sflag:s17] =	ssyncset.done $0x0  }
0x120: {  	s6 =	sadd.s32 $0x1, s6;
	[sflag:s17] =	ssyncadd.s32 $0xFFFFF800  }
0x121: {  	p0 =	sne.s32 s6, s11;
	_ =	swait.ge [sflag:s26], $0x800  }
.Ltmp1:
0x122: {  	[sflag:s26] =	ssyncset.done $0x0;
	(pc) =	sbr.rel @p0 .LBB2_1-.Ltmp1, $4  }
0x123: {  	[sflag:s26] =	ssyncadd.s32 $0xFFFFF800  }
0x124: {  	_ =	swait.ge [sflag:s28], $0x800  }
0x125: {  	[sflag:s28] =	ssyncset.done $0x0  }
0x126: {  	[sflag:s28] =	ssyncadd.s32 $0xFFFFF800  }
0x127: {  	_ =	sfence.sel $0x180000  }
0x128: {  	[bflag:$0x0] =	sbarrier.arrive $0xFFFF  }
0x129: {  	_ =	strace $0x90000047  }
0x12a: {  	s0 =	stileid.u32;
	[bflag:$0x2] =	sbarrier.arrive $0xFFFF  }
0x12b: {  	p0 =	sne.s32 s0, $0x0;
	s0 =	rddreg [dreg:$0x3]  }
0x12c: {  	s0 =	sadd.s32 @!p0 $0x100000, s0  }
0x12d: {  	[sflag:s0] =	ssyncadd.tile.s32 @!p0 $0x1;
	_ =	shalt  }
.Lfunc_end2:
_tile_overlayer_lowered:
.L_overlay_start_2:
0x12e: {  	(tag) =	ssettag $0x2  }
0x12f: {  	s0 =	rddreg [dreg:$0x0];
	s2 =	stileid.u32  }
0x130: {  	s1 =	rddreg [dreg:$0x1];
	p0 =	sne.s32 s2, $0x0  }
0x131: {  	s3 =	rddreg [dreg:$0x2];
	[bflag:$0x3] =	sbarrier.arrive $0xFFFF;
	s2 =	simm.s32 @!p0 $0x1C05  }
0x132: {  	[timem:s3], [sflag:s2] =	dma.local @!p0 [hbm:s0], s1  }
0x133: {  	s0 =	simm.s32 @!p0 $0x5  }
0x134: {  	_ =	swait.ge @!p0 [sflag:s0], s1  }
0x135: {  	s1 =	ssub.s32 @!p0 $0x0, s1;
	[sflag:s0] =	ssyncset.done @!p0 $0x0  }
0x136: {  	[sflag:s0] =	ssyncadd.s32 @!p0 s1  }
0x137: {  	[bflag:$0x3] =	sbarrier.arrive $0xFFFF  }
0x138: {  	_ =	shalt  }

</sc_bundles>
